<compile_context>
chip_gen: v7x
topology: tpu7x:2x2x1
jax: 0.10.2.dev20260603
libtpu: 0.0.44.dev20260713+nightly
codegen_flags: <defaults>
</compile_context>

<pallas_src>
import jax
import jax.numpy as jnp
from jax.experimental import pallas as pl

K = 2
TAU = 0.35
ALPHA_SELFLOOP = 0.5
EPS = 1e-06
LAMBDA_FUSE = 0.05

_M = 10
_CV = 100


def _taglayer_body(x_ref, lam_ref, o_ref):
    B = x_ref.shape[-1]
    f32 = jnp.float32

    cen = []
    mag = []
    cen_d = [[], [], []]
    for m in range(_M):
        g = x_ref[m][0:75, :]
        mag.append(jnp.sum(jnp.abs(g), axis=0))
        for d in range(3):
            cen_d[d].append(jnp.mean(g[d * 25:(d + 1) * 25, :], axis=0))
    presf = (jnp.stack(mag, axis=0).astype(f32) > EPS).astype(f32)

    dsq = jnp.zeros((_M, _M, B), dtype=f32)
    for d in range(3):
        cd = jnp.stack(cen_d[d], axis=0).astype(f32)
        diff = cd[:, None, :] - cd[None, :, :]
        dsq = dsq + diff * diff
    dist = jnp.sqrt(jnp.clip(dsq, 1e-12, None))
    pair_ok = presf[:, None, :] * presf[None, :, :] > 0
    dist = jnp.where(pair_ok, dist, 1000000.0)
    ii = jax.lax.broadcasted_iota(jnp.int32, (_M, _M, B), 0)
    jj = jax.lax.broadcasted_iota(jnp.int32, (_M, _M, B), 1)
    eye3 = (ii == jj).astype(f32)
    dist = dist + eye3 * 1000000.0

    d1 = dist[0]
    i1 = jnp.zeros((_M, B), dtype=jnp.int32)
    for j in range(1, _M):
        dj = dist[j]
        take = dj < d1
        d1 = jnp.where(take, dj, d1)
        i1 = jnp.where(take, j, i1)
    big = jnp.float32(3.0e38)
    d2 = jnp.where(i1 == 0, big, dist[0])
    i2 = jnp.zeros((_M, B), dtype=jnp.int32)
    for j in range(1, _M):
        dj = dist[j]
        take = jnp.logical_and(i1 != j, dj < d2)
        d2 = jnp.where(take, dj, d2)
        i2 = jnp.where(take, j, i2)

    w1 = jnp.exp(-d1 / TAU)
    w2 = jnp.exp(-d2 / TAU)
    s = w1 + w2 + 1e-06
    w1 = w1 / s
    w2 = w2 / s
    cols = []
    for j in range(_M):
        cols.append(w1 * (i1 == j).astype(f32) + w2 * (i2 == j).astype(f32))
    adjT = jnp.stack(cols, axis=0)

    adjT = 0.5 * (adjT + jnp.transpose(adjT, (1, 0, 2)))
    adjT = adjT + ALPHA_SELFLOOP * eye3
    rs = jnp.sum(adjT, axis=0)
    adjT = adjT / (rs + 1e-06)[None, :, :]
    deg = jnp.clip(jnp.sum(adjT, axis=0), 1e-06, None)
    dinv = jax.lax.rsqrt(deg)
    dinv_j = dinv[:, None, :]
    adjT = adjT * dinv[None, :, :] * dinv_j

    lamb = lam_ref[0, 0].astype(jnp.bfloat16)
    adjb = adjT.astype(jnp.bfloat16)
    for i in range(_M):
        acc = None
        for j in range(_M):
            t = adjb[j, i:i + 1, :] * x_ref[j]
            acc = t if acc is None else acc + t
        o_ref[i] = x_ref[i] + lamb * acc


def kernel(x, lam):
    N, C, T, V, M = x.shape
    NT = N * T
    B = 384
    xt = jnp.transpose(x.astype(jnp.bfloat16), (4, 1, 3, 0, 2))
    xt = xt.reshape(M, C * V, NT)
    lam2 = jnp.asarray(lam, jnp.float32).reshape(1, 1)
    out3 = pl.pallas_call(
        _taglayer_body,
        grid=(NT // B,),
        in_specs=[
            pl.BlockSpec((M, C * V, B), lambda i: (0, 0, i)),
            pl.BlockSpec((1, 1), lambda i: (0, 0)),
        ],
        out_specs=pl.BlockSpec((M, C * V, B), lambda i: (0, 0, i)),
        out_shape=jax.ShapeDtypeStruct((M, C * V, NT), jnp.bfloat16),
    )(xt, lam2)
    out = out3.reshape(M, C, V, N, T).transpose(3, 1, 4, 2, 0)
    return out.astype(jnp.float32)

# --- scband reference (transcript-rebuilt; emitter-appended) ---
"""Pipeline reference for scband-taglayer-39788577030286 (READ-ONLY COPY).

The authoritative reference and input builder live on the scoring server;
editing this copy changes nothing except your own understanding.
"""

import jax, jax.numpy as jnp
import numpy as np

K = 2
TAU = 0.35
ALPHA_SELFLOOP = 0.5
EPS = 1e-06
LAMBDA_FUSE = 0.05


def setup_inputs(seed: int = 0) -> dict:
    key = jax.random.key(seed)
    k1, k2 = jax.random.split(key)
    x = jax.random.normal(k1, (64, 4, 300, 25, 10), dtype=jnp.float32)
    lam = jnp.asarray(LAMBDA_FUSE, dtype=jnp.float32)  # learnable lambda_fuse parameter
    return {"x": x, "lam": lam}


def _sym_normalize(adj, eps=1e-06):
    deg = jnp.clip(adj.sum(-1), eps, None)
    d_inv_sqrt = deg ** -0.5
    return d_inv_sqrt[..., :, None] * adj * d_inv_sqrt[..., None, :]


def _adj_knn(pos, present):
    # pos: (N,T,M,3), present: (N,T,M) bool
    N, T, M, _ = pos.shape
    pd = jax.lax.stop_gradient(pos)  # detach_adj=True
    diff = pd[..., :, None, :] - pd[..., None, :, :]
    dist = jnp.sqrt(jnp.clip((diff ** 2).sum(-1), 1e-12, None))  # cdist p=2
    big = jnp.full_like(dist, 1000000.0)
    pres_row = present[..., :, None].astype(jnp.float32)
    pres_col = present[..., None, :].astype(jnp.float32)
    dist = jnp.where(pres_row * pres_col > 0, dist, big)
    eye = jnp.eye(M, dtype=dist.dtype).reshape(1, 1, M, M)
    dist = dist + eye * 1000000.0
    k = min(K, max(0, M - 1))
    neg_vals, idx = jax.lax.top_k(-dist, k)  # smallest-k distances
    gather_dist = -neg_vals
    w = jnp.exp(-gather_dist / TAU)
    w = w / (w.sum(-1, keepdims=True) + 1e-06)
    onehot = jax.nn.one_hot(idx, M, dtype=w.dtype)  # (N,T,M,k,M)
    adj = (w[..., None] * onehot).sum(axis=-2)  # scatter along last dim
    adj = 0.5 * (adj + jnp.swapaxes(adj, -1, -2))
    # self loop
    adj = adj + ALPHA_SELFLOOP * eye
    adj = adj / (adj.sum(-1, keepdims=True) + 1e-06)
    # norm='sym'
    adj = _sym_normalize(adj)
    return adj


def reference(x, lam):
    # x: (N,C,T,V,M)
    coords_xyz = x[:, :3, :, :, :]
    mag = jnp.abs(coords_xyz).sum(axis=1).sum(axis=2)  # (N,T,M)
    present = mag > EPS
    centers = coords_xyz.mean(axis=3)  # (N,3,T,M)
    centers = jnp.transpose(centers, (0, 2, 3, 1))  # (N,T,M,3)
    A = _adj_knn(centers, present)  # (N,T,M,M)
    x_ntvcm = jnp.transpose(x, (0, 2, 3, 1, 4))  # (N,T,V,C,M)
    y_ntvci = jnp.einsum('ntij,ntvcj->ntvci', A, x_ntvcm)
    y = jnp.transpose(y_ntvci, (0, 3, 1, 2, 4))  # (N,C,T,V,M)
    out = x + lam * y
    return out

if __name__ == "__main__":
    import jax
    _d = setup_inputs()
    print(jax.jit(kernel)(*tuple(_d.values())))

</pallas_src>

<mosaic_0001>
module attributes {stable_mosaic.version = 14 : i64} {
  func.func @_taglayer_body(%arg0: i32, %arg1: memref<10x100x384xbf16, #tpu.memory_space<vmem>>, %arg2: memref<1x1xf32, #tpu.memory_space<vmem>>, %arg3: memref<10x100x384xbf16, #tpu.memory_space<vmem>>) attributes {dimension_semantics = [#tpu.dimension_semantics<arbitrary>], iteration_bounds = array<i64: 50>, scalar_prefetch = 0 : i64, scratch_operands = 0 : i64, tpu.core_type = #tpu.core_type<tc>, window_params = [{transform_indices = @transform_0, window_bounds = array<i64: 10, 100, 384>}, {pipeline_mode = #tpu.pipeline_mode<synchronous>, transform_indices = @transform_1, window_bounds = array<i64: 1, 1>}, {transform_indices = @transform_2, window_bounds = array<i64: 10, 100, 384>}]} {
    %get3A = arith.constant 0 : index
    %get3A_0 = arith.constant 0 : index
    %get3A_1 = arith.constant 0 : index
    %get3A_2 = vector.load %arg1[%get3A, %get3A_0, %get3A_1] : memref<10x100x384xbf16, #tpu.memory_space<vmem>>, vector<1x100x384xbf16>
    %get3A_3 = vector.shape_cast %get3A_2 : vector<1x100x384xbf16> to vector<100x384xbf16>
    %slice3A = vector.extract_strided_slice %get3A_3 {offsets = [0, 0], sizes = [75, 384], strides = [1, 1]} : vector<100x384xbf16> to vector<75x384xbf16>
    %abs3A = math.absf %slice3A : vector<75x384xbf16>
    %convert_element_type3A = arith.extf %abs3A : vector<75x384xbf16> to vector<75x384xf32>
    %reduce_sum3A = arith.constant dense<0.000000e+00> : vector<384xf32>
    %reduce_sum3A_4 = vector.multi_reduction <add>, %convert_element_type3A, %reduce_sum3A [0] : vector<75x384xf32> to vector<384xf32>
    %convert_element_type3A_5 = arith.truncf %reduce_sum3A_4 : vector<384xf32> to vector<384xbf16>
    %slice3A_6 = vector.extract_strided_slice %slice3A {offsets = [0, 0], sizes = [25, 384], strides = [1, 1]} : vector<75x384xbf16> to vector<25x384xbf16>
    %convert_element_type3A_7 = arith.extf %slice3A_6 : vector<25x384xbf16> to vector<25x384xf32>
    %reduce_sum3A_8 = arith.constant dense<0.000000e+00> : vector<384xf32>
    %reduce_sum3A_9 = vector.multi_reduction <add>, %convert_element_type3A_7, %reduce_sum3A_8 [0] : vector<25x384xf32> to vector<384xf32>
    %div3A = arith.constant 2.500000e+01 : f32
    %div3A_10 = vector.broadcast %div3A : f32 to vector<384xf32>
    %div3A_11 = arith.divf %reduce_sum3A_9, %div3A_10 : vector<384xf32>
    %convert_element_type3A_12 = arith.truncf %div3A_11 : vector<384xf32> to vector<384xbf16>
    %slice3A_13 = vector.extract_strided_slice %slice3A {offsets = [25, 0], sizes = [25, 384], strides = [1, 1]} : vector<75x384xbf16> to vector<25x384xbf16>
    %convert_element_type3A_14 = arith.extf %slice3A_13 : vector<25x384xbf16> to vector<25x384xf32>
    %reduce_sum3A_15 = arith.constant dense<0.000000e+00> : vector<384xf32>
    %reduce_sum3A_16 = vector.multi_reduction <add>, %convert_element_type3A_14, %reduce_sum3A_15 [0] : vector<25x384xf32> to vector<384xf32>
    %div3A_17 = arith.constant 2.500000e+01 : f32
    %div3A_18 = vector.broadcast %div3A_17 : f32 to vector<384xf32>
    %div3A_19 = arith.divf %reduce_sum3A_16, %div3A_18 : vector<384xf32>
    %convert_element_type3A_20 = arith.truncf %div3A_19 : vector<384xf32> to vector<384xbf16>
    %slice3A_21 = vector.extract_strided_slice %slice3A {offsets = [50, 0], sizes = [25, 384], strides = [1, 1]} : vector<75x384xbf16> to vector<25x384xbf16>
    %convert_element_type3A_22 = arith.extf %slice3A_21 : vector<25x384xbf16> to vector<25x384xf32>
    %reduce_sum3A_23 = arith.constant dense<0.000000e+00> : vector<384xf32>
    %reduce_sum3A_24 = vector.multi_reduction <add>, %convert_element_type3A_22, %reduce_sum3A_23 [0] : vector<25x384xf32> to vector<384xf32>
    %div3A_25 = arith.constant 2.500000e+01 : f32
    %div3A_26 = vector.broadcast %div3A_25 : f32 to vector<384xf32>
    %div3A_27 = arith.divf %reduce_sum3A_24, %div3A_26 : vector<384xf32>
    %convert_element_type3A_28 = arith.truncf %div3A_27 : vector<384xf32> to vector<384xbf16>
    %get3A_29 = arith.constant 1 : index
    %get3A_30 = arith.constant 0 : index
    %get3A_31 = arith.constant 0 : index
    %get3A_32 = vector.load %arg1[%get3A_29, %get3A_30, %get3A_31] : memref<10x100x384xbf16, #tpu.memory_space<vmem>>, vector<1x100x384xbf16>
    %get3A_33 = vector.shape_cast %get3A_32 : vector<1x100x384xbf16> to vector<100x384xbf16>
    %slice3A_34 = vector.extract_strided_slice %get3A_33 {offsets = [0, 0], sizes = [75, 384], strides = [1, 1]} : vector<100x384xbf16> to vector<75x384xbf16>
    %abs3A_35 = math.absf %slice3A_34 : vector<75x384xbf16>
    %convert_element_type3A_36 = arith.extf %abs3A_35 : vector<75x384xbf16> to vector<75x384xf32>
    %reduce_sum3A_37 = arith.constant dense<0.000000e+00> : vector<384xf32>
    %reduce_sum3A_38 = vector.multi_reduction <add>, %convert_element_type3A_36, %reduce_sum3A_37 [0] : vector<75x384xf32> to vector<384xf32>
    %convert_element_type3A_39 = arith.truncf %reduce_sum3A_38 : vector<384xf32> to vector<384xbf16>
    %slice3A_40 = vector.extract_strided_slice %slice3A_34 {offsets = [0, 0], sizes = [25, 384], strides = [1, 1]} : vector<75x384xbf16> to vector<25x384xbf16>
    %convert_element_type3A_41 = arith.extf %slice3A_40 : vector<25x384xbf16> to vector<25x384xf32>
    %reduce_sum3A_42 = arith.constant dense<0.000000e+00> : vector<384xf32>
    %reduce_sum3A_43 = vector.multi_reduction <add>, %convert_element_type3A_41, %reduce_sum3A_42 [0] : vector<25x384xf32> to vector<384xf32>
    %div3A_44 = arith.constant 2.500000e+01 : f32
    %div3A_45 = vector.broadcast %div3A_44 : f32 to vector<384xf32>
    %div3A_46 = arith.divf %reduce_sum3A_43, %div3A_45 : vector<384xf32>
    %convert_element_type3A_47 = arith.truncf %div3A_46 : vector<384xf32> to vector<384xbf16>
    %slice3A_48 = vector.extract_strided_slice %slice3A_34 {offsets = [25, 0], sizes = [25, 384], strides = [1, 1]} : vector<75x384xbf16> to vector<25x384xbf16>
    %convert_element_type3A_49 = arith.extf %slice3A_48 : vector<25x384xbf16> to vector<25x384xf32>
    %reduce_sum3A_50 = arith.constant dense<0.000000e+00> : vector<384xf32>
    %reduce_sum3A_51 = vector.multi_reduction <add>, %convert_element_type3A_49, %reduce_sum3A_50 [0] : vector<25x384xf32> to vector<384xf32>
    %div3A_52 = arith.constant 2.500000e+01 : f32
    %div3A_53 = vector.broadcast %div3A_52 : f32 to vector<384xf32>
    %div3A_54 = arith.divf %reduce_sum3A_51, %div3A_53 : vector<384xf32>
    %convert_element_type3A_55 = arith.truncf %div3A_54 : vector<384xf32> to vector<384xbf16>
    %slice3A_56 = vector.extract_strided_slice %slice3A_34 {offsets = [50, 0], sizes = [25, 384], strides = [1, 1]} : vector<75x384xbf16> to vector<25x384xbf16>
    %convert_element_type3A_57 = arith.extf %slice3A_56 : vector<25x384xbf16> to vector<25x384xf32>
    %reduce_sum3A_58 = arith.constant dense<0.000000e+00> : vector<384xf32>
    %reduce_sum3A_59 = vector.multi_reduction <add>, %convert_element_type3A_57, %reduce_sum3A_58 [0] : vector<25x384xf32> to vector<384xf32>
    %div3A_60 = arith.constant 2.500000e+01 : f32
    %div3A_61 = vector.broadcast %div3A_60 : f32 to vector<384xf32>
    %div3A_62 = arith.divf %reduce_sum3A_59, %div3A_61 : vector<384xf32>
    %convert_element_type3A_63 = arith.truncf %div3A_62 : vector<384xf32> to vector<384xbf16>
    %get3A_64 = arith.constant 2 : index
    %get3A_65 = arith.constant 0 : index
    %get3A_66 = arith.constant 0 : index
    %get3A_67 = vector.load %arg1[%get3A_64, %get3A_65, %get3A_66] : memref<10x100x384xbf16, #tpu.memory_space<vmem>>, vector<1x100x384xbf16>
    %get3A_68 = vector.shape_cast %get3A_67 : vector<1x100x384xbf16> to vector<100x384xbf16>
    %slice3A_69 = vector.extract_strided_slice %get3A_68 {offsets = [0, 0], sizes = [75, 384], strides = [1, 1]} : vector<100x384xbf16> to vector<75x384xbf16>
    %abs3A_70 = math.absf %slice3A_69 : vector<75x384xbf16>
    %convert_element_type3A_71 = arith.extf %abs3A_70 : vector<75x384xbf16> to vector<75x384xf32>
    %reduce_sum3A_72 = arith.constant dense<0.000000e+00> : vector<384xf32>
    %reduce_sum3A_73 = vector.multi_reduction <add>, %convert_element_type3A_71, %reduce_sum3A_72 [0] : vector<75x384xf32> to vector<384xf32>
    %convert_element_type3A_74 = arith.truncf %reduce_sum3A_73 : vector<384xf32> to vector<384xbf16>
    %slice3A_75 = vector.extract_strided_slice %slice3A_69 {offsets = [0, 0], sizes = [25, 384], strides = [1, 1]} : vector<75x384xbf16> to vector<25x384xbf16>
    %convert_element_type3A_76 = arith.extf %slice3A_75 : vector<25x384xbf16> to vector<25x384xf32>
    %reduce_sum3A_77 = arith.constant dense<0.000000e+00> : vector<384xf32>
    %reduce_sum3A_78 = vector.multi_reduction <add>, %convert_element_type3A_76, %reduce_sum3A_77 [0] : vector<25x384xf32> to vector<384xf32>
    %div3A_79 = arith.constant 2.500000e+01 : f32
    %div3A_80 = vector.broadcast %div3A_79 : f32 to vector<384xf32>
    %div3A_81 = arith.divf %reduce_sum3A_78, %div3A_80 : vector<384xf32>
    %convert_element_type3A_82 = arith.truncf %div3A_81 : vector<384xf32> to vector<384xbf16>
    %slice3A_83 = vector.extract_strided_slice %slice3A_69 {offsets = [25, 0], sizes = [25, 384], strides = [1, 1]} : vector<75x384xbf16> to vector<25x384xbf16>
    %convert_element_type3A_84 = arith.extf %slice3A_83 : vector<25x384xbf16> to vector<25x384xf32>
    %reduce_sum3A_85 = arith.constant dense<0.000000e+00> : vector<384xf32>
    %reduce_sum3A_86 = vector.multi_reduction <add>, %convert_element_type3A_84, %reduce_sum3A_85 [0] : vector<25x384xf32> to vector<384xf32>
    %div3A_87 = arith.constant 2.500000e+01 : f32
    %div3A_88 = vector.broadcast %div3A_87 : f32 to vector<384xf32>
    %div3A_89 = arith.divf %reduce_sum3A_86, %div3A_88 : vector<384xf32>
    %convert_element_type3A_90 = arith.truncf %div3A_89 : vector<384xf32> to vector<384xbf16>
    %slice3A_91 = vector.extract_strided_slice %slice3A_69 {offsets = [50, 0], sizes = [25, 384], strides = [1, 1]} : vector<75x384xbf16> to vector<25x384xbf16>
    %convert_element_type3A_92 = arith.extf %slice3A_91 : vector<25x384xbf16> to vector<25x384xf32>
    %reduce_sum3A_93 = arith.constant dense<0.000000e+00> : vector<384xf32>
    %reduce_sum3A_94 = vector.multi_reduction <add>, %convert_element_type3A_92, %reduce_sum3A_93 [0] : vector<25x384xf32> to vector<384xf32>
    %div3A_95 = arith.constant 2.500000e+01 : f32
    %div3A_96 = vector.broadcast %div3A_95 : f32 to vector<384xf32>
    %div3A_97 = arith.divf %reduce_sum3A_94, %div3A_96 : vector<384xf32>
    %convert_element_type3A_98 = arith.truncf %div3A_97 : vector<384xf32> to vector<384xbf16>
    %get3A_99 = arith.constant 3 : index
    %get3A_100 = arith.constant 0 : index
    %get3A_101 = arith.constant 0 : index
    %get3A_102 = vector.load %arg1[%get3A_99, %get3A_100, %get3A_101] : memref<10x100x384xbf16, #tpu.memory_space<vmem>>, vector<1x100x384xbf16>
    %get3A_103 = vector.shape_cast %get3A_102 : vector<1x100x384xbf16> to vector<100x384xbf16>
    %slice3A_104 = vector.extract_strided_slice %get3A_103 {offsets = [0, 0], sizes = [75, 384], strides = [1, 1]} : vector<100x384xbf16> to vector<75x384xbf16>
    %abs3A_105 = math.absf %slice3A_104 : vector<75x384xbf16>
    %convert_element_type3A_106 = arith.extf %abs3A_105 : vector<75x384xbf16> to vector<75x384xf32>
    %reduce_sum3A_107 = arith.constant dense<0.000000e+00> : vector<384xf32>
    %reduce_sum3A_108 = vector.multi_reduction <add>, %convert_element_type3A_106, %reduce_sum3A_107 [0] : vector<75x384xf32> to vector<384xf32>
    %convert_element_type3A_109 = arith.truncf %reduce_sum3A_108 : vector<384xf32> to vector<384xbf16>
    %slice3A_110 = vector.extract_strided_slice %slice3A_104 {offsets = [0, 0], sizes = [25, 384], strides = [1, 1]} : vector<75x384xbf16> to vector<25x384xbf16>
    %convert_element_type3A_111 = arith.extf %slice3A_110 : vector<25x384xbf16> to vector<25x384xf32>
    %reduce_sum3A_112 = arith.constant dense<0.000000e+00> : vector<384xf32>
    %reduce_sum3A_113 = vector.multi_reduction <add>, %convert_element_type3A_111, %reduce_sum3A_112 [0] : vector<25x384xf32> to vector<384xf32>
    %div3A_114 = arith.constant 2.500000e+01 : f32
    %div3A_115 = vector.broadcast %div3A_114 : f32 to vector<384xf32>
    %div3A_116 = arith.divf %reduce_sum3A_113, %div3A_115 : vector<384xf32>
    %convert_element_type3A_117 = arith.truncf %div3A_116 : vector<384xf32> to vector<384xbf16>
    %slice3A_118 = vector.extract_strided_slice %slice3A_104 {offsets = [25, 0], sizes = [25, 384], strides = [1, 1]} : vector<75x384xbf16> to vector<25x384xbf16>
    %convert_element_type3A_119 = arith.extf %slice3A_118 : vector<25x384xbf16> to vector<25x384xf32>
    %reduce_sum3A_120 = arith.constant dense<0.000000e+00> : vector<384xf32>
    %reduce_sum3A_121 = vector.multi_reduction <add>, %convert_element_type3A_119, %reduce_sum3A_120 [0] : vector<25x384xf32> to vector<384xf32>
    %div3A_122 = arith.constant 2.500000e+01 : f32
    %div3A_123 = vector.broadcast %div3A_122 : f32 to vector<384xf32>
    %div3A_124 = arith.divf %reduce_sum3A_121, %div3A_123 : vector<384xf32>
    %convert_element_type3A_125 = arith.truncf %div3A_124 : vector<384xf32> to vector<384xbf16>
    %slice3A_126 = vector.extract_strided_slice %slice3A_104 {offsets = [50, 0], sizes = [25, 384], strides = [1, 1]} : vector<75x384xbf16> to vector<25x384xbf16>
    %convert_element_type3A_127 = arith.extf %slice3A_126 : vector<25x384xbf16> to vector<25x384xf32>
    %reduce_sum3A_128 = arith.constant dense<0.000000e+00> : vector<384xf32>
    %reduce_sum3A_129 = vector.multi_reduction <add>, %convert_element_type3A_127, %reduce_sum3A_128 [0] : vector<25x384xf32> to vector<384xf32>
    %div3A_130 = arith.constant 2.500000e+01 : f32
    %div3A_131 = vector.broadcast %div3A_130 : f32 to vector<384xf32>
    %div3A_132 = arith.divf %reduce_sum3A_129, %div3A_131 : vector<384xf32>
    %convert_element_type3A_133 = arith.truncf %div3A_132 : vector<384xf32> to vector<384xbf16>
    %get3A_134 = arith.constant 4 : index
    %get3A_135 = arith.constant 0 : index
    %get3A_136 = arith.constant 0 : index
    %get3A_137 = vector.load %arg1[%get3A_134, %get3A_135, %get3A_136] : memref<10x100x384xbf16, #tpu.memory_space<vmem>>, vector<1x100x384xbf16>
    %get3A_138 = vector.shape_cast %get3A_137 : vector<1x100x384xbf16> to vector<100x384xbf16>
    %slice3A_139 = vector.extract_strided_slice %get3A_138 {offsets = [0, 0], sizes = [75, 384], strides = [1, 1]} : vector<100x384xbf16> to vector<75x384xbf16>
    %abs3A_140 = math.absf %slice3A_139 : vector<75x384xbf16>
    %convert_element_type3A_141 = arith.extf %abs3A_140 : vector<75x384xbf16> to vector<75x384xf32>
    %reduce_sum3A_142 = arith.constant dense<0.000000e+00> : vector<384xf32>
    %reduce_sum3A_143 = vector.multi_reduction <add>, %convert_element_type3A_141, %reduce_sum3A_142 [0] : vector<75x384xf32> to vector<384xf32>
    %convert_element_type3A_144 = arith.truncf %reduce_sum3A_143 : vector<384xf32> to vector<384xbf16>
    %slice3A_145 = vector.extract_strided_slice %slice3A_139 {offsets = [0, 0], sizes = [25, 384], strides = [1, 1]} : vector<75x384xbf16> to vector<25x384xbf16>
    %convert_element_type3A_146 = arith.extf %slice3A_145 : vector<25x384xbf16> to vector<25x384xf32>
    %reduce_sum3A_147 = arith.constant dense<0.000000e+00> : vector<384xf32>
    %reduce_sum3A_148 = vector.multi_reduction <add>, %convert_element_type3A_146, %reduce_sum3A_147 [0] : vector<25x384xf32> to vector<384xf32>
    %div3A_149 = arith.constant 2.500000e+01 : f32
    %div3A_150 = vector.broadcast %div3A_149 : f32 to vector<384xf32>
    %div3A_151 = arith.divf %reduce_sum3A_148, %div3A_150 : vector<384xf32>
    %convert_element_type3A_152 = arith.truncf %div3A_151 : vector<384xf32> to vector<384xbf16>
    %slice3A_153 = vector.extract_strided_slice %slice3A_139 {offsets = [25, 0], sizes = [25, 384], strides = [1, 1]} : vector<75x384xbf16> to vector<25x384xbf16>
    %convert_element_type3A_154 = arith.extf %slice3A_153 : vector<25x384xbf16> to vector<25x384xf32>
    %reduce_sum3A_155 = arith.constant dense<0.000000e+00> : vector<384xf32>
    %reduce_sum3A_156 = vector.multi_reduction <add>, %convert_element_type3A_154, %reduce_sum3A_155 [0] : vector<25x384xf32> to vector<384xf32>
    %div3A_157 = arith.constant 2.500000e+01 : f32
    %div3A_158 = vector.broadcast %div3A_157 : f32 to vector<384xf32>
    %div3A_159 = arith.divf %reduce_sum3A_156, %div3A_158 : vector<384xf32>
    %convert_element_type3A_160 = arith.truncf %div3A_159 : vector<384xf32> to vector<384xbf16>
    %slice3A_161 = vector.extract_strided_slice %slice3A_139 {offsets = [50, 0], sizes = [25, 384], strides = [1, 1]} : vector<75x384xbf16> to vector<25x384xbf16>
    %convert_element_type3A_162 = arith.extf %slice3A_161 : vector<25x384xbf16> to vector<25x384xf32>
    %reduce_sum3A_163 = arith.constant dense<0.000000e+00> : vector<384xf32>
    %reduce_sum3A_164 = vector.multi_reduction <add>, %convert_element_type3A_162, %reduce_sum3A_163 [0] : vector<25x384xf32> to vector<384xf32>
    %div3A_165 = arith.constant 2.500000e+01 : f32
    %div3A_166 = vector.broadcast %div3A_165 : f32 to vector<384xf32>
    %div3A_167 = arith.divf %reduce_sum3A_164, %div3A_166 : vector<384xf32>
    %convert_element_type3A_168 = arith.truncf %div3A_167 : vector<384xf32> to vector<384xbf16>
    %get3A_169 = arith.constant 5 : index
    %get3A_170 = arith.constant 0 : index
    %get3A_171 = arith.constant 0 : index
    %get3A_172 = vector.load %arg1[%get3A_169, %get3A_170, %get3A_171] : memref<10x100x384xbf16, #tpu.memory_space<vmem>>, vector<1x100x384xbf16>
    %get3A_173 = vector.shape_cast %get3A_172 : vector<1x100x384xbf16> to vector<100x384xbf16>
    %slice3A_174 = vector.extract_strided_slice %get3A_173 {offsets = [0, 0], sizes = [75, 384], strides = [1, 1]} : vector<100x384xbf16> to vector<75x384xbf16>
    %abs3A_175 = math.absf %slice3A_174 : vector<75x384xbf16>
    %convert_element_type3A_176 = arith.extf %abs3A_175 : vector<75x384xbf16> to vector<75x384xf32>
    %reduce_sum3A_177 = arith.constant dense<0.000000e+00> : vector<384xf32>
    %reduce_sum3A_178 = vector.multi_reduction <add>, %convert_element_type3A_176, %reduce_sum3A_177 [0] : vector<75x384xf32> to vector<384xf32>
    %convert_element_type3A_179 = arith.truncf %reduce_sum3A_178 : vector<384xf32> to vector<384xbf16>
    %slice3A_180 = vector.extract_strided_slice %slice3A_174 {offsets = [0, 0], sizes = [25, 384], strides = [1, 1]} : vector<75x384xbf16> to vector<25x384xbf16>
    %convert_element_type3A_181 = arith.extf %slice3A_180 : vector<25x384xbf16> to vector<25x384xf32>
    %reduce_sum3A_182 = arith.constant dense<0.000000e+00> : vector<384xf32>
    %reduce_sum3A_183 = vector.multi_reduction <add>, %convert_element_type3A_181, %reduce_sum3A_182 [0] : vector<25x384xf32> to vector<384xf32>
    %div3A_184 = arith.constant 2.500000e+01 : f32
    %div3A_185 = vector.broadcast %div3A_184 : f32 to vector<384xf32>
    %div3A_186 = arith.divf %reduce_sum3A_183, %div3A_185 : vector<384xf32>
    %convert_element_type3A_187 = arith.truncf %div3A_186 : vector<384xf32> to vector<384xbf16>
    %slice3A_188 = vector.extract_strided_slice %slice3A_174 {offsets = [25, 0], sizes = [25, 384], strides = [1, 1]} : vector<75x384xbf16> to vector<25x384xbf16>
    %convert_element_type3A_189 = arith.extf %slice3A_188 : vector<25x384xbf16> to vector<25x384xf32>
    %reduce_sum3A_190 = arith.constant dense<0.000000e+00> : vector<384xf32>
    %reduce_sum3A_191 = vector.multi_reduction <add>, %convert_element_type3A_189, %reduce_sum3A_190 [0] : vector<25x384xf32> to vector<384xf32>
    %div3A_192 = arith.constant 2.500000e+01 : f32
    %div3A_193 = vector.broadcast %div3A_192 : f32 to vector<384xf32>
    %div3A_194 = arith.divf %reduce_sum3A_191, %div3A_193 : vector<384xf32>
    %convert_element_type3A_195 = arith.truncf %div3A_194 : vector<384xf32> to vector<384xbf16>
    %slice3A_196 = vector.extract_strided_slice %slice3A_174 {offsets = [50, 0], sizes = [25, 384], strides = [1, 1]} : vector<75x384xbf16> to vector<25x384xbf16>
    %convert_element_type3A_197 = arith.extf %slice3A_196 : vector<25x384xbf16> to vector<25x384xf32>
    %reduce_sum3A_198 = arith.constant dense<0.000000e+00> : vector<384xf32>
    %reduce_sum3A_199 = vector.multi_reduction <add>, %convert_element_type3A_197, %reduce_sum3A_198 [0] : vector<25x384xf32> to vector<384xf32>
    %div3A_200 = arith.constant 2.500000e+01 : f32
    %div3A_201 = vector.broadcast %div3A_200 : f32 to vector<384xf32>
    %div3A_202 = arith.divf %reduce_sum3A_199, %div3A_201 : vector<384xf32>
    %convert_element_type3A_203 = arith.truncf %div3A_202 : vector<384xf32> to vector<384xbf16>
    %get3A_204 = arith.constant 6 : index
    %get3A_205 = arith.constant 0 : index
    %get3A_206 = arith.constant 0 : index
    %get3A_207 = vector.load %arg1[%get3A_204, %get3A_205, %get3A_206] : memref<10x100x384xbf16, #tpu.memory_space<vmem>>, vector<1x100x384xbf16>
    %get3A_208 = vector.shape_cast %get3A_207 : vector<1x100x384xbf16> to vector<100x384xbf16>
    %slice3A_209 = vector.extract_strided_slice %get3A_208 {offsets = [0, 0], sizes = [75, 384], strides = [1, 1]} : vector<100x384xbf16> to vector<75x384xbf16>
    %abs3A_210 = math.absf %slice3A_209 : vector<75x384xbf16>
    %convert_element_type3A_211 = arith.extf %abs3A_210 : vector<75x384xbf16> to vector<75x384xf32>
    %reduce_sum3A_212 = arith.constant dense<0.000000e+00> : vector<384xf32>
    %reduce_sum3A_213 = vector.multi_reduction <add>, %convert_element_type3A_211, %reduce_sum3A_212 [0] : vector<75x384xf32> to vector<384xf32>
    %convert_element_type3A_214 = arith.truncf %reduce_sum3A_213 : vector<384xf32> to vector<384xbf16>
    %slice3A_215 = vector.extract_strided_slice %slice3A_209 {offsets = [0, 0], sizes = [25, 384], strides = [1, 1]} : vector<75x384xbf16> to vector<25x384xbf16>
    %convert_element_type3A_216 = arith.extf %slice3A_215 : vector<25x384xbf16> to vector<25x384xf32>
    %reduce_sum3A_217 = arith.constant dense<0.000000e+00> : vector<384xf32>
    %reduce_sum3A_218 = vector.multi_reduction <add>, %convert_element_type3A_216, %reduce_sum3A_217 [0] : vector<25x384xf32> to vector<384xf32>
    %div3A_219 = arith.constant 2.500000e+01 : f32
    %div3A_220 = vector.broadcast %div3A_219 : f32 to vector<384xf32>
    %div3A_221 = arith.divf %reduce_sum3A_218, %div3A_220 : vector<384xf32>
    %convert_element_type3A_222 = arith.truncf %div3A_221 : vector<384xf32> to vector<384xbf16>
    %slice3A_223 = vector.extract_strided_slice %slice3A_209 {offsets = [25, 0], sizes = [25, 384], strides = [1, 1]} : vector<75x384xbf16> to vector<25x384xbf16>
    %convert_element_type3A_224 = arith.extf %slice3A_223 : vector<25x384xbf16> to vector<25x384xf32>
    %reduce_sum3A_225 = arith.constant dense<0.000000e+00> : vector<384xf32>
    %reduce_sum3A_226 = vector.multi_reduction <add>, %convert_element_type3A_224, %reduce_sum3A_225 [0] : vector<25x384xf32> to vector<384xf32>
    %div3A_227 = arith.constant 2.500000e+01 : f32
    %div3A_228 = vector.broadcast %div3A_227 : f32 to vector<384xf32>
    %div3A_229 = arith.divf %reduce_sum3A_226, %div3A_228 : vector<384xf32>
    %convert_element_type3A_230 = arith.truncf %div3A_229 : vector<384xf32> to vector<384xbf16>
    %slice3A_231 = vector.extract_strided_slice %slice3A_209 {offsets = [50, 0], sizes = [25, 384], strides = [1, 1]} : vector<75x384xbf16> to vector<25x384xbf16>
    %convert_element_type3A_232 = arith.extf %slice3A_231 : vector<25x384xbf16> to vector<25x384xf32>
    %reduce_sum3A_233 = arith.constant dense<0.000000e+00> : vector<384xf32>
    %reduce_sum3A_234 = vector.multi_reduction <add>, %convert_element_type3A_232, %reduce_sum3A_233 [0] : vector<25x384xf32> to vector<384xf32>
    %div3A_235 = arith.constant 2.500000e+01 : f32
    %div3A_236 = vector.broadcast %div3A_235 : f32 to vector<384xf32>
    %div3A_237 = arith.divf %reduce_sum3A_234, %div3A_236 : vector<384xf32>
    %convert_element_type3A_238 = arith.truncf %div3A_237 : vector<384xf32> to vector<384xbf16>
    %get3A_239 = arith.constant 7 : index
    %get3A_240 = arith.constant 0 : index
    %get3A_241 = arith.constant 0 : index
    %get3A_242 = vector.load %arg1[%get3A_239, %get3A_240, %get3A_241] : memref<10x100x384xbf16, #tpu.memory_space<vmem>>, vector<1x100x384xbf16>
    %get3A_243 = vector.shape_cast %get3A_242 : vector<1x100x384xbf16> to vector<100x384xbf16>
    %slice3A_244 = vector.extract_strided_slice %get3A_243 {offsets = [0, 0], sizes = [75, 384], strides = [1, 1]} : vector<100x384xbf16> to vector<75x384xbf16>
    %abs3A_245 = math.absf %slice3A_244 : vector<75x384xbf16>
    %convert_element_type3A_246 = arith.extf %abs3A_245 : vector<75x384xbf16> to vector<75x384xf32>
    %reduce_sum3A_247 = arith.constant dense<0.000000e+00> : vector<384xf32>
    %reduce_sum3A_248 = vector.multi_reduction <add>, %convert_element_type3A_246, %reduce_sum3A_247 [0] : vector<75x384xf32> to vector<384xf32>
    %convert_element_type3A_249 = arith.truncf %reduce_sum3A_248 : vector<384xf32> to vector<384xbf16>
    %slice3A_250 = vector.extract_strided_slice %slice3A_244 {offsets = [0, 0], sizes = [25, 384], strides = [1, 1]} : vector<75x384xbf16> to vector<25x384xbf16>
    %convert_element_type3A_251 = arith.extf %slice3A_250 : vector<25x384xbf16> to vector<25x384xf32>
    %reduce_sum3A_252 = arith.constant dense<0.000000e+00> : vector<384xf32>
    %reduce_sum3A_253 = vector.multi_reduction <add>, %convert_element_type3A_251, %reduce_sum3A_252 [0] : vector<25x384xf32> to vector<384xf32>
    %div3A_254 = arith.constant 2.500000e+01 : f32
    %div3A_255 = vector.broadcast %div3A_254 : f32 to vector<384xf32>
    %div3A_256 = arith.divf %reduce_sum3A_253, %div3A_255 : vector<384xf32>
    %convert_element_type3A_257 = arith.truncf %div3A_256 : vector<384xf32> to vector<384xbf16>
    %slice3A_258 = vector.extract_strided_slice %slice3A_244 {offsets = [25, 0], sizes = [25, 384], strides = [1, 1]} : vector<75x384xbf16> to vector<25x384xbf16>
    %convert_element_type3A_259 = arith.extf %slice3A_258 : vector<25x384xbf16> to vector<25x384xf32>
    %reduce_sum3A_260 = arith.constant dense<0.000000e+00> : vector<384xf32>
    %reduce_sum3A_261 = vector.multi_reduction <add>, %convert_element_type3A_259, %reduce_sum3A_260 [0] : vector<25x384xf32> to vector<384xf32>
    %div3A_262 = arith.constant 2.500000e+01 : f32
    %div3A_263 = vector.broadcast %div3A_262 : f32 to vector<384xf32>
    %div3A_264 = arith.divf %reduce_sum3A_261, %div3A_263 : vector<384xf32>
    %convert_element_type3A_265 = arith.truncf %div3A_264 : vector<384xf32> to vector<384xbf16>
    %slice3A_266 = vector.extract_strided_slice %slice3A_244 {offsets = [50, 0], sizes = [25, 384], strides = [1, 1]} : vector<75x384xbf16> to vector<25x384xbf16>
    %convert_element_type3A_267 = arith.extf %slice3A_266 : vector<25x384xbf16> to vector<25x384xf32>
    %reduce_sum3A_268 = arith.constant dense<0.000000e+00> : vector<384xf32>
    %reduce_sum3A_269 = vector.multi_reduction <add>, %convert_element_type3A_267, %reduce_sum3A_268 [0] : vector<25x384xf32> to vector<384xf32>
    %div3A_270 = arith.constant 2.500000e+01 : f32
    %div3A_271 = vector.broadcast %div3A_270 : f32 to vector<384xf32>
    %div3A_272 = arith.divf %reduce_sum3A_269, %div3A_271 : vector<384xf32>
    %convert_element_type3A_273 = arith.truncf %div3A_272 : vector<384xf32> to vector<384xbf16>
    %get3A_274 = arith.constant 8 : index
    %get3A_275 = arith.constant 0 : index
    %get3A_276 = arith.constant 0 : index
    %get3A_277 = vector.load %arg1[%get3A_274, %get3A_275, %get3A_276] : memref<10x100x384xbf16, #tpu.memory_space<vmem>>, vector<1x100x384xbf16>
    %get3A_278 = vector.shape_cast %get3A_277 : vector<1x100x384xbf16> to vector<100x384xbf16>
    %slice3A_279 = vector.extract_strided_slice %get3A_278 {offsets = [0, 0], sizes = [75, 384], strides = [1, 1]} : vector<100x384xbf16> to vector<75x384xbf16>
    %abs3A_280 = math.absf %slice3A_279 : vector<75x384xbf16>
    %convert_element_type3A_281 = arith.extf %abs3A_280 : vector<75x384xbf16> to vector<75x384xf32>
    %reduce_sum3A_282 = arith.constant dense<0.000000e+00> : vector<384xf32>
    %reduce_sum3A_283 = vector.multi_reduction <add>, %convert_element_type3A_281, %reduce_sum3A_282 [0] : vector<75x384xf32> to vector<384xf32>
    %convert_element_type3A_284 = arith.truncf %reduce_sum3A_283 : vector<384xf32> to vector<384xbf16>
    %slice3A_285 = vector.extract_strided_slice %slice3A_279 {offsets = [0, 0], sizes = [25, 384], strides = [1, 1]} : vector<75x384xbf16> to vector<25x384xbf16>
    %convert_element_type3A_286 = arith.extf %slice3A_285 : vector<25x384xbf16> to vector<25x384xf32>
    %reduce_sum3A_287 = arith.constant dense<0.000000e+00> : vector<384xf32>
    %reduce_sum3A_288 = vector.multi_reduction <add>, %convert_element_type3A_286, %reduce_sum3A_287 [0] : vector<25x384xf32> to vector<384xf32>
    %div3A_289 = arith.constant 2.500000e+01 : f32
    %div3A_290 = vector.broadcast %div3A_289 : f32 to vector<384xf32>
    %div3A_291 = arith.divf %reduce_sum3A_288, %div3A_290 : vector<384xf32>
    %convert_element_type3A_292 = arith.truncf %div3A_291 : vector<384xf32> to vector<384xbf16>
    %slice3A_293 = vector.extract_strided_slice %slice3A_279 {offsets = [25, 0], sizes = [25, 384], strides = [1, 1]} : vector<75x384xbf16> to vector<25x384xbf16>
    %convert_element_type3A_294 = arith.extf %slice3A_293 : vector<25x384xbf16> to vector<25x384xf32>
    %reduce_sum3A_295 = arith.constant dense<0.000000e+00> : vector<384xf32>
    %reduce_sum3A_296 = vector.multi_reduction <add>, %convert_element_type3A_294, %reduce_sum3A_295 [0] : vector<25x384xf32> to vector<384xf32>
    %div3A_297 = arith.constant 2.500000e+01 : f32
    %div3A_298 = vector.broadcast %div3A_297 : f32 to vector<384xf32>
    %div3A_299 = arith.divf %reduce_sum3A_296, %div3A_298 : vector<384xf32>
    %convert_element_type3A_300 = arith.truncf %div3A_299 : vector<384xf32> to vector<384xbf16>
    %slice3A_301 = vector.extract_strided_slice %slice3A_279 {offsets = [50, 0], sizes = [25, 384], strides = [1, 1]} : vector<75x384xbf16> to vector<25x384xbf16>
    %convert_element_type3A_302 = arith.extf %slice3A_301 : vector<25x384xbf16> to vector<25x384xf32>
    %reduce_sum3A_303 = arith.constant dense<0.000000e+00> : vector<384xf32>
    %reduce_sum3A_304 = vector.multi_reduction <add>, %convert_element_type3A_302, %reduce_sum3A_303 [0] : vector<25x384xf32> to vector<384xf32>
    %div3A_305 = arith.constant 2.500000e+01 : f32
    %div3A_306 = vector.broadcast %div3A_305 : f32 to vector<384xf32>
    %div3A_307 = arith.divf %reduce_sum3A_304, %div3A_306 : vector<384xf32>
    %convert_element_type3A_308 = arith.truncf %div3A_307 : vector<384xf32> to vector<384xbf16>
    %get3A_309 = arith.constant 9 : index
    %get3A_310 = arith.constant 0 : index
    %get3A_311 = arith.constant 0 : index
    %get3A_312 = vector.load %arg1[%get3A_309, %get3A_310, %get3A_311] : memref<10x100x384xbf16, #tpu.memory_space<vmem>>, vector<1x100x384xbf16>
    %get3A_313 = vector.shape_cast %get3A_312 : vector<1x100x384xbf16> to vector<100x384xbf16>
    %slice3A_314 = vector.extract_strided_slice %get3A_313 {offsets = [0, 0], sizes = [75, 384], strides = [1, 1]} : vector<100x384xbf16> to vector<75x384xbf16>
    %abs3A_315 = math.absf %slice3A_314 : vector<75x384xbf16>
    %convert_element_type3A_316 = arith.extf %abs3A_315 : vector<75x384xbf16> to vector<75x384xf32>
    %reduce_sum3A_317 = arith.constant dense<0.000000e+00> : vector<384xf32>
    %reduce_sum3A_318 = vector.multi_reduction <add>, %convert_element_type3A_316, %reduce_sum3A_317 [0] : vector<75x384xf32> to vector<384xf32>
    %convert_element_type3A_319 = arith.truncf %reduce_sum3A_318 : vector<384xf32> to vector<384xbf16>
    %slice3A_320 = vector.extract_strided_slice %slice3A_314 {offsets = [0, 0], sizes = [25, 384], strides = [1, 1]} : vector<75x384xbf16> to vector<25x384xbf16>
    %convert_element_type3A_321 = arith.extf %slice3A_320 : vector<25x384xbf16> to vector<25x384xf32>
    %reduce_sum3A_322 = arith.constant dense<0.000000e+00> : vector<384xf32>
    %reduce_sum3A_323 = vector.multi_reduction <add>, %convert_element_type3A_321, %reduce_sum3A_322 [0] : vector<25x384xf32> to vector<384xf32>
    %div3A_324 = arith.constant 2.500000e+01 : f32
    %div3A_325 = vector.broadcast %div3A_324 : f32 to vector<384xf32>
    %div3A_326 = arith.divf %reduce_sum3A_323, %div3A_325 : vector<384xf32>
    %convert_element_type3A_327 = arith.truncf %div3A_326 : vector<384xf32> to vector<384xbf16>
    %slice3A_328 = vector.extract_strided_slice %slice3A_314 {offsets = [25, 0], sizes = [25, 384], strides = [1, 1]} : vector<75x384xbf16> to vector<25x384xbf16>
    %convert_element_type3A_329 = arith.extf %slice3A_328 : vector<25x384xbf16> to vector<25x384xf32>
    %reduce_sum3A_330 = arith.constant dense<0.000000e+00> : vector<384xf32>
    %reduce_sum3A_331 = vector.multi_reduction <add>, %convert_element_type3A_329, %reduce_sum3A_330 [0] : vector<25x384xf32> to vector<384xf32>
    %div3A_332 = arith.constant 2.500000e+01 : f32
    %div3A_333 = vector.broadcast %div3A_332 : f32 to vector<384xf32>
    %div3A_334 = arith.divf %reduce_sum3A_331, %div3A_333 : vector<384xf32>
    %convert_element_type3A_335 = arith.truncf %div3A_334 : vector<384xf32> to vector<384xbf16>
    %slice3A_336 = vector.extract_strided_slice %slice3A_314 {offsets = [50, 0], sizes = [25, 384], strides = [1, 1]} : vector<75x384xbf16> to vector<25x384xbf16>
    %convert_element_type3A_337 = arith.extf %slice3A_336 : vector<25x384xbf16> to vector<25x384xf32>
    %reduce_sum3A_338 = arith.constant dense<0.000000e+00> : vector<384xf32>
    %reduce_sum3A_339 = vector.multi_reduction <add>, %convert_element_type3A_337, %reduce_sum3A_338 [0] : vector<25x384xf32> to vector<384xf32>
    %div3A_340 = arith.constant 2.500000e+01 : f32
    %div3A_341 = vector.broadcast %div3A_340 : f32 to vector<384xf32>
    %div3A_342 = arith.divf %reduce_sum3A_339, %div3A_341 : vector<384xf32>
    %convert_element_type3A_343 = arith.truncf %div3A_342 : vector<384xf32> to vector<384xbf16>
    %stack3A = vector.shape_cast %convert_element_type3A_5 : vector<384xbf16> to vector<1x384xbf16>
    %stack3A_344 = vector.shape_cast %convert_element_type3A_39 : vector<384xbf16> to vector<1x384xbf16>
    %stack3A_345 = vector.shape_cast %convert_element_type3A_74 : vector<384xbf16> to vector<1x384xbf16>
    %stack3A_346 = vector.shape_cast %convert_element_type3A_109 : vector<384xbf16> to vector<1x384xbf16>
    %stack3A_347 = vector.shape_cast %convert_element_type3A_144 : vector<384xbf16> to vector<1x384xbf16>
    %stack3A_348 = vector.shape_cast %convert_element_type3A_179 : vector<384xbf16> to vector<1x384xbf16>
    %stack3A_349 = vector.shape_cast %convert_element_type3A_214 : vector<384xbf16> to vector<1x384xbf16>
    %stack3A_350 = vector.shape_cast %convert_element_type3A_249 : vector<384xbf16> to vector<1x384xbf16>
    %stack3A_351 = vector.shape_cast %convert_element_type3A_284 : vector<384xbf16> to vector<1x384xbf16>
    %stack3A_352 = vector.shape_cast %convert_element_type3A_319 : vector<384xbf16> to vector<1x384xbf16>
    %stack3A_353 = tpu.concatenate %stack3A, %stack3A_344, %stack3A_345, %stack3A_346, %stack3A_347, %stack3A_348, %stack3A_349, %stack3A_350, %stack3A_351, %stack3A_352 in 0 : vector<1x384xbf16>, vector<1x384xbf16>, vector<1x384xbf16>, vector<1x384xbf16>, vector<1x384xbf16>, vector<1x384xbf16>, vector<1x384xbf16>, vector<1x384xbf16>, vector<1x384xbf16>, vector<1x384xbf16> -> vector<10x384xbf16>
    %convert_element_type3A_354 = arith.extf %stack3A_353 : vector<10x384xbf16> to vector<10x384xf32>
    %gt3A = arith.constant 9.99999997E-7 : f32
    %gt3A_355 = vector.broadcast %gt3A : f32 to vector<10x384xf32>
    %gt3A_356 = arith.cmpf ogt, %convert_element_type3A_354, %gt3A_355 : vector<10x384xf32>
    %convert_element_type3A_357 = arith.extui %gt3A_356 : vector<10x384xi1> to vector<10x384xi32>
    %convert_element_type3A_358 = arith.sitofp %convert_element_type3A_357 : vector<10x384xi32> to vector<10x384xf32>
    %broadcast_in_dim3A = arith.constant 0.000000e+00 : f32
    %broadcast_in_dim3A_359 = vector.broadcast %broadcast_in_dim3A : f32 to vector<10x10x384xf32>
    %stack3A_360 = vector.shape_cast %convert_element_type3A_12 : vector<384xbf16> to vector<1x384xbf16>
    %stack3A_361 = vector.shape_cast %convert_element_type3A_47 : vector<384xbf16> to vector<1x384xbf16>
    %stack3A_362 = vector.shape_cast %convert_element_type3A_82 : vector<384xbf16> to vector<1x384xbf16>
    %stack3A_363 = vector.shape_cast %convert_element_type3A_117 : vector<384xbf16> to vector<1x384xbf16>
    %stack3A_364 = vector.shape_cast %convert_element_type3A_152 : vector<384xbf16> to vector<1x384xbf16>
    %stack3A_365 = vector.shape_cast %convert_element_type3A_187 : vector<384xbf16> to vector<1x384xbf16>
    %stack3A_366 = vector.shape_cast %convert_element_type3A_222 : vector<384xbf16> to vector<1x384xbf16>
    %stack3A_367 = vector.shape_cast %convert_element_type3A_257 : vector<384xbf16> to vector<1x384xbf16>
    %stack3A_368 = vector.shape_cast %convert_element_type3A_292 : vector<384xbf16> to vector<1x384xbf16>
    %stack3A_369 = vector.shape_cast %convert_element_type3A_327 : vector<384xbf16> to vector<1x384xbf16>
    %stack3A_370 = tpu.concatenate %stack3A_360, %stack3A_361, %stack3A_362, %stack3A_363, %stack3A_364, %stack3A_365, %stack3A_366, %stack3A_367, %stack3A_368, %stack3A_369 in 0 : vector<1x384xbf16>, vector<1x384xbf16>, vector<1x384xbf16>, vector<1x384xbf16>, vector<1x384xbf16>, vector<1x384xbf16>, vector<1x384xbf16>, vector<1x384xbf16>, vector<1x384xbf16>, vector<1x384xbf16> -> vector<10x384xbf16>
    %convert_element_type3A_371 = arith.extf %stack3A_370 : vector<10x384xbf16> to vector<10x384xf32>
    %broadcast_in_dim3A_372 = vector.shape_cast %convert_element_type3A_371 : vector<10x384xf32> to vector<10x1x384xf32>
    %broadcast_in_dim3A_373 = vector.shape_cast %convert_element_type3A_371 : vector<10x384xf32> to vector<1x10x384xf32>
    %sub3A = vector.broadcast %broadcast_in_dim3A_372 : vector<10x1x384xf32> to vector<10x10x384xf32>
    %sub3A_374 = vector.broadcast %broadcast_in_dim3A_373 : vector<1x10x384xf32> to vector<10x10x384xf32>
    %sub3A_375 = arith.subf %sub3A, %sub3A_374 : vector<10x10x384xf32>
    %mul3A = arith.mulf %sub3A_375, %sub3A_375 : vector<10x10x384xf32>
    %add3A = arith.addf %broadcast_in_dim3A_359, %mul3A : vector<10x10x384xf32>
    %stack3A_376 = vector.shape_cast %convert_element_type3A_20 : vector<384xbf16> to vector<1x384xbf16>
    %stack3A_377 = vector.shape_cast %convert_element_type3A_55 : vector<384xbf16> to vector<1x384xbf16>
    %stack3A_378 = vector.shape_cast %convert_element_type3A_90 : vector<384xbf16> to vector<1x384xbf16>
    %stack3A_379 = vector.shape_cast %convert_element_type3A_125 : vector<384xbf16> to vector<1x384xbf16>
    %stack3A_380 = vector.shape_cast %convert_element_type3A_160 : vector<384xbf16> to vector<1x384xbf16>
    %stack3A_381 = vector.shape_cast %convert_element_type3A_195 : vector<384xbf16> to vector<1x384xbf16>
    %stack3A_382 = vector.shape_cast %convert_element_type3A_230 : vector<384xbf16> to vector<1x384xbf16>
    %stack3A_383 = vector.shape_cast %convert_element_type3A_265 : vector<384xbf16> to vector<1x384xbf16>
    %stack3A_384 = vector.shape_cast %convert_element_type3A_300 : vector<384xbf16> to vector<1x384xbf16>
    %stack3A_385 = vector.shape_cast %convert_element_type3A_335 : vector<384xbf16> to vector<1x384xbf16>
    %stack3A_386 = tpu.concatenate %stack3A_376, %stack3A_377, %stack3A_378, %stack3A_379, %stack3A_380, %stack3A_381, %stack3A_382, %stack3A_383, %stack3A_384, %stack3A_385 in 0 : vector<1x384xbf16>, vector<1x384xbf16>, vector<1x384xbf16>, vector<1x384xbf16>, vector<1x384xbf16>, vector<1x384xbf16>, vector<1x384xbf16>, vector<1x384xbf16>, vector<1x384xbf16>, vector<1x384xbf16> -> vector<10x384xbf16>
    %convert_element_type3A_387 = arith.extf %stack3A_386 : vector<10x384xbf16> to vector<10x384xf32>
    %broadcast_in_dim3A_388 = vector.shape_cast %convert_element_type3A_387 : vector<10x384xf32> to vector<10x1x384xf32>
    %broadcast_in_dim3A_389 = vector.shape_cast %convert_element_type3A_387 : vector<10x384xf32> to vector<1x10x384xf32>
    %sub3A_390 = vector.broadcast %broadcast_in_dim3A_388 : vector<10x1x384xf32> to vector<10x10x384xf32>
    %sub3A_391 = vector.broadcast %broadcast_in_dim3A_389 : vector<1x10x384xf32> to vector<10x10x384xf32>
    %sub3A_392 = arith.subf %sub3A_390, %sub3A_391 : vector<10x10x384xf32>
    %mul3A_393 = arith.mulf %sub3A_392, %sub3A_392 : vector<10x10x384xf32>
    %add3A_394 = arith.addf %add3A, %mul3A_393 : vector<10x10x384xf32>
    %stack3A_395 = vector.shape_cast %convert_element_type3A_28 : vector<384xbf16> to vector<1x384xbf16>
    %stack3A_396 = vector.shape_cast %convert_element_type3A_63 : vector<384xbf16> to vector<1x384xbf16>
    %stack3A_397 = vector.shape_cast %convert_element_type3A_98 : vector<384xbf16> to vector<1x384xbf16>
    %stack3A_398 = vector.shape_cast %convert_element_type3A_133 : vector<384xbf16> to vector<1x384xbf16>
    %stack3A_399 = vector.shape_cast %convert_element_type3A_168 : vector<384xbf16> to vector<1x384xbf16>
    %stack3A_400 = vector.shape_cast %convert_element_type3A_203 : vector<384xbf16> to vector<1x384xbf16>
    %stack3A_401 = vector.shape_cast %convert_element_type3A_238 : vector<384xbf16> to vector<1x384xbf16>
    %stack3A_402 = vector.shape_cast %convert_element_type3A_273 : vector<384xbf16> to vector<1x384xbf16>
    %stack3A_403 = vector.shape_cast %convert_element_type3A_308 : vector<384xbf16> to vector<1x384xbf16>
    %stack3A_404 = vector.shape_cast %convert_element_type3A_343 : vector<384xbf16> to vector<1x384xbf16>
    %stack3A_405 = tpu.concatenate %stack3A_395, %stack3A_396, %stack3A_397, %stack3A_398, %stack3A_399, %stack3A_400, %stack3A_401, %stack3A_402, %stack3A_403, %stack3A_404 in 0 : vector<1x384xbf16>, vector<1x384xbf16>, vector<1x384xbf16>, vector<1x384xbf16>, vector<1x384xbf16>, vector<1x384xbf16>, vector<1x384xbf16>, vector<1x384xbf16>, vector<1x384xbf16>, vector<1x384xbf16> -> vector<10x384xbf16>
    %convert_element_type3A_406 = arith.extf %stack3A_405 : vector<10x384xbf16> to vector<10x384xf32>
    %broadcast_in_dim3A_407 = vector.shape_cast %convert_element_type3A_406 : vector<10x384xf32> to vector<10x1x384xf32>
    %broadcast_in_dim3A_408 = vector.shape_cast %convert_element_type3A_406 : vector<10x384xf32> to vector<1x10x384xf32>
    %sub3A_409 = vector.broadcast %broadcast_in_dim3A_407 : vector<10x1x384xf32> to vector<10x10x384xf32>
    %sub3A_410 = vector.broadcast %broadcast_in_dim3A_408 : vector<1x10x384xf32> to vector<10x10x384xf32>
    %sub3A_411 = arith.subf %sub3A_409, %sub3A_410 : vector<10x10x384xf32>
    %mul3A_412 = arith.mulf %sub3A_411, %sub3A_411 : vector<10x10x384xf32>
    %add3A_413 = arith.addf %add3A_394, %mul3A_412 : vector<10x10x384xf32>
    %jit3A = arith.constant 9.99999996E-13 : f32
    %max3A = vector.broadcast %jit3A : f32 to vector<10x10x384xf32>
    %max3A_414 = arith.maximumf %max3A, %add3A_413 : vector<10x10x384xf32>
    %sqrt3A = math.sqrt %max3A_414 : vector<10x10x384xf32>
    %broadcast_in_dim3A_415 = vector.shape_cast %convert_element_type3A_358 : vector<10x384xf32> to vector<10x1x384xf32>
    %broadcast_in_dim3A_416 = vector.shape_cast %convert_element_type3A_358 : vector<10x384xf32> to vector<1x10x384xf32>
    %mul3A_417 = vector.broadcast %broadcast_in_dim3A_415 : vector<10x1x384xf32> to vector<10x10x384xf32>
    %mul3A_418 = vector.broadcast %broadcast_in_dim3A_416 : vector<1x10x384xf32> to vector<10x10x384xf32>
    %mul3A_419 = arith.mulf %mul3A_417, %mul3A_418 : vector<10x10x384xf32>
    %gt3A_420 = arith.constant 0.000000e+00 : f32
    %gt3A_421 = vector.broadcast %gt3A_420 : f32 to vector<10x10x384xf32>
    %gt3A_422 = arith.cmpf ogt, %mul3A_419, %gt3A_421 : vector<10x10x384xf32>
    %jit3A_423 = arith.constant 1.000000e+06 : f32
    %broadcast_in_dim3A_424 = vector.broadcast %jit3A_423 : f32 to vector<10x10x384xf32>
    %select_n3A = arith.select %gt3A_422, %sqrt3A, %broadcast_in_dim3A_424 : vector<10x10x384xi1>, vector<10x10x384xf32>
    %iota3A = tpu.iota {dimensions = array<i32: 0>} : vector<10x10x384xi32>
    %iota3A_425 = tpu.iota {dimensions = array<i32: 1>} : vector<10x10x384xi32>
    %eq3A = arith.cmpi eq, %iota3A, %iota3A_425 : vector<10x10x384xi32>
    %convert_element_type3A_426 = arith.extui %eq3A : vector<10x10x384xi1> to vector<10x10x384xi32>
    %convert_element_type3A_427 = arith.sitofp %convert_element_type3A_426 : vector<10x10x384xi32> to vector<10x10x384xf32>
    %mul3A_428 = arith.constant 1.000000e+06 : f32
    %mul3A_429 = vector.broadcast %mul3A_428 : f32 to vector<10x10x384xf32>
    %mul3A_430 = arith.mulf %convert_element_type3A_427, %mul3A_429 : vector<10x10x384xf32>
    %add3A_431 = arith.addf %select_n3A, %mul3A_430 : vector<10x10x384xf32>
    %slice3A_432 = vector.extract_strided_slice %add3A_431 {offsets = [0, 0, 0], sizes = [1, 10, 384], strides = [1, 1, 1]} : vector<10x10x384xf32> to vector<1x10x384xf32>
    %squeeze3A = vector.shape_cast %slice3A_432 : vector<1x10x384xf32> to vector<10x384xf32>
    %broadcast_in_dim3A_433 = arith.constant 0 : i32
    %broadcast_in_dim3A_434 = vector.broadcast %broadcast_in_dim3A_433 : i32 to vector<10x384xi32>
    %slice3A_435 = vector.extract_strided_slice %add3A_431 {offsets = [1, 0, 0], sizes = [1, 10, 384], strides = [1, 1, 1]} : vector<10x10x384xf32> to vector<1x10x384xf32>
    %squeeze3A_436 = vector.shape_cast %slice3A_435 : vector<1x10x384xf32> to vector<10x384xf32>
    %lt3A = arith.cmpf olt, %squeeze3A_436, %squeeze3A : vector<10x384xf32>
    %select_n3A_437 = arith.select %lt3A, %squeeze3A_436, %squeeze3A : vector<10x384xi1>, vector<10x384xf32>
    %jit3A_438 = arith.constant 1 : i32
    %broadcast_in_dim3A_439 = vector.broadcast %jit3A_438 : i32 to vector<10x384xi32>
    %select_n3A_440 = arith.select %lt3A, %broadcast_in_dim3A_439, %broadcast_in_dim3A_434 : vector<10x384xi1>, vector<10x384xi32>
    %slice3A_441 = vector.extract_strided_slice %add3A_431 {offsets = [2, 0, 0], sizes = [1, 10, 384], strides = [1, 1, 1]} : vector<10x10x384xf32> to vector<1x10x384xf32>
    %squeeze3A_442 = vector.shape_cast %slice3A_441 : vector<1x10x384xf32> to vector<10x384xf32>
    %lt3A_443 = arith.cmpf olt, %squeeze3A_442, %select_n3A_437 : vector<10x384xf32>
    %select_n3A_444 = arith.select %lt3A_443, %squeeze3A_442, %select_n3A_437 : vector<10x384xi1>, vector<10x384xf32>
    %jit3A_445 = arith.constant 2 : i32
    %broadcast_in_dim3A_446 = vector.broadcast %jit3A_445 : i32 to vector<10x384xi32>
    %select_n3A_447 = arith.select %lt3A_443, %broadcast_in_dim3A_446, %select_n3A_440 : vector<10x384xi1>, vector<10x384xi32>
    %slice3A_448 = vector.extract_strided_slice %add3A_431 {offsets = [3, 0, 0], sizes = [1, 10, 384], strides = [1, 1, 1]} : vector<10x10x384xf32> to vector<1x10x384xf32>
    %squeeze3A_449 = vector.shape_cast %slice3A_448 : vector<1x10x384xf32> to vector<10x384xf32>
    %lt3A_450 = arith.cmpf olt, %squeeze3A_449, %select_n3A_444 : vector<10x384xf32>
    %select_n3A_451 = arith.select %lt3A_450, %squeeze3A_449, %select_n3A_444 : vector<10x384xi1>, vector<10x384xf32>
    %jit3A_452 = arith.constant 3 : i32
    %broadcast_in_dim3A_453 = vector.broadcast %jit3A_452 : i32 to vector<10x384xi32>
    %select_n3A_454 = arith.select %lt3A_450, %broadcast_in_dim3A_453, %select_n3A_447 : vector<10x384xi1>, vector<10x384xi32>
    %slice3A_455 = vector.extract_strided_slice %add3A_431 {offsets = [4, 0, 0], sizes = [1, 10, 384], strides = [1, 1, 1]} : vector<10x10x384xf32> to vector<1x10x384xf32>
    %squeeze3A_456 = vector.shape_cast %slice3A_455 : vector<1x10x384xf32> to vector<10x384xf32>
    %lt3A_457 = arith.cmpf olt, %squeeze3A_456, %select_n3A_451 : vector<10x384xf32>
    %select_n3A_458 = arith.select %lt3A_457, %squeeze3A_456, %select_n3A_451 : vector<10x384xi1>, vector<10x384xf32>
    %jit3A_459 = arith.constant 4 : i32
    %broadcast_in_dim3A_460 = vector.broadcast %jit3A_459 : i32 to vector<10x384xi32>
    %select_n3A_461 = arith.select %lt3A_457, %broadcast_in_dim3A_460, %select_n3A_454 : vector<10x384xi1>, vector<10x384xi32>
    %slice3A_462 = vector.extract_strided_slice %add3A_431 {offsets = [5, 0, 0], sizes = [1, 10, 384], strides = [1, 1, 1]} : vector<10x10x384xf32> to vector<1x10x384xf32>
    %squeeze3A_463 = vector.shape_cast %slice3A_462 : vector<1x10x384xf32> to vector<10x384xf32>
    %lt3A_464 = arith.cmpf olt, %squeeze3A_463, %select_n3A_458 : vector<10x384xf32>
    %select_n3A_465 = arith.select %lt3A_464, %squeeze3A_463, %select_n3A_458 : vector<10x384xi1>, vector<10x384xf32>
    %jit3A_466 = arith.constant 5 : i32
    %broadcast_in_dim3A_467 = vector.broadcast %jit3A_466 : i32 to vector<10x384xi32>
    %select_n3A_468 = arith.select %lt3A_464, %broadcast_in_dim3A_467, %select_n3A_461 : vector<10x384xi1>, vector<10x384xi32>
    %slice3A_469 = vector.extract_strided_slice %add3A_431 {offsets = [6, 0, 0], sizes = [1, 10, 384], strides = [1, 1, 1]} : vector<10x10x384xf32> to vector<1x10x384xf32>
    %squeeze3A_470 = vector.shape_cast %slice3A_469 : vector<1x10x384xf32> to vector<10x384xf32>
    %lt3A_471 = arith.cmpf olt, %squeeze3A_470, %select_n3A_465 : vector<10x384xf32>
    %select_n3A_472 = arith.select %lt3A_471, %squeeze3A_470, %select_n3A_465 : vector<10x384xi1>, vector<10x384xf32>
    %jit3A_473 = arith.constant 6 : i32
    %broadcast_in_dim3A_474 = vector.broadcast %jit3A_473 : i32 to vector<10x384xi32>
    %select_n3A_475 = arith.select %lt3A_471, %broadcast_in_dim3A_474, %select_n3A_468 : vector<10x384xi1>, vector<10x384xi32>
    %slice3A_476 = vector.extract_strided_slice %add3A_431 {offsets = [7, 0, 0], sizes = [1, 10, 384], strides = [1, 1, 1]} : vector<10x10x384xf32> to vector<1x10x384xf32>
    %squeeze3A_477 = vector.shape_cast %slice3A_476 : vector<1x10x384xf32> to vector<10x384xf32>
    %lt3A_478 = arith.cmpf olt, %squeeze3A_477, %select_n3A_472 : vector<10x384xf32>
    %select_n3A_479 = arith.select %lt3A_478, %squeeze3A_477, %select_n3A_472 : vector<10x384xi1>, vector<10x384xf32>
    %jit3A_480 = arith.constant 7 : i32
    %broadcast_in_dim3A_481 = vector.broadcast %jit3A_480 : i32 to vector<10x384xi32>
    %select_n3A_482 = arith.select %lt3A_478, %broadcast_in_dim3A_481, %select_n3A_475 : vector<10x384xi1>, vector<10x384xi32>
    %slice3A_483 = vector.extract_strided_slice %add3A_431 {offsets = [8, 0, 0], sizes = [1, 10, 384], strides = [1, 1, 1]} : vector<10x10x384xf32> to vector<1x10x384xf32>
    %squeeze3A_484 = vector.shape_cast %slice3A_483 : vector<1x10x384xf32> to vector<10x384xf32>
    %lt3A_485 = arith.cmpf olt, %squeeze3A_484, %select_n3A_479 : vector<10x384xf32>
    %select_n3A_486 = arith.select %lt3A_485, %squeeze3A_484, %select_n3A_479 : vector<10x384xi1>, vector<10x384xf32>
    %jit3A_487 = arith.constant 8 : i32
    %broadcast_in_dim3A_488 = vector.broadcast %jit3A_487 : i32 to vector<10x384xi32>
    %select_n3A_489 = arith.select %lt3A_485, %broadcast_in_dim3A_488, %select_n3A_482 : vector<10x384xi1>, vector<10x384xi32>
    %slice3A_490 = vector.extract_strided_slice %add3A_431 {offsets = [9, 0, 0], sizes = [1, 10, 384], strides = [1, 1, 1]} : vector<10x10x384xf32> to vector<1x10x384xf32>
    %squeeze3A_491 = vector.shape_cast %slice3A_490 : vector<1x10x384xf32> to vector<10x384xf32>
    %lt3A_492 = arith.cmpf olt, %squeeze3A_491, %select_n3A_486 : vector<10x384xf32>
    %select_n3A_493 = arith.select %lt3A_492, %squeeze3A_491, %select_n3A_486 : vector<10x384xi1>, vector<10x384xf32>
    %jit3A_494 = arith.constant 9 : i32
    %broadcast_in_dim3A_495 = vector.broadcast %jit3A_494 : i32 to vector<10x384xi32>
    %select_n3A_496 = arith.select %lt3A_492, %broadcast_in_dim3A_495, %select_n3A_489 : vector<10x384xi1>, vector<10x384xi32>
    %eq3A_497 = arith.constant 0 : i32
    %eq3A_498 = vector.broadcast %eq3A_497 : i32 to vector<10x384xi32>
    %eq3A_499 = arith.cmpi eq, %select_n3A_496, %eq3A_498 : vector<10x384xi32>
    %slice3A_500 = vector.extract_strided_slice %add3A_431 {offsets = [0, 0, 0], sizes = [1, 10, 384], strides = [1, 1, 1]} : vector<10x10x384xf32> to vector<1x10x384xf32>
    %squeeze3A_501 = vector.shape_cast %slice3A_500 : vector<1x10x384xf32> to vector<10x384xf32>
    %jit3A_502 = arith.constant 3.000000e+38 : f32
    %broadcast_in_dim3A_503 = vector.broadcast %jit3A_502 : f32 to vector<10x384xf32>
    %select_n3A_504 = arith.select %eq3A_499, %broadcast_in_dim3A_503, %squeeze3A_501 : vector<10x384xi1>, vector<10x384xf32>
    %broadcast_in_dim3A_505 = arith.constant 0 : i32
    %broadcast_in_dim3A_506 = vector.broadcast %broadcast_in_dim3A_505 : i32 to vector<10x384xi32>
    %slice3A_507 = vector.extract_strided_slice %add3A_431 {offsets = [1, 0, 0], sizes = [1, 10, 384], strides = [1, 1, 1]} : vector<10x10x384xf32> to vector<1x10x384xf32>
    %squeeze3A_508 = vector.shape_cast %slice3A_507 : vector<1x10x384xf32> to vector<10x384xf32>
    %ne3A = arith.constant 1 : i32
    %ne3A_509 = vector.broadcast %ne3A : i32 to vector<10x384xi32>
    %ne3A_510 = arith.cmpi ne, %select_n3A_496, %ne3A_509 : vector<10x384xi32>
    %lt3A_511 = arith.cmpf olt, %squeeze3A_508, %select_n3A_504 : vector<10x384xf32>
    %and3A = arith.andi %ne3A_510, %lt3A_511 : vector<10x384xi1>
    %select_n3A_512 = arith.select %and3A, %squeeze3A_508, %select_n3A_504 : vector<10x384xi1>, vector<10x384xf32>
    %jit3A_513 = arith.constant 1 : i32
    %broadcast_in_dim3A_514 = vector.broadcast %jit3A_513 : i32 to vector<10x384xi32>
    %select_n3A_515 = arith.select %and3A, %broadcast_in_dim3A_514, %broadcast_in_dim3A_506 : vector<10x384xi1>, vector<10x384xi32>
    %slice3A_516 = vector.extract_strided_slice %add3A_431 {offsets = [2, 0, 0], sizes = [1, 10, 384], strides = [1, 1, 1]} : vector<10x10x384xf32> to vector<1x10x384xf32>
    %squeeze3A_517 = vector.shape_cast %slice3A_516 : vector<1x10x384xf32> to vector<10x384xf32>
    %ne3A_518 = arith.constant 2 : i32
    %ne3A_519 = vector.broadcast %ne3A_518 : i32 to vector<10x384xi32>
    %ne3A_520 = arith.cmpi ne, %select_n3A_496, %ne3A_519 : vector<10x384xi32>
    %lt3A_521 = arith.cmpf olt, %squeeze3A_517, %select_n3A_512 : vector<10x384xf32>
    %and3A_522 = arith.andi %ne3A_520, %lt3A_521 : vector<10x384xi1>
    %select_n3A_523 = arith.select %and3A_522, %squeeze3A_517, %select_n3A_512 : vector<10x384xi1>, vector<10x384xf32>
    %jit3A_524 = arith.constant 2 : i32
    %broadcast_in_dim3A_525 = vector.broadcast %jit3A_524 : i32 to vector<10x384xi32>
    %select_n3A_526 = arith.select %and3A_522, %broadcast_in_dim3A_525, %select_n3A_515 : vector<10x384xi1>, vector<10x384xi32>
    %slice3A_527 = vector.extract_strided_slice %add3A_431 {offsets = [3, 0, 0], sizes = [1, 10, 384], strides = [1, 1, 1]} : vector<10x10x384xf32> to vector<1x10x384xf32>
    %squeeze3A_528 = vector.shape_cast %slice3A_527 : vector<1x10x384xf32> to vector<10x384xf32>
    %ne3A_529 = arith.constant 3 : i32
    %ne3A_530 = vector.broadcast %ne3A_529 : i32 to vector<10x384xi32>
    %ne3A_531 = arith.cmpi ne, %select_n3A_496, %ne3A_530 : vector<10x384xi32>
    %lt3A_532 = arith.cmpf olt, %squeeze3A_528, %select_n3A_523 : vector<10x384xf32>
    %and3A_533 = arith.andi %ne3A_531, %lt3A_532 : vector<10x384xi1>
    %select_n3A_534 = arith.select %and3A_533, %squeeze3A_528, %select_n3A_523 : vector<10x384xi1>, vector<10x384xf32>
    %jit3A_535 = arith.constant 3 : i32
    %broadcast_in_dim3A_536 = vector.broadcast %jit3A_535 : i32 to vector<10x384xi32>
    %select_n3A_537 = arith.select %and3A_533, %broadcast_in_dim3A_536, %select_n3A_526 : vector<10x384xi1>, vector<10x384xi32>
    %slice3A_538 = vector.extract_strided_slice %add3A_431 {offsets = [4, 0, 0], sizes = [1, 10, 384], strides = [1, 1, 1]} : vector<10x10x384xf32> to vector<1x10x384xf32>
    %squeeze3A_539 = vector.shape_cast %slice3A_538 : vector<1x10x384xf32> to vector<10x384xf32>
    %ne3A_540 = arith.constant 4 : i32
    %ne3A_541 = vector.broadcast %ne3A_540 : i32 to vector<10x384xi32>
    %ne3A_542 = arith.cmpi ne, %select_n3A_496, %ne3A_541 : vector<10x384xi32>
    %lt3A_543 = arith.cmpf olt, %squeeze3A_539, %select_n3A_534 : vector<10x384xf32>
    %and3A_544 = arith.andi %ne3A_542, %lt3A_543 : vector<10x384xi1>
    %select_n3A_545 = arith.select %and3A_544, %squeeze3A_539, %select_n3A_534 : vector<10x384xi1>, vector<10x384xf32>
    %jit3A_546 = arith.constant 4 : i32
    %broadcast_in_dim3A_547 = vector.broadcast %jit3A_546 : i32 to vector<10x384xi32>
    %select_n3A_548 = arith.select %and3A_544, %broadcast_in_dim3A_547, %select_n3A_537 : vector<10x384xi1>, vector<10x384xi32>
    %slice3A_549 = vector.extract_strided_slice %add3A_431 {offsets = [5, 0, 0], sizes = [1, 10, 384], strides = [1, 1, 1]} : vector<10x10x384xf32> to vector<1x10x384xf32>
    %squeeze3A_550 = vector.shape_cast %slice3A_549 : vector<1x10x384xf32> to vector<10x384xf32>
    %ne3A_551 = arith.constant 5 : i32
    %ne3A_552 = vector.broadcast %ne3A_551 : i32 to vector<10x384xi32>
    %ne3A_553 = arith.cmpi ne, %select_n3A_496, %ne3A_552 : vector<10x384xi32>
    %lt3A_554 = arith.cmpf olt, %squeeze3A_550, %select_n3A_545 : vector<10x384xf32>
    %and3A_555 = arith.andi %ne3A_553, %lt3A_554 : vector<10x384xi1>
    %select_n3A_556 = arith.select %and3A_555, %squeeze3A_550, %select_n3A_545 : vector<10x384xi1>, vector<10x384xf32>
    %jit3A_557 = arith.constant 5 : i32
    %broadcast_in_dim3A_558 = vector.broadcast %jit3A_557 : i32 to vector<10x384xi32>
    %select_n3A_559 = arith.select %and3A_555, %broadcast_in_dim3A_558, %select_n3A_548 : vector<10x384xi1>, vector<10x384xi32>
    %slice3A_560 = vector.extract_strided_slice %add3A_431 {offsets = [6, 0, 0], sizes = [1, 10, 384], strides = [1, 1, 1]} : vector<10x10x384xf32> to vector<1x10x384xf32>
    %squeeze3A_561 = vector.shape_cast %slice3A_560 : vector<1x10x384xf32> to vector<10x384xf32>
    %ne3A_562 = arith.constant 6 : i32
    %ne3A_563 = vector.broadcast %ne3A_562 : i32 to vector<10x384xi32>
    %ne3A_564 = arith.cmpi ne, %select_n3A_496, %ne3A_563 : vector<10x384xi32>
    %lt3A_565 = arith.cmpf olt, %squeeze3A_561, %select_n3A_556 : vector<10x384xf32>
    %and3A_566 = arith.andi %ne3A_564, %lt3A_565 : vector<10x384xi1>
    %select_n3A_567 = arith.select %and3A_566, %squeeze3A_561, %select_n3A_556 : vector<10x384xi1>, vector<10x384xf32>
    %jit3A_568 = arith.constant 6 : i32
    %broadcast_in_dim3A_569 = vector.broadcast %jit3A_568 : i32 to vector<10x384xi32>
    %select_n3A_570 = arith.select %and3A_566, %broadcast_in_dim3A_569, %select_n3A_559 : vector<10x384xi1>, vector<10x384xi32>
    %slice3A_571 = vector.extract_strided_slice %add3A_431 {offsets = [7, 0, 0], sizes = [1, 10, 384], strides = [1, 1, 1]} : vector<10x10x384xf32> to vector<1x10x384xf32>
    %squeeze3A_572 = vector.shape_cast %slice3A_571 : vector<1x10x384xf32> to vector<10x384xf32>
    %ne3A_573 = arith.constant 7 : i32
    %ne3A_574 = vector.broadcast %ne3A_573 : i32 to vector<10x384xi32>
    %ne3A_575 = arith.cmpi ne, %select_n3A_496, %ne3A_574 : vector<10x384xi32>
    %lt3A_576 = arith.cmpf olt, %squeeze3A_572, %select_n3A_567 : vector<10x384xf32>
    %and3A_577 = arith.andi %ne3A_575, %lt3A_576 : vector<10x384xi1>
    %select_n3A_578 = arith.select %and3A_577, %squeeze3A_572, %select_n3A_567 : vector<10x384xi1>, vector<10x384xf32>
    %jit3A_579 = arith.constant 7 : i32
    %broadcast_in_dim3A_580 = vector.broadcast %jit3A_579 : i32 to vector<10x384xi32>
    %select_n3A_581 = arith.select %and3A_577, %broadcast_in_dim3A_580, %select_n3A_570 : vector<10x384xi1>, vector<10x384xi32>
    %slice3A_582 = vector.extract_strided_slice %add3A_431 {offsets = [8, 0, 0], sizes = [1, 10, 384], strides = [1, 1, 1]} : vector<10x10x384xf32> to vector<1x10x384xf32>
    %squeeze3A_583 = vector.shape_cast %slice3A_582 : vector<1x10x384xf32> to vector<10x384xf32>
    %ne3A_584 = arith.constant 8 : i32
    %ne3A_585 = vector.broadcast %ne3A_584 : i32 to vector<10x384xi32>
    %ne3A_586 = arith.cmpi ne, %select_n3A_496, %ne3A_585 : vector<10x384xi32>
    %lt3A_587 = arith.cmpf olt, %squeeze3A_583, %select_n3A_578 : vector<10x384xf32>
    %and3A_588 = arith.andi %ne3A_586, %lt3A_587 : vector<10x384xi1>
    %select_n3A_589 = arith.select %and3A_588, %squeeze3A_583, %select_n3A_578 : vector<10x384xi1>, vector<10x384xf32>
    %jit3A_590 = arith.constant 8 : i32
    %broadcast_in_dim3A_591 = vector.broadcast %jit3A_590 : i32 to vector<10x384xi32>
    %select_n3A_592 = arith.select %and3A_588, %broadcast_in_dim3A_591, %select_n3A_581 : vector<10x384xi1>, vector<10x384xi32>
    %slice3A_593 = vector.extract_strided_slice %add3A_431 {offsets = [9, 0, 0], sizes = [1, 10, 384], strides = [1, 1, 1]} : vector<10x10x384xf32> to vector<1x10x384xf32>
    %squeeze3A_594 = vector.shape_cast %slice3A_593 : vector<1x10x384xf32> to vector<10x384xf32>
    %ne3A_595 = arith.constant 9 : i32
    %ne3A_596 = vector.broadcast %ne3A_595 : i32 to vector<10x384xi32>
    %ne3A_597 = arith.cmpi ne, %select_n3A_496, %ne3A_596 : vector<10x384xi32>
    %lt3A_598 = arith.cmpf olt, %squeeze3A_594, %select_n3A_589 : vector<10x384xf32>
    %and3A_599 = arith.andi %ne3A_597, %lt3A_598 : vector<10x384xi1>
    %select_n3A_600 = arith.select %and3A_599, %squeeze3A_594, %select_n3A_589 : vector<10x384xi1>, vector<10x384xf32>
    %jit3A_601 = arith.constant 9 : i32
    %broadcast_in_dim3A_602 = vector.broadcast %jit3A_601 : i32 to vector<10x384xi32>
    %select_n3A_603 = arith.select %and3A_599, %broadcast_in_dim3A_602, %select_n3A_592 : vector<10x384xi1>, vector<10x384xi32>
    %neg3A = arith.constant 0.000000e+00 : f32
    %neg3A_604 = vector.broadcast %neg3A : f32 to vector<10x384xf32>
    %neg3A_605 = arith.subf %neg3A_604, %select_n3A_493 : vector<10x384xf32>
    %div3A_606 = arith.constant 3.500000e-01 : f32
    %div3A_607 = vector.broadcast %div3A_606 : f32 to vector<10x384xf32>
    %div3A_608 = arith.divf %neg3A_605, %div3A_607 : vector<10x384xf32>
    %exp3A = math.exp %div3A_608 : vector<10x384xf32>
    %neg3A_609 = arith.constant 0.000000e+00 : f32
    %neg3A_610 = vector.broadcast %neg3A_609 : f32 to vector<10x384xf32>
    %neg3A_611 = arith.subf %neg3A_610, %select_n3A_600 : vector<10x384xf32>
    %div3A_612 = arith.constant 3.500000e-01 : f32
    %div3A_613 = vector.broadcast %div3A_612 : f32 to vector<10x384xf32>
    %div3A_614 = arith.divf %neg3A_611, %div3A_613 : vector<10x384xf32>
    %exp3A_615 = math.exp %div3A_614 : vector<10x384xf32>
    %add3A_616 = arith.addf %exp3A, %exp3A_615 : vector<10x384xf32>
    %add3A_617 = arith.constant 9.99999997E-7 : f32
    %add3A_618 = vector.broadcast %add3A_617 : f32 to vector<10x384xf32>
    %add3A_619 = arith.addf %add3A_616, %add3A_618 : vector<10x384xf32>
    %div3A_620 = arith.divf %exp3A, %add3A_619 : vector<10x384xf32>
    %div3A_621 = arith.divf %exp3A_615, %add3A_619 : vector<10x384xf32>
    %eq3A_622 = arith.constant 0 : i32
    %eq3A_623 = vector.broadcast %eq3A_622 : i32 to vector<10x384xi32>
    %eq3A_624 = arith.cmpi eq, %select_n3A_496, %eq3A_623 : vector<10x384xi32>
    %convert_element_type3A_625 = arith.extui %eq3A_624 : vector<10x384xi1> to vector<10x384xi32>
    %convert_element_type3A_626 = arith.sitofp %convert_element_type3A_625 : vector<10x384xi32> to vector<10x384xf32>
    %mul3A_627 = arith.mulf %div3A_620, %convert_element_type3A_626 : vector<10x384xf32>
    %eq3A_628 = arith.constant 0 : i32
    %eq3A_629 = vector.broadcast %eq3A_628 : i32 to vector<10x384xi32>
    %eq3A_630 = arith.cmpi eq, %select_n3A_603, %eq3A_629 : vector<10x384xi32>
    %convert_element_type3A_631 = arith.extui %eq3A_630 : vector<10x384xi1> to vector<10x384xi32>
    %convert_element_type3A_632 = arith.sitofp %convert_element_type3A_631 : vector<10x384xi32> to vector<10x384xf32>
    %mul3A_633 = arith.mulf %div3A_621, %convert_element_type3A_632 : vector<10x384xf32>
    %add3A_634 = arith.addf %mul3A_627, %mul3A_633 : vector<10x384xf32>
    %eq3A_635 = arith.constant 1 : i32
    %eq3A_636 = vector.broadcast %eq3A_635 : i32 to vector<10x384xi32>
    %eq3A_637 = arith.cmpi eq, %select_n3A_496, %eq3A_636 : vector<10x384xi32>
    %convert_element_type3A_638 = arith.extui %eq3A_637 : vector<10x384xi1> to vector<10x384xi32>
    %convert_element_type3A_639 = arith.sitofp %convert_element_type3A_638 : vector<10x384xi32> to vector<10x384xf32>
    %mul3A_640 = arith.mulf %div3A_620, %convert_element_type3A_639 : vector<10x384xf32>
    %eq3A_641 = arith.constant 1 : i32
    %eq3A_642 = vector.broadcast %eq3A_641 : i32 to vector<10x384xi32>
    %eq3A_643 = arith.cmpi eq, %select_n3A_603, %eq3A_642 : vector<10x384xi32>
    %convert_element_type3A_644 = arith.extui %eq3A_643 : vector<10x384xi1> to vector<10x384xi32>
    %convert_element_type3A_645 = arith.sitofp %convert_element_type3A_644 : vector<10x384xi32> to vector<10x384xf32>
    %mul3A_646 = arith.mulf %div3A_621, %convert_element_type3A_645 : vector<10x384xf32>
    %add3A_647 = arith.addf %mul3A_640, %mul3A_646 : vector<10x384xf32>
    %eq3A_648 = arith.constant 2 : i32
    %eq3A_649 = vector.broadcast %eq3A_648 : i32 to vector<10x384xi32>
    %eq3A_650 = arith.cmpi eq, %select_n3A_496, %eq3A_649 : vector<10x384xi32>
    %convert_element_type3A_651 = arith.extui %eq3A_650 : vector<10x384xi1> to vector<10x384xi32>
    %convert_element_type3A_652 = arith.sitofp %convert_element_type3A_651 : vector<10x384xi32> to vector<10x384xf32>
    %mul3A_653 = arith.mulf %div3A_620, %convert_element_type3A_652 : vector<10x384xf32>
    %eq3A_654 = arith.constant 2 : i32
    %eq3A_655 = vector.broadcast %eq3A_654 : i32 to vector<10x384xi32>
    %eq3A_656 = arith.cmpi eq, %select_n3A_603, %eq3A_655 : vector<10x384xi32>
    %convert_element_type3A_657 = arith.extui %eq3A_656 : vector<10x384xi1> to vector<10x384xi32>
    %convert_element_type3A_658 = arith.sitofp %convert_element_type3A_657 : vector<10x384xi32> to vector<10x384xf32>
    %mul3A_659 = arith.mulf %div3A_621, %convert_element_type3A_658 : vector<10x384xf32>
    %add3A_660 = arith.addf %mul3A_653, %mul3A_659 : vector<10x384xf32>
    %eq3A_661 = arith.constant 3 : i32
    %eq3A_662 = vector.broadcast %eq3A_661 : i32 to vector<10x384xi32>
    %eq3A_663 = arith.cmpi eq, %select_n3A_496, %eq3A_662 : vector<10x384xi32>
    %convert_element_type3A_664 = arith.extui %eq3A_663 : vector<10x384xi1> to vector<10x384xi32>
    %convert_element_type3A_665 = arith.sitofp %convert_element_type3A_664 : vector<10x384xi32> to vector<10x384xf32>
    %mul3A_666 = arith.mulf %div3A_620, %convert_element_type3A_665 : vector<10x384xf32>
    %eq3A_667 = arith.constant 3 : i32
    %eq3A_668 = vector.broadcast %eq3A_667 : i32 to vector<10x384xi32>
    %eq3A_669 = arith.cmpi eq, %select_n3A_603, %eq3A_668 : vector<10x384xi32>
    %convert_element_type3A_670 = arith.extui %eq3A_669 : vector<10x384xi1> to vector<10x384xi32>
    %convert_element_type3A_671 = arith.sitofp %convert_element_type3A_670 : vector<10x384xi32> to vector<10x384xf32>
    %mul3A_672 = arith.mulf %div3A_621, %convert_element_type3A_671 : vector<10x384xf32>
    %add3A_673 = arith.addf %mul3A_666, %mul3A_672 : vector<10x384xf32>
    %eq3A_674 = arith.constant 4 : i32
    %eq3A_675 = vector.broadcast %eq3A_674 : i32 to vector<10x384xi32>
    %eq3A_676 = arith.cmpi eq, %select_n3A_496, %eq3A_675 : vector<10x384xi32>
    %convert_element_type3A_677 = arith.extui %eq3A_676 : vector<10x384xi1> to vector<10x384xi32>
    %convert_element_type3A_678 = arith.sitofp %convert_element_type3A_677 : vector<10x384xi32> to vector<10x384xf32>
    %mul3A_679 = arith.mulf %div3A_620, %convert_element_type3A_678 : vector<10x384xf32>
    %eq3A_680 = arith.constant 4 : i32
    %eq3A_681 = vector.broadcast %eq3A_680 : i32 to vector<10x384xi32>
    %eq3A_682 = arith.cmpi eq, %select_n3A_603, %eq3A_681 : vector<10x384xi32>
    %convert_element_type3A_683 = arith.extui %eq3A_682 : vector<10x384xi1> to vector<10x384xi32>
    %convert_element_type3A_684 = arith.sitofp %convert_element_type3A_683 : vector<10x384xi32> to vector<10x384xf32>
    %mul3A_685 = arith.mulf %div3A_621, %convert_element_type3A_684 : vector<10x384xf32>
    %add3A_686 = arith.addf %mul3A_679, %mul3A_685 : vector<10x384xf32>
    %eq3A_687 = arith.constant 5 : i32
    %eq3A_688 = vector.broadcast %eq3A_687 : i32 to vector<10x384xi32>
    %eq3A_689 = arith.cmpi eq, %select_n3A_496, %eq3A_688 : vector<10x384xi32>
    %convert_element_type3A_690 = arith.extui %eq3A_689 : vector<10x384xi1> to vector<10x384xi32>
    %convert_element_type3A_691 = arith.sitofp %convert_element_type3A_690 : vector<10x384xi32> to vector<10x384xf32>
    %mul3A_692 = arith.mulf %div3A_620, %convert_element_type3A_691 : vector<10x384xf32>
    %eq3A_693 = arith.constant 5 : i32
    %eq3A_694 = vector.broadcast %eq3A_693 : i32 to vector<10x384xi32>
    %eq3A_695 = arith.cmpi eq, %select_n3A_603, %eq3A_694 : vector<10x384xi32>
    %convert_element_type3A_696 = arith.extui %eq3A_695 : vector<10x384xi1> to vector<10x384xi32>
    %convert_element_type3A_697 = arith.sitofp %convert_element_type3A_696 : vector<10x384xi32> to vector<10x384xf32>
    %mul3A_698 = arith.mulf %div3A_621, %convert_element_type3A_697 : vector<10x384xf32>
    %add3A_699 = arith.addf %mul3A_692, %mul3A_698 : vector<10x384xf32>
    %eq3A_700 = arith.constant 6 : i32
    %eq3A_701 = vector.broadcast %eq3A_700 : i32 to vector<10x384xi32>
    %eq3A_702 = arith.cmpi eq, %select_n3A_496, %eq3A_701 : vector<10x384xi32>
    %convert_element_type3A_703 = arith.extui %eq3A_702 : vector<10x384xi1> to vector<10x384xi32>
    %convert_element_type3A_704 = arith.sitofp %convert_element_type3A_703 : vector<10x384xi32> to vector<10x384xf32>
    %mul3A_705 = arith.mulf %div3A_620, %convert_element_type3A_704 : vector<10x384xf32>
    %eq3A_706 = arith.constant 6 : i32
    %eq3A_707 = vector.broadcast %eq3A_706 : i32 to vector<10x384xi32>
    %eq3A_708 = arith.cmpi eq, %select_n3A_603, %eq3A_707 : vector<10x384xi32>
    %convert_element_type3A_709 = arith.extui %eq3A_708 : vector<10x384xi1> to vector<10x384xi32>
    %convert_element_type3A_710 = arith.sitofp %convert_element_type3A_709 : vector<10x384xi32> to vector<10x384xf32>
    %mul3A_711 = arith.mulf %div3A_621, %convert_element_type3A_710 : vector<10x384xf32>
    %add3A_712 = arith.addf %mul3A_705, %mul3A_711 : vector<10x384xf32>
    %eq3A_713 = arith.constant 7 : i32
    %eq3A_714 = vector.broadcast %eq3A_713 : i32 to vector<10x384xi32>
    %eq3A_715 = arith.cmpi eq, %select_n3A_496, %eq3A_714 : vector<10x384xi32>
    %convert_element_type3A_716 = arith.extui %eq3A_715 : vector<10x384xi1> to vector<10x384xi32>
    %convert_element_type3A_717 = arith.sitofp %convert_element_type3A_716 : vector<10x384xi32> to vector<10x384xf32>
    %mul3A_718 = arith.mulf %div3A_620, %convert_element_type3A_717 : vector<10x384xf32>
    %eq3A_719 = arith.constant 7 : i32
    %eq3A_720 = vector.broadcast %eq3A_719 : i32 to vector<10x384xi32>
    %eq3A_721 = arith.cmpi eq, %select_n3A_603, %eq3A_720 : vector<10x384xi32>
    %convert_element_type3A_722 = arith.extui %eq3A_721 : vector<10x384xi1> to vector<10x384xi32>
    %convert_element_type3A_723 = arith.sitofp %convert_element_type3A_722 : vector<10x384xi32> to vector<10x384xf32>
    %mul3A_724 = arith.mulf %div3A_621, %convert_element_type3A_723 : vector<10x384xf32>
    %add3A_725 = arith.addf %mul3A_718, %mul3A_724 : vector<10x384xf32>
    %eq3A_726 = arith.constant 8 : i32
    %eq3A_727 = vector.broadcast %eq3A_726 : i32 to vector<10x384xi32>
    %eq3A_728 = arith.cmpi eq, %select_n3A_496, %eq3A_727 : vector<10x384xi32>
    %convert_element_type3A_729 = arith.extui %eq3A_728 : vector<10x384xi1> to vector<10x384xi32>
    %convert_element_type3A_730 = arith.sitofp %convert_element_type3A_729 : vector<10x384xi32> to vector<10x384xf32>
    %mul3A_731 = arith.mulf %div3A_620, %convert_element_type3A_730 : vector<10x384xf32>
    %eq3A_732 = arith.constant 8 : i32
    %eq3A_733 = vector.broadcast %eq3A_732 : i32 to vector<10x384xi32>
    %eq3A_734 = arith.cmpi eq, %select_n3A_603, %eq3A_733 : vector<10x384xi32>
    %convert_element_type3A_735 = arith.extui %eq3A_734 : vector<10x384xi1> to vector<10x384xi32>
    %convert_element_type3A_736 = arith.sitofp %convert_element_type3A_735 : vector<10x384xi32> to vector<10x384xf32>
    %mul3A_737 = arith.mulf %div3A_621, %convert_element_type3A_736 : vector<10x384xf32>
    %add3A_738 = arith.addf %mul3A_731, %mul3A_737 : vector<10x384xf32>
    %eq3A_739 = arith.constant 9 : i32
    %eq3A_740 = vector.broadcast %eq3A_739 : i32 to vector<10x384xi32>
    %eq3A_741 = arith.cmpi eq, %select_n3A_496, %eq3A_740 : vector<10x384xi32>
    %convert_element_type3A_742 = arith.extui %eq3A_741 : vector<10x384xi1> to vector<10x384xi32>
    %convert_element_type3A_743 = arith.sitofp %convert_element_type3A_742 : vector<10x384xi32> to vector<10x384xf32>
    %mul3A_744 = arith.mulf %div3A_620, %convert_element_type3A_743 : vector<10x384xf32>
    %eq3A_745 = arith.constant 9 : i32
    %eq3A_746 = vector.broadcast %eq3A_745 : i32 to vector<10x384xi32>
    %eq3A_747 = arith.cmpi eq, %select_n3A_603, %eq3A_746 : vector<10x384xi32>
    %convert_element_type3A_748 = arith.extui %eq3A_747 : vector<10x384xi1> to vector<10x384xi32>
    %convert_element_type3A_749 = arith.sitofp %convert_element_type3A_748 : vector<10x384xi32> to vector<10x384xf32>
    %mul3A_750 = arith.mulf %div3A_621, %convert_element_type3A_749 : vector<10x384xf32>
    %add3A_751 = arith.addf %mul3A_744, %mul3A_750 : vector<10x384xf32>
    %stack3A_752 = vector.shape_cast %add3A_634 : vector<10x384xf32> to vector<1x10x384xf32>
    %stack3A_753 = vector.shape_cast %add3A_647 : vector<10x384xf32> to vector<1x10x384xf32>
    %stack3A_754 = vector.shape_cast %add3A_660 : vector<10x384xf32> to vector<1x10x384xf32>
    %stack3A_755 = vector.shape_cast %add3A_673 : vector<10x384xf32> to vector<1x10x384xf32>
    %stack3A_756 = vector.shape_cast %add3A_686 : vector<10x384xf32> to vector<1x10x384xf32>
    %stack3A_757 = vector.shape_cast %add3A_699 : vector<10x384xf32> to vector<1x10x384xf32>
    %stack3A_758 = vector.shape_cast %add3A_712 : vector<10x384xf32> to vector<1x10x384xf32>
    %stack3A_759 = vector.shape_cast %add3A_725 : vector<10x384xf32> to vector<1x10x384xf32>
    %stack3A_760 = vector.shape_cast %add3A_738 : vector<10x384xf32> to vector<1x10x384xf32>
    %stack3A_761 = vector.shape_cast %add3A_751 : vector<10x384xf32> to vector<1x10x384xf32>
    %stack3A_762 = tpu.concatenate %stack3A_752, %stack3A_753, %stack3A_754, %stack3A_755, %stack3A_756, %stack3A_757, %stack3A_758, %stack3A_759, %stack3A_760, %stack3A_761 in 0 : vector<1x10x384xf32>, vector<1x10x384xf32>, vector<1x10x384xf32>, vector<1x10x384xf32>, vector<1x10x384xf32>, vector<1x10x384xf32>, vector<1x10x384xf32>, vector<1x10x384xf32>, vector<1x10x384xf32>, vector<1x10x384xf32> -> vector<10x10x384xf32>
    %transpose3A = tpu.transpose %stack3A_762, [1, 0, 2] : vector<10x10x384xf32> -> vector<10x10x384xf32>
    %add3A_763 = arith.addf %stack3A_762, %transpose3A : vector<10x10x384xf32>
    %mul3A_764 = arith.constant 5.000000e-01 : f32
    %mul3A_765 = vector.broadcast %mul3A_764 : f32 to vector<10x10x384xf32>
    %mul3A_766 = arith.mulf %mul3A_765, %add3A_763 : vector<10x10x384xf32>
    %mul3A_767 = arith.constant 5.000000e-01 : f32
    %mul3A_768 = vector.broadcast %mul3A_767 : f32 to vector<10x10x384xf32>
    %mul3A_769 = arith.mulf %mul3A_768, %convert_element_type3A_427 : vector<10x10x384xf32>
    %add3A_770 = arith.addf %mul3A_766, %mul3A_769 : vector<10x10x384xf32>
    %reduce_sum3A_771 = arith.constant dense<0.000000e+00> : vector<10x384xf32>
    %reduce_sum3A_772 = vector.multi_reduction <add>, %add3A_770, %reduce_sum3A_771 [0] : vector<10x10x384xf32> to vector<10x384xf32>
    %add3A_773 = arith.constant 9.99999997E-7 : f32
    %add3A_774 = vector.broadcast %add3A_773 : f32 to vector<10x384xf32>
    %add3A_775 = arith.addf %reduce_sum3A_772, %add3A_774 : vector<10x384xf32>
    %broadcast_in_dim3A_776 = vector.shape_cast %add3A_775 : vector<10x384xf32> to vector<1x10x384xf32>
    %div3A_777 = vector.broadcast %broadcast_in_dim3A_776 : vector<1x10x384xf32> to vector<10x10x384xf32>
    %div3A_778 = arith.divf %add3A_770, %div3A_777 : vector<10x10x384xf32>
    %reduce_sum3A_779 = arith.constant dense<0.000000e+00> : vector<10x384xf32>
    %reduce_sum3A_780 = vector.multi_reduction <add>, %div3A_778, %reduce_sum3A_779 [0] : vector<10x10x384xf32> to vector<10x384xf32>
    %jit3A_781 = arith.constant 9.99999997E-7 : f32
    %max3A_782 = vector.broadcast %jit3A_781 : f32 to vector<10x384xf32>
    %max3A_783 = arith.maximumf %max3A_782, %reduce_sum3A_780 : vector<10x384xf32>
    %rsqrt3A = math.rsqrt %max3A_783 : vector<10x384xf32>
    %broadcast_in_dim3A_784 = vector.shape_cast %rsqrt3A : vector<10x384xf32> to vector<10x1x384xf32>
    %broadcast_in_dim3A_785 = vector.shape_cast %rsqrt3A : vector<10x384xf32> to vector<1x10x384xf32>
    %mul3A_786 = vector.broadcast %broadcast_in_dim3A_785 : vector<1x10x384xf32> to vector<10x10x384xf32>
    %mul3A_787 = arith.mulf %div3A_778, %mul3A_786 : vector<10x10x384xf32>
    %mul3A_788 = vector.broadcast %broadcast_in_dim3A_784 : vector<10x1x384xf32> to vector<10x10x384xf32>
    %mul3A_789 = arith.mulf %mul3A_787, %mul3A_788 : vector<10x10x384xf32>
    %get3A_790 = arith.constant 0 : index
    %get3A_791 = arith.constant 0 : index
    %get3A_792 = vector.load %arg2[%get3A_790, %get3A_791] : memref<1x1xf32, #tpu.memory_space<vmem>>, vector<1x1xf32>
    %get3A_793 = vector.extract %get3A_792[0, 0] : f32 from vector<1x1xf32>
    %convert_element_type3A_794 = arith.truncf %get3A_793 : f32 to bf16
    %convert_element_type3A_795 = arith.truncf %mul3A_789 : vector<10x10x384xf32> to vector<10x10x384xbf16>
    %slice3A_796 = vector.extract_strided_slice %convert_element_type3A_795 {offsets = [0, 0, 0], sizes = [1, 1, 384], strides = [1, 1, 1]} : vector<10x10x384xbf16> to vector<1x1x384xbf16>
    %squeeze3A_797 = vector.shape_cast %slice3A_796 : vector<1x1x384xbf16> to vector<1x384xbf16>
    %get3A_798 = arith.constant 0 : index
    %get3A_799 = arith.constant 0 : index
    %get3A_800 = arith.constant 0 : index
    %get3A_801 = vector.load %arg1[%get3A_798, %get3A_799, %get3A_800] : memref<10x100x384xbf16, #tpu.memory_space<vmem>>, vector<1x100x384xbf16>
    %get3A_802 = vector.shape_cast %get3A_801 : vector<1x100x384xbf16> to vector<100x384xbf16>
    %mul3A_803 = vector.broadcast %squeeze3A_797 : vector<1x384xbf16> to vector<100x384xbf16>
    %mul3A_804 = arith.mulf %mul3A_803, %get3A_802 : vector<100x384xbf16>
    %slice3A_805 = vector.extract_strided_slice %convert_element_type3A_795 {offsets = [1, 0, 0], sizes = [1, 1, 384], strides = [1, 1, 1]} : vector<10x10x384xbf16> to vector<1x1x384xbf16>
    %squeeze3A_806 = vector.shape_cast %slice3A_805 : vector<1x1x384xbf16> to vector<1x384xbf16>
    %get3A_807 = arith.constant 1 : index
    %get3A_808 = arith.constant 0 : index
    %get3A_809 = arith.constant 0 : index
    %get3A_810 = vector.load %arg1[%get3A_807, %get3A_808, %get3A_809] : memref<10x100x384xbf16, #tpu.memory_space<vmem>>, vector<1x100x384xbf16>
    %get3A_811 = vector.shape_cast %get3A_810 : vector<1x100x384xbf16> to vector<100x384xbf16>
    %mul3A_812 = vector.broadcast %squeeze3A_806 : vector<1x384xbf16> to vector<100x384xbf16>
    %mul3A_813 = arith.mulf %mul3A_812, %get3A_811 : vector<100x384xbf16>
    %add3A_814 = arith.addf %mul3A_804, %mul3A_813 : vector<100x384xbf16>
    %slice3A_815 = vector.extract_strided_slice %convert_element_type3A_795 {offsets = [2, 0, 0], sizes = [1, 1, 384], strides = [1, 1, 1]} : vector<10x10x384xbf16> to vector<1x1x384xbf16>
    %squeeze3A_816 = vector.shape_cast %slice3A_815 : vector<1x1x384xbf16> to vector<1x384xbf16>
    %get3A_817 = arith.constant 2 : index
    %get3A_818 = arith.constant 0 : index
    %get3A_819 = arith.constant 0 : index
    %get3A_820 = vector.load %arg1[%get3A_817, %get3A_818, %get3A_819] : memref<10x100x384xbf16, #tpu.memory_space<vmem>>, vector<1x100x384xbf16>
    %get3A_821 = vector.shape_cast %get3A_820 : vector<1x100x384xbf16> to vector<100x384xbf16>
    %mul3A_822 = vector.broadcast %squeeze3A_816 : vector<1x384xbf16> to vector<100x384xbf16>
    %mul3A_823 = arith.mulf %mul3A_822, %get3A_821 : vector<100x384xbf16>
    %add3A_824 = arith.addf %add3A_814, %mul3A_823 : vector<100x384xbf16>
    %slice3A_825 = vector.extract_strided_slice %convert_element_type3A_795 {offsets = [3, 0, 0], sizes = [1, 1, 384], strides = [1, 1, 1]} : vector<10x10x384xbf16> to vector<1x1x384xbf16>
    %squeeze3A_826 = vector.shape_cast %slice3A_825 : vector<1x1x384xbf16> to vector<1x384xbf16>
    %get3A_827 = arith.constant 3 : index
    %get3A_828 = arith.constant 0 : index
    %get3A_829 = arith.constant 0 : index
    %get3A_830 = vector.load %arg1[%get3A_827, %get3A_828, %get3A_829] : memref<10x100x384xbf16, #tpu.memory_space<vmem>>, vector<1x100x384xbf16>
    %get3A_831 = vector.shape_cast %get3A_830 : vector<1x100x384xbf16> to vector<100x384xbf16>
    %mul3A_832 = vector.broadcast %squeeze3A_826 : vector<1x384xbf16> to vector<100x384xbf16>
    %mul3A_833 = arith.mulf %mul3A_832, %get3A_831 : vector<100x384xbf16>
    %add3A_834 = arith.addf %add3A_824, %mul3A_833 : vector<100x384xbf16>
    %slice3A_835 = vector.extract_strided_slice %convert_element_type3A_795 {offsets = [4, 0, 0], sizes = [1, 1, 384], strides = [1, 1, 1]} : vector<10x10x384xbf16> to vector<1x1x384xbf16>
    %squeeze3A_836 = vector.shape_cast %slice3A_835 : vector<1x1x384xbf16> to vector<1x384xbf16>
    %get3A_837 = arith.constant 4 : index
    %get3A_838 = arith.constant 0 : index
    %get3A_839 = arith.constant 0 : index
    %get3A_840 = vector.load %arg1[%get3A_837, %get3A_838, %get3A_839] : memref<10x100x384xbf16, #tpu.memory_space<vmem>>, vector<1x100x384xbf16>
    %get3A_841 = vector.shape_cast %get3A_840 : vector<1x100x384xbf16> to vector<100x384xbf16>
    %mul3A_842 = vector.broadcast %squeeze3A_836 : vector<1x384xbf16> to vector<100x384xbf16>
    %mul3A_843 = arith.mulf %mul3A_842, %get3A_841 : vector<100x384xbf16>
    %add3A_844 = arith.addf %add3A_834, %mul3A_843 : vector<100x384xbf16>
    %slice3A_845 = vector.extract_strided_slice %convert_element_type3A_795 {offsets = [5, 0, 0], sizes = [1, 1, 384], strides = [1, 1, 1]} : vector<10x10x384xbf16> to vector<1x1x384xbf16>
    %squeeze3A_846 = vector.shape_cast %slice3A_845 : vector<1x1x384xbf16> to vector<1x384xbf16>
    %get3A_847 = arith.constant 5 : index
    %get3A_848 = arith.constant 0 : index
    %get3A_849 = arith.constant 0 : index
    %get3A_850 = vector.load %arg1[%get3A_847, %get3A_848, %get3A_849] : memref<10x100x384xbf16, #tpu.memory_space<vmem>>, vector<1x100x384xbf16>
    %get3A_851 = vector.shape_cast %get3A_850 : vector<1x100x384xbf16> to vector<100x384xbf16>
    %mul3A_852 = vector.broadcast %squeeze3A_846 : vector<1x384xbf16> to vector<100x384xbf16>
    %mul3A_853 = arith.mulf %mul3A_852, %get3A_851 : vector<100x384xbf16>
    %add3A_854 = arith.addf %add3A_844, %mul3A_853 : vector<100x384xbf16>
    %slice3A_855 = vector.extract_strided_slice %convert_element_type3A_795 {offsets = [6, 0, 0], sizes = [1, 1, 384], strides = [1, 1, 1]} : vector<10x10x384xbf16> to vector<1x1x384xbf16>
    %squeeze3A_856 = vector.shape_cast %slice3A_855 : vector<1x1x384xbf16> to vector<1x384xbf16>
    %get3A_857 = arith.constant 6 : index
    %get3A_858 = arith.constant 0 : index
    %get3A_859 = arith.constant 0 : index
    %get3A_860 = vector.load %arg1[%get3A_857, %get3A_858, %get3A_859] : memref<10x100x384xbf16, #tpu.memory_space<vmem>>, vector<1x100x384xbf16>
    %get3A_861 = vector.shape_cast %get3A_860 : vector<1x100x384xbf16> to vector<100x384xbf16>
    %mul3A_862 = vector.broadcast %squeeze3A_856 : vector<1x384xbf16> to vector<100x384xbf16>
    %mul3A_863 = arith.mulf %mul3A_862, %get3A_861 : vector<100x384xbf16>
    %add3A_864 = arith.addf %add3A_854, %mul3A_863 : vector<100x384xbf16>
    %slice3A_865 = vector.extract_strided_slice %convert_element_type3A_795 {offsets = [7, 0, 0], sizes = [1, 1, 384], strides = [1, 1, 1]} : vector<10x10x384xbf16> to vector<1x1x384xbf16>
    %squeeze3A_866 = vector.shape_cast %slice3A_865 : vector<1x1x384xbf16> to vector<1x384xbf16>
    %get3A_867 = arith.constant 7 : index
    %get3A_868 = arith.constant 0 : index
    %get3A_869 = arith.constant 0 : index
    %get3A_870 = vector.load %arg1[%get3A_867, %get3A_868, %get3A_869] : memref<10x100x384xbf16, #tpu.memory_space<vmem>>, vector<1x100x384xbf16>
    %get3A_871 = vector.shape_cast %get3A_870 : vector<1x100x384xbf16> to vector<100x384xbf16>
    %mul3A_872 = vector.broadcast %squeeze3A_866 : vector<1x384xbf16> to vector<100x384xbf16>
    %mul3A_873 = arith.mulf %mul3A_872, %get3A_871 : vector<100x384xbf16>
    %add3A_874 = arith.addf %add3A_864, %mul3A_873 : vector<100x384xbf16>
    %slice3A_875 = vector.extract_strided_slice %convert_element_type3A_795 {offsets = [8, 0, 0], sizes = [1, 1, 384], strides = [1, 1, 1]} : vector<10x10x384xbf16> to vector<1x1x384xbf16>
    %squeeze3A_876 = vector.shape_cast %slice3A_875 : vector<1x1x384xbf16> to vector<1x384xbf16>
    %get3A_877 = arith.constant 8 : index
    %get3A_878 = arith.constant 0 : index
    %get3A_879 = arith.constant 0 : index
    %get3A_880 = vector.load %arg1[%get3A_877, %get3A_878, %get3A_879] : memref<10x100x384xbf16, #tpu.memory_space<vmem>>, vector<1x100x384xbf16>
    %get3A_881 = vector.shape_cast %get3A_880 : vector<1x100x384xbf16> to vector<100x384xbf16>
    %mul3A_882 = vector.broadcast %squeeze3A_876 : vector<1x384xbf16> to vector<100x384xbf16>
    %mul3A_883 = arith.mulf %mul3A_882, %get3A_881 : vector<100x384xbf16>
    %add3A_884 = arith.addf %add3A_874, %mul3A_883 : vector<100x384xbf16>
    %slice3A_885 = vector.extract_strided_slice %convert_element_type3A_795 {offsets = [9, 0, 0], sizes = [1, 1, 384], strides = [1, 1, 1]} : vector<10x10x384xbf16> to vector<1x1x384xbf16>
    %squeeze3A_886 = vector.shape_cast %slice3A_885 : vector<1x1x384xbf16> to vector<1x384xbf16>
    %get3A_887 = arith.constant 9 : index
    %get3A_888 = arith.constant 0 : index
    %get3A_889 = arith.constant 0 : index
    %get3A_890 = vector.load %arg1[%get3A_887, %get3A_888, %get3A_889] : memref<10x100x384xbf16, #tpu.memory_space<vmem>>, vector<1x100x384xbf16>
    %get3A_891 = vector.shape_cast %get3A_890 : vector<1x100x384xbf16> to vector<100x384xbf16>
    %mul3A_892 = vector.broadcast %squeeze3A_886 : vector<1x384xbf16> to vector<100x384xbf16>
    %mul3A_893 = arith.mulf %mul3A_892, %get3A_891 : vector<100x384xbf16>
    %add3A_894 = arith.addf %add3A_884, %mul3A_893 : vector<100x384xbf16>
    %get3A_895 = arith.constant 0 : index
    %get3A_896 = arith.constant 0 : index
    %get3A_897 = arith.constant 0 : index
    %get3A_898 = vector.load %arg1[%get3A_895, %get3A_896, %get3A_897] : memref<10x100x384xbf16, #tpu.memory_space<vmem>>, vector<1x100x384xbf16>
    %get3A_899 = vector.shape_cast %get3A_898 : vector<1x100x384xbf16> to vector<100x384xbf16>
    %mul3A_900 = vector.broadcast %convert_element_type3A_794 : bf16 to vector<100x384xbf16>
    %mul3A_901 = arith.mulf %mul3A_900, %add3A_894 : vector<100x384xbf16>
    %add3A_902 = arith.addf %get3A_899, %mul3A_901 : vector<100x384xbf16>
    %swap3A = arith.constant 0 : index
    %swap3A_903 = arith.constant 0 : index
    %swap3A_904 = arith.constant 0 : index
    %swap3A_905 = vector.load %arg3[%swap3A, %swap3A_903, %swap3A_904] : memref<10x100x384xbf16, #tpu.memory_space<vmem>>, vector<1x100x384xbf16>
    %swap3A_906 = vector.shape_cast %swap3A_905 : vector<1x100x384xbf16> to vector<100x384xbf16>
    %swap3A_907 = vector.shape_cast %add3A_902 : vector<100x384xbf16> to vector<1x100x384xbf16>
    tpu.vector_store %arg3[%swap3A, %swap3A_903, %swap3A_904], %swap3A_907 {strides = array<i32>} : memref<10x100x384xbf16, #tpu.memory_space<vmem>>, vector<1x100x384xbf16>,
    %slice3A_908 = vector.extract_strided_slice %convert_element_type3A_795 {offsets = [0, 1, 0], sizes = [1, 1, 384], strides = [1, 1, 1]} : vector<10x10x384xbf16> to vector<1x1x384xbf16>
    %squeeze3A_909 = vector.shape_cast %slice3A_908 : vector<1x1x384xbf16> to vector<1x384xbf16>
    %get3A_910 = arith.constant 0 : index
    %get3A_911 = arith.constant 0 : index
    %get3A_912 = arith.constant 0 : index
    %get3A_913 = vector.load %arg1[%get3A_910, %get3A_911, %get3A_912] : memref<10x100x384xbf16, #tpu.memory_space<vmem>>, vector<1x100x384xbf16>
    %get3A_914 = vector.shape_cast %get3A_913 : vector<1x100x384xbf16> to vector<100x384xbf16>
    %mul3A_915 = vector.broadcast %squeeze3A_909 : vector<1x384xbf16> to vector<100x384xbf16>
    %mul3A_916 = arith.mulf %mul3A_915, %get3A_914 : vector<100x384xbf16>
    %slice3A_917 = vector.extract_strided_slice %convert_element_type3A_795 {offsets = [1, 1, 0], sizes = [1, 1, 384], strides = [1, 1, 1]} : vector<10x10x384xbf16> to vector<1x1x384xbf16>
    %squeeze3A_918 = vector.shape_cast %slice3A_917 : vector<1x1x384xbf16> to vector<1x384xbf16>
    %get3A_919 = arith.constant 1 : index
    %get3A_920 = arith.constant 0 : index
    %get3A_921 = arith.constant 0 : index
    %get3A_922 = vector.load %arg1[%get3A_919, %get3A_920, %get3A_921] : memref<10x100x384xbf16, #tpu.memory_space<vmem>>, vector<1x100x384xbf16>
    %get3A_923 = vector.shape_cast %get3A_922 : vector<1x100x384xbf16> to vector<100x384xbf16>
    %mul3A_924 = vector.broadcast %squeeze3A_918 : vector<1x384xbf16> to vector<100x384xbf16>
    %mul3A_925 = arith.mulf %mul3A_924, %get3A_923 : vector<100x384xbf16>
    %add3A_926 = arith.addf %mul3A_916, %mul3A_925 : vector<100x384xbf16>
    %slice3A_927 = vector.extract_strided_slice %convert_element_type3A_795 {offsets = [2, 1, 0], sizes = [1, 1, 384], strides = [1, 1, 1]} : vector<10x10x384xbf16> to vector<1x1x384xbf16>
    %squeeze3A_928 = vector.shape_cast %slice3A_927 : vector<1x1x384xbf16> to vector<1x384xbf16>
    %get3A_929 = arith.constant 2 : index
    %get3A_930 = arith.constant 0 : index
    %get3A_931 = arith.constant 0 : index
    %get3A_932 = vector.load %arg1[%get3A_929, %get3A_930, %get3A_931] : memref<10x100x384xbf16, #tpu.memory_space<vmem>>, vector<1x100x384xbf16>
    %get3A_933 = vector.shape_cast %get3A_932 : vector<1x100x384xbf16> to vector<100x384xbf16>
    %mul3A_934 = vector.broadcast %squeeze3A_928 : vector<1x384xbf16> to vector<100x384xbf16>
    %mul3A_935 = arith.mulf %mul3A_934, %get3A_933 : vector<100x384xbf16>
    %add3A_936 = arith.addf %add3A_926, %mul3A_935 : vector<100x384xbf16>
    %slice3A_937 = vector.extract_strided_slice %convert_element_type3A_795 {offsets = [3, 1, 0], sizes = [1, 1, 384], strides = [1, 1, 1]} : vector<10x10x384xbf16> to vector<1x1x384xbf16>
    %squeeze3A_938 = vector.shape_cast %slice3A_937 : vector<1x1x384xbf16> to vector<1x384xbf16>
    %get3A_939 = arith.constant 3 : index
    %get3A_940 = arith.constant 0 : index
    %get3A_941 = arith.constant 0 : index
    %get3A_942 = vector.load %arg1[%get3A_939, %get3A_940, %get3A_941] : memref<10x100x384xbf16, #tpu.memory_space<vmem>>, vector<1x100x384xbf16>
    %get3A_943 = vector.shape_cast %get3A_942 : vector<1x100x384xbf16> to vector<100x384xbf16>
    %mul3A_944 = vector.broadcast %squeeze3A_938 : vector<1x384xbf16> to vector<100x384xbf16>
    %mul3A_945 = arith.mulf %mul3A_944, %get3A_943 : vector<100x384xbf16>
    %add3A_946 = arith.addf %add3A_936, %mul3A_945 : vector<100x384xbf16>
    %slice3A_947 = vector.extract_strided_slice %convert_element_type3A_795 {offsets = [4, 1, 0], sizes = [1, 1, 384], strides = [1, 1, 1]} : vector<10x10x384xbf16> to vector<1x1x384xbf16>
    %squeeze3A_948 = vector.shape_cast %slice3A_947 : vector<1x1x384xbf16> to vector<1x384xbf16>
    %get3A_949 = arith.constant 4 : index
    %get3A_950 = arith.constant 0 : index
    %get3A_951 = arith.constant 0 : index
    %get3A_952 = vector.load %arg1[%get3A_949, %get3A_950, %get3A_951] : memref<10x100x384xbf16, #tpu.memory_space<vmem>>, vector<1x100x384xbf16>
    %get3A_953 = vector.shape_cast %get3A_952 : vector<1x100x384xbf16> to vector<100x384xbf16>
    %mul3A_954 = vector.broadcast %squeeze3A_948 : vector<1x384xbf16> to vector<100x384xbf16>
    %mul3A_955 = arith.mulf %mul3A_954, %get3A_953 : vector<100x384xbf16>
    %add3A_956 = arith.addf %add3A_946, %mul3A_955 : vector<100x384xbf16>
    %slice3A_957 = vector.extract_strided_slice %convert_element_type3A_795 {offsets = [5, 1, 0], sizes = [1, 1, 384], strides = [1, 1, 1]} : vector<10x10x384xbf16> to vector<1x1x384xbf16>
    %squeeze3A_958 = vector.shape_cast %slice3A_957 : vector<1x1x384xbf16> to vector<1x384xbf16>
    %get3A_959 = arith.constant 5 : index
    %get3A_960 = arith.constant 0 : index
    %get3A_961 = arith.constant 0 : index
    %get3A_962 = vector.load %arg1[%get3A_959, %get3A_960, %get3A_961] : memref<10x100x384xbf16, #tpu.memory_space<vmem>>, vector<1x100x384xbf16>
    %get3A_963 = vector.shape_cast %get3A_962 : vector<1x100x384xbf16> to vector<100x384xbf16>
    %mul3A_964 = vector.broadcast %squeeze3A_958 : vector<1x384xbf16> to vector<100x384xbf16>
    %mul3A_965 = arith.mulf %mul3A_964, %get3A_963 : vector<100x384xbf16>
    %add3A_966 = arith.addf %add3A_956, %mul3A_965 : vector<100x384xbf16>
    %slice3A_967 = vector.extract_strided_slice %convert_element_type3A_795 {offsets = [6, 1, 0], sizes = [1, 1, 384], strides = [1, 1, 1]} : vector<10x10x384xbf16> to vector<1x1x384xbf16>
    %squeeze3A_968 = vector.shape_cast %slice3A_967 : vector<1x1x384xbf16> to vector<1x384xbf16>
    %get3A_969 = arith.constant 6 : index
    %get3A_970 = arith.constant 0 : index
    %get3A_971 = arith.constant 0 : index
    %get3A_972 = vector.load %arg1[%get3A_969, %get3A_970, %get3A_971] : memref<10x100x384xbf16, #tpu.memory_space<vmem>>, vector<1x100x384xbf16>
    %get3A_973 = vector.shape_cast %get3A_972 : vector<1x100x384xbf16> to vector<100x384xbf16>
    %mul3A_974 = vector.broadcast %squeeze3A_968 : vector<1x384xbf16> to vector<100x384xbf16>
    %mul3A_975 = arith.mulf %mul3A_974, %get3A_973 : vector<100x384xbf16>
    %add3A_976 = arith.addf %add3A_966, %mul3A_975 : vector<100x384xbf16>
    %slice3A_977 = vector.extract_strided_slice %convert_element_type3A_795 {offsets = [7, 1, 0], sizes = [1, 1, 384], strides = [1, 1, 1]} : vector<10x10x384xbf16> to vector<1x1x384xbf16>
    %squeeze3A_978 = vector.shape_cast %slice3A_977 : vector<1x1x384xbf16> to vector<1x384xbf16>
    %get3A_979 = arith.constant 7 : index
    %get3A_980 = arith.constant 0 : index
    %get3A_981 = arith.constant 0 : index
    %get3A_982 = vector.load %arg1[%get3A_979, %get3A_980, %get3A_981] : memref<10x100x384xbf16, #tpu.memory_space<vmem>>, vector<1x100x384xbf16>
    %get3A_983 = vector.shape_cast %get3A_982 : vector<1x100x384xbf16> to vector<100x384xbf16>
    %mul3A_984 = vector.broadcast %squeeze3A_978 : vector<1x384xbf16> to vector<100x384xbf16>
    %mul3A_985 = arith.mulf %mul3A_984, %get3A_983 : vector<100x384xbf16>
    %add3A_986 = arith.addf %add3A_976, %mul3A_985 : vector<100x384xbf16>
    %slice3A_987 = vector.extract_strided_slice %convert_element_type3A_795 {offsets = [8, 1, 0], sizes = [1, 1, 384], strides = [1, 1, 1]} : vector<10x10x384xbf16> to vector<1x1x384xbf16>
    %squeeze3A_988 = vector.shape_cast %slice3A_987 : vector<1x1x384xbf16> to vector<1x384xbf16>
    %get3A_989 = arith.constant 8 : index
    %get3A_990 = arith.constant 0 : index
    %get3A_991 = arith.constant 0 : index
    %get3A_992 = vector.load %arg1[%get3A_989, %get3A_990, %get3A_991] : memref<10x100x384xbf16, #tpu.memory_space<vmem>>, vector<1x100x384xbf16>
    %get3A_993 = vector.shape_cast %get3A_992 : vector<1x100x384xbf16> to vector<100x384xbf16>
    %mul3A_994 = vector.broadcast %squeeze3A_988 : vector<1x384xbf16> to vector<100x384xbf16>
    %mul3A_995 = arith.mulf %mul3A_994, %get3A_993 : vector<100x384xbf16>
    %add3A_996 = arith.addf %add3A_986, %mul3A_995 : vector<100x384xbf16>
    %slice3A_997 = vector.extract_strided_slice %convert_element_type3A_795 {offsets = [9, 1, 0], sizes = [1, 1, 384], strides = [1, 1, 1]} : vector<10x10x384xbf16> to vector<1x1x384xbf16>
    %squeeze3A_998 = vector.shape_cast %slice3A_997 : vector<1x1x384xbf16> to vector<1x384xbf16>
    %get3A_999 = arith.constant 9 : index
    %get3A_1000 = arith.constant 0 : index
    %get3A_1001 = arith.constant 0 : index
    %get3A_1002 = vector.load %arg1[%get3A_999, %get3A_1000, %get3A_1001] : memref<10x100x384xbf16, #tpu.memory_space<vmem>>, vector<1x100x384xbf16>
    %get3A_1003 = vector.shape_cast %get3A_1002 : vector<1x100x384xbf16> to vector<100x384xbf16>
    %mul3A_1004 = vector.broadcast %squeeze3A_998 : vector<1x384xbf16> to vector<100x384xbf16>
    %mul3A_1005 = arith.mulf %mul3A_1004, %get3A_1003 : vector<100x384xbf16>
    %add3A_1006 = arith.addf %add3A_996, %mul3A_1005 : vector<100x384xbf16>
    %get3A_1007 = arith.constant 1 : index
    %get3A_1008 = arith.constant 0 : index
    %get3A_1009 = arith.constant 0 : index
    %get3A_1010 = vector.load %arg1[%get3A_1007, %get3A_1008, %get3A_1009] : memref<10x100x384xbf16, #tpu.memory_space<vmem>>, vector<1x100x384xbf16>
    %get3A_1011 = vector.shape_cast %get3A_1010 : vector<1x100x384xbf16> to vector<100x384xbf16>
    %mul3A_1012 = vector.broadcast %convert_element_type3A_794 : bf16 to vector<100x384xbf16>
    %mul3A_1013 = arith.mulf %mul3A_1012, %add3A_1006 : vector<100x384xbf16>
    %add3A_1014 = arith.addf %get3A_1011, %mul3A_1013 : vector<100x384xbf16>
    %swap3A_1015 = arith.constant 1 : index
    %swap3A_1016 = arith.constant 0 : index
    %swap3A_1017 = arith.constant 0 : index
    %swap3A_1018 = vector.load %arg3[%swap3A_1015, %swap3A_1016, %swap3A_1017] : memref<10x100x384xbf16, #tpu.memory_space<vmem>>, vector<1x100x384xbf16>
    %swap3A_1019 = vector.shape_cast %swap3A_1018 : vector<1x100x384xbf16> to vector<100x384xbf16>
    %swap3A_1020 = vector.shape_cast %add3A_1014 : vector<100x384xbf16> to vector<1x100x384xbf16>
    tpu.vector_store %arg3[%swap3A_1015, %swap3A_1016, %swap3A_1017], %swap3A_1020 {strides = array<i32>} : memref<10x100x384xbf16, #tpu.memory_space<vmem>>, vector<1x100x384xbf16>,
    %slice3A_1021 = vector.extract_strided_slice %convert_element_type3A_795 {offsets = [0, 2, 0], sizes = [1, 1, 384], strides = [1, 1, 1]} : vector<10x10x384xbf16> to vector<1x1x384xbf16>
    %squeeze3A_1022 = vector.shape_cast %slice3A_1021 : vector<1x1x384xbf16> to vector<1x384xbf16>
    %get3A_1023 = arith.constant 0 : index
    %get3A_1024 = arith.constant 0 : index
    %get3A_1025 = arith.constant 0 : index
    %get3A_1026 = vector.load %arg1[%get3A_1023, %get3A_1024, %get3A_1025] : memref<10x100x384xbf16, #tpu.memory_space<vmem>>, vector<1x100x384xbf16>
    %get3A_1027 = vector.shape_cast %get3A_1026 : vector<1x100x384xbf16> to vector<100x384xbf16>
    %mul3A_1028 = vector.broadcast %squeeze3A_1022 : vector<1x384xbf16> to vector<100x384xbf16>
    %mul3A_1029 = arith.mulf %mul3A_1028, %get3A_1027 : vector<100x384xbf16>
    %slice3A_1030 = vector.extract_strided_slice %convert_element_type3A_795 {offsets = [1, 2, 0], sizes = [1, 1, 384], strides = [1, 1, 1]} : vector<10x10x384xbf16> to vector<1x1x384xbf16>
    %squeeze3A_1031 = vector.shape_cast %slice3A_1030 : vector<1x1x384xbf16> to vector<1x384xbf16>
    %get3A_1032 = arith.constant 1 : index
    %get3A_1033 = arith.constant 0 : index
    %get3A_1034 = arith.constant 0 : index
    %get3A_1035 = vector.load %arg1[%get3A_1032, %get3A_1033, %get3A_1034] : memref<10x100x384xbf16, #tpu.memory_space<vmem>>, vector<1x100x384xbf16>
    %get3A_1036 = vector.shape_cast %get3A_1035 : vector<1x100x384xbf16> to vector<100x384xbf16>
    %mul3A_1037 = vector.broadcast %squeeze3A_1031 : vector<1x384xbf16> to vector<100x384xbf16>
    %mul3A_1038 = arith.mulf %mul3A_1037, %get3A_1036 : vector<100x384xbf16>
    %add3A_1039 = arith.addf %mul3A_1029, %mul3A_1038 : vector<100x384xbf16>
    %slice3A_1040 = vector.extract_strided_slice %convert_element_type3A_795 {offsets = [2, 2, 0], sizes = [1, 1, 384], strides = [1, 1, 1]} : vector<10x10x384xbf16> to vector<1x1x384xbf16>
    %squeeze3A_1041 = vector.shape_cast %slice3A_1040 : vector<1x1x384xbf16> to vector<1x384xbf16>
    %get3A_1042 = arith.constant 2 : index
    %get3A_1043 = arith.constant 0 : index
    %get3A_1044 = arith.constant 0 : index
    %get3A_1045 = vector.load %arg1[%get3A_1042, %get3A_1043, %get3A_1044] : memref<10x100x384xbf16, #tpu.memory_space<vmem>>, vector<1x100x384xbf16>
    %get3A_1046 = vector.shape_cast %get3A_1045 : vector<1x100x384xbf16> to vector<100x384xbf16>
    %mul3A_1047 = vector.broadcast %squeeze3A_1041 : vector<1x384xbf16> to vector<100x384xbf16>
    %mul3A_1048 = arith.mulf %mul3A_1047, %get3A_1046 : vector<100x384xbf16>
    %add3A_1049 = arith.addf %add3A_1039, %mul3A_1048 : vector<100x384xbf16>
    %slice3A_1050 = vector.extract_strided_slice %convert_element_type3A_795 {offsets = [3, 2, 0], sizes = [1, 1, 384], strides = [1, 1, 1]} : vector<10x10x384xbf16> to vector<1x1x384xbf16>
    %squeeze3A_1051 = vector.shape_cast %slice3A_1050 : vector<1x1x384xbf16> to vector<1x384xbf16>
    %get3A_1052 = arith.constant 3 : index
    %get3A_1053 = arith.constant 0 : index
    %get3A_1054 = arith.constant 0 : index
    %get3A_1055 = vector.load %arg1[%get3A_1052, %get3A_1053, %get3A_1054] : memref<10x100x384xbf16, #tpu.memory_space<vmem>>, vector<1x100x384xbf16>
    %get3A_1056 = vector.shape_cast %get3A_1055 : vector<1x100x384xbf16> to vector<100x384xbf16>
    %mul3A_1057 = vector.broadcast %squeeze3A_1051 : vector<1x384xbf16> to vector<100x384xbf16>
    %mul3A_1058 = arith.mulf %mul3A_1057, %get3A_1056 : vector<100x384xbf16>
    %add3A_1059 = arith.addf %add3A_1049, %mul3A_1058 : vector<100x384xbf16>
    %slice3A_1060 = vector.extract_strided_slice %convert_element_type3A_795 {offsets = [4, 2, 0], sizes = [1, 1, 384], strides = [1, 1, 1]} : vector<10x10x384xbf16> to vector<1x1x384xbf16>
    %squeeze3A_1061 = vector.shape_cast %slice3A_1060 : vector<1x1x384xbf16> to vector<1x384xbf16>
    %get3A_1062 = arith.constant 4 : index
    %get3A_1063 = arith.constant 0 : index
    %get3A_1064 = arith.constant 0 : index
    %get3A_1065 = vector.load %arg1[%get3A_1062, %get3A_1063, %get3A_1064] : memref<10x100x384xbf16, #tpu.memory_space<vmem>>, vector<1x100x384xbf16>
    %get3A_1066 = vector.shape_cast %get3A_1065 : vector<1x100x384xbf16> to vector<100x384xbf16>
    %mul3A_1067 = vector.broadcast %squeeze3A_1061 : vector<1x384xbf16> to vector<100x384xbf16>
    %mul3A_1068 = arith.mulf %mul3A_1067, %get3A_1066 : vector<100x384xbf16>
    %add3A_1069 = arith.addf %add3A_1059, %mul3A_1068 : vector<100x384xbf16>
    %slice3A_1070 = vector.extract_strided_slice %convert_element_type3A_795 {offsets = [5, 2, 0], sizes = [1, 1, 384], strides = [1, 1, 1]} : vector<10x10x384xbf16> to vector<1x1x384xbf16>
    %squeeze3A_1071 = vector.shape_cast %slice3A_1070 : vector<1x1x384xbf16> to vector<1x384xbf16>
    %get3A_1072 = arith.constant 5 : index
    %get3A_1073 = arith.constant 0 : index
    %get3A_1074 = arith.constant 0 : index
    %get3A_1075 = vector.load %arg1[%get3A_1072, %get3A_1073, %get3A_1074] : memref<10x100x384xbf16, #tpu.memory_space<vmem>>, vector<1x100x384xbf16>
    %get3A_1076 = vector.shape_cast %get3A_1075 : vector<1x100x384xbf16> to vector<100x384xbf16>
    %mul3A_1077 = vector.broadcast %squeeze3A_1071 : vector<1x384xbf16> to vector<100x384xbf16>
    %mul3A_1078 = arith.mulf %mul3A_1077, %get3A_1076 : vector<100x384xbf16>
    %add3A_1079 = arith.addf %add3A_1069, %mul3A_1078 : vector<100x384xbf16>
    %slice3A_1080 = vector.extract_strided_slice %convert_element_type3A_795 {offsets = [6, 2, 0], sizes = [1, 1, 384], strides = [1, 1, 1]} : vector<10x10x384xbf16> to vector<1x1x384xbf16>
    %squeeze3A_1081 = vector.shape_cast %slice3A_1080 : vector<1x1x384xbf16> to vector<1x384xbf16>
    %get3A_1082 = arith.constant 6 : index
    %get3A_1083 = arith.constant 0 : index
    %get3A_1084 = arith.constant 0 : index
    %get3A_1085 = vector.load %arg1[%get3A_1082, %get3A_1083, %get3A_1084] : memref<10x100x384xbf16, #tpu.memory_space<vmem>>, vector<1x100x384xbf16>
    %get3A_1086 = vector.shape_cast %get3A_1085 : vector<1x100x384xbf16> to vector<100x384xbf16>
    %mul3A_1087 = vector.broadcast %squeeze3A_1081 : vector<1x384xbf16> to vector<100x384xbf16>
    %mul3A_1088 = arith.mulf %mul3A_1087, %get3A_1086 : vector<100x384xbf16>
    %add3A_1089 = arith.addf %add3A_1079, %mul3A_1088 : vector<100x384xbf16>
    %slice3A_1090 = vector.extract_strided_slice %convert_element_type3A_795 {offsets = [7, 2, 0], sizes = [1, 1, 384], strides = [1, 1, 1]} : vector<10x10x384xbf16> to vector<1x1x384xbf16>
    %squeeze3A_1091 = vector.shape_cast %slice3A_1090 : vector<1x1x384xbf16> to vector<1x384xbf16>
    %get3A_1092 = arith.constant 7 : index
    %get3A_1093 = arith.constant 0 : index
    %get3A_1094 = arith.constant 0 : index
    %get3A_1095 = vector.load %arg1[%get3A_1092, %get3A_1093, %get3A_1094] : memref<10x100x384xbf16, #tpu.memory_space<vmem>>, vector<1x100x384xbf16>
    %get3A_1096 = vector.shape_cast %get3A_1095 : vector<1x100x384xbf16> to vector<100x384xbf16>
    %mul3A_1097 = vector.broadcast %squeeze3A_1091 : vector<1x384xbf16> to vector<100x384xbf16>
    %mul3A_1098 = arith.mulf %mul3A_1097, %get3A_1096 : vector<100x384xbf16>
    %add3A_1099 = arith.addf %add3A_1089, %mul3A_1098 : vector<100x384xbf16>
    %slice3A_1100 = vector.extract_strided_slice %convert_element_type3A_795 {offsets = [8, 2, 0], sizes = [1, 1, 384], strides = [1, 1, 1]} : vector<10x10x384xbf16> to vector<1x1x384xbf16>
    %squeeze3A_1101 = vector.shape_cast %slice3A_1100 : vector<1x1x384xbf16> to vector<1x384xbf16>
    %get3A_1102 = arith.constant 8 : index
    %get3A_1103 = arith.constant 0 : index
    %get3A_1104 = arith.constant 0 : index
    %get3A_1105 = vector.load %arg1[%get3A_1102, %get3A_1103, %get3A_1104] : memref<10x100x384xbf16, #tpu.memory_space<vmem>>, vector<1x100x384xbf16>
    %get3A_1106 = vector.shape_cast %get3A_1105 : vector<1x100x384xbf16> to vector<100x384xbf16>
    %mul3A_1107 = vector.broadcast %squeeze3A_1101 : vector<1x384xbf16> to vector<100x384xbf16>
    %mul3A_1108 = arith.mulf %mul3A_1107, %get3A_1106 : vector<100x384xbf16>
    %add3A_1109 = arith.addf %add3A_1099, %mul3A_1108 : vector<100x384xbf16>
    %slice3A_1110 = vector.extract_strided_slice %convert_element_type3A_795 {offsets = [9, 2, 0], sizes = [1, 1, 384], strides = [1, 1, 1]} : vector<10x10x384xbf16> to vector<1x1x384xbf16>
    %squeeze3A_1111 = vector.shape_cast %slice3A_1110 : vector<1x1x384xbf16> to vector<1x384xbf16>
    %get3A_1112 = arith.constant 9 : index
    %get3A_1113 = arith.constant 0 : index
    %get3A_1114 = arith.constant 0 : index
    %get3A_1115 = vector.load %arg1[%get3A_1112, %get3A_1113, %get3A_1114] : memref<10x100x384xbf16, #tpu.memory_space<vmem>>, vector<1x100x384xbf16>
    %get3A_1116 = vector.shape_cast %get3A_1115 : vector<1x100x384xbf16> to vector<100x384xbf16>
    %mul3A_1117 = vector.broadcast %squeeze3A_1111 : vector<1x384xbf16> to vector<100x384xbf16>
    %mul3A_1118 = arith.mulf %mul3A_1117, %get3A_1116 : vector<100x384xbf16>
    %add3A_1119 = arith.addf %add3A_1109, %mul3A_1118 : vector<100x384xbf16>
    %get3A_1120 = arith.constant 2 : index
    %get3A_1121 = arith.constant 0 : index
    %get3A_1122 = arith.constant 0 : index
    %get3A_1123 = vector.load %arg1[%get3A_1120, %get3A_1121, %get3A_1122] : memref<10x100x384xbf16, #tpu.memory_space<vmem>>, vector<1x100x384xbf16>
    %get3A_1124 = vector.shape_cast %get3A_1123 : vector<1x100x384xbf16> to vector<100x384xbf16>
    %mul3A_1125 = vector.broadcast %convert_element_type3A_794 : bf16 to vector<100x384xbf16>
    %mul3A_1126 = arith.mulf %mul3A_1125, %add3A_1119 : vector<100x384xbf16>
    %add3A_1127 = arith.addf %get3A_1124, %mul3A_1126 : vector<100x384xbf16>
    %swap3A_1128 = arith.constant 2 : index
    %swap3A_1129 = arith.constant 0 : index
    %swap3A_1130 = arith.constant 0 : index
    %swap3A_1131 = vector.load %arg3[%swap3A_1128, %swap3A_1129, %swap3A_1130] : memref<10x100x384xbf16, #tpu.memory_space<vmem>>, vector<1x100x384xbf16>
    %swap3A_1132 = vector.shape_cast %swap3A_1131 : vector<1x100x384xbf16> to vector<100x384xbf16>
    %swap3A_1133 = vector.shape_cast %add3A_1127 : vector<100x384xbf16> to vector<1x100x384xbf16>
    tpu.vector_store %arg3[%swap3A_1128, %swap3A_1129, %swap3A_1130], %swap3A_1133 {strides = array<i32>} : memref<10x100x384xbf16, #tpu.memory_space<vmem>>, vector<1x100x384xbf16>,
    %slice3A_1134 = vector.extract_strided_slice %convert_element_type3A_795 {offsets = [0, 3, 0], sizes = [1, 1, 384], strides = [1, 1, 1]} : vector<10x10x384xbf16> to vector<1x1x384xbf16>
    %squeeze3A_1135 = vector.shape_cast %slice3A_1134 : vector<1x1x384xbf16> to vector<1x384xbf16>
    %get3A_1136 = arith.constant 0 : index
    %get3A_1137 = arith.constant 0 : index
    %get3A_1138 = arith.constant 0 : index
    %get3A_1139 = vector.load %arg1[%get3A_1136, %get3A_1137, %get3A_1138] : memref<10x100x384xbf16, #tpu.memory_space<vmem>>, vector<1x100x384xbf16>
    %get3A_1140 = vector.shape_cast %get3A_1139 : vector<1x100x384xbf16> to vector<100x384xbf16>
    %mul3A_1141 = vector.broadcast %squeeze3A_1135 : vector<1x384xbf16> to vector<100x384xbf16>
    %mul3A_1142 = arith.mulf %mul3A_1141, %get3A_1140 : vector<100x384xbf16>
    %slice3A_1143 = vector.extract_strided_slice %convert_element_type3A_795 {offsets = [1, 3, 0], sizes = [1, 1, 384], strides = [1, 1, 1]} : vector<10x10x384xbf16> to vector<1x1x384xbf16>
    %squeeze3A_1144 = vector.shape_cast %slice3A_1143 : vector<1x1x384xbf16> to vector<1x384xbf16>
    %get3A_1145 = arith.constant 1 : index
    %get3A_1146 = arith.constant 0 : index
    %get3A_1147 = arith.constant 0 : index
    %get3A_1148 = vector.load %arg1[%get3A_1145, %get3A_1146, %get3A_1147] : memref<10x100x384xbf16, #tpu.memory_space<vmem>>, vector<1x100x384xbf16>
    %get3A_1149 = vector.shape_cast %get3A_1148 : vector<1x100x384xbf16> to vector<100x384xbf16>
    %mul3A_1150 = vector.broadcast %squeeze3A_1144 : vector<1x384xbf16> to vector<100x384xbf16>
    %mul3A_1151 = arith.mulf %mul3A_1150, %get3A_1149 : vector<100x384xbf16>
    %add3A_1152 = arith.addf %mul3A_1142, %mul3A_1151 : vector<100x384xbf16>
    %slice3A_1153 = vector.extract_strided_slice %convert_element_type3A_795 {offsets = [2, 3, 0], sizes = [1, 1, 384], strides = [1, 1, 1]} : vector<10x10x384xbf16> to vector<1x1x384xbf16>
    %squeeze3A_1154 = vector.shape_cast %slice3A_1153 : vector<1x1x384xbf16> to vector<1x384xbf16>
    %get3A_1155 = arith.constant 2 : index
    %get3A_1156 = arith.constant 0 : index
    %get3A_1157 = arith.constant 0 : index
    %get3A_1158 = vector.load %arg1[%get3A_1155, %get3A_1156, %get3A_1157] : memref<10x100x384xbf16, #tpu.memory_space<vmem>>, vector<1x100x384xbf16>
    %get3A_1159 = vector.shape_cast %get3A_1158 : vector<1x100x384xbf16> to vector<100x384xbf16>
    %mul3A_1160 = vector.broadcast %squeeze3A_1154 : vector<1x384xbf16> to vector<100x384xbf16>
    %mul3A_1161 = arith.mulf %mul3A_1160, %get3A_1159 : vector<100x384xbf16>
    %add3A_1162 = arith.addf %add3A_1152, %mul3A_1161 : vector<100x384xbf16>
    %slice3A_1163 = vector.extract_strided_slice %convert_element_type3A_795 {offsets = [3, 3, 0], sizes = [1, 1, 384], strides = [1, 1, 1]} : vector<10x10x384xbf16> to vector<1x1x384xbf16>
    %squeeze3A_1164 = vector.shape_cast %slice3A_1163 : vector<1x1x384xbf16> to vector<1x384xbf16>
    %get3A_1165 = arith.constant 3 : index
    %get3A_1166 = arith.constant 0 : index
    %get3A_1167 = arith.constant 0 : index
    %get3A_1168 = vector.load %arg1[%get3A_1165, %get3A_1166, %get3A_1167] : memref<10x100x384xbf16, #tpu.memory_space<vmem>>, vector<1x100x384xbf16>
    %get3A_1169 = vector.shape_cast %get3A_1168 : vector<1x100x384xbf16> to vector<100x384xbf16>
    %mul3A_1170 = vector.broadcast %squeeze3A_1164 : vector<1x384xbf16> to vector<100x384xbf16>
    %mul3A_1171 = arith.mulf %mul3A_1170, %get3A_1169 : vector<100x384xbf16>
    %add3A_1172 = arith.addf %add3A_1162, %mul3A_1171 : vector<100x384xbf16>
    %slice3A_1173 = vector.extract_strided_slice %convert_element_type3A_795 {offsets = [4, 3, 0], sizes = [1, 1, 384], strides = [1, 1, 1]} : vector<10x10x384xbf16> to vector<1x1x384xbf16>
    %squeeze3A_1174 = vector.shape_cast %slice3A_1173 : vector<1x1x384xbf16> to vector<1x384xbf16>
    %get3A_1175 = arith.constant 4 : index
    %get3A_1176 = arith.constant 0 : index
    %get3A_1177 = arith.constant 0 : index
    %get3A_1178 = vector.load %arg1[%get3A_1175, %get3A_1176, %get3A_1177] : memref<10x100x384xbf16, #tpu.memory_space<vmem>>, vector<1x100x384xbf16>
    %get3A_1179 = vector.shape_cast %get3A_1178 : vector<1x100x384xbf16> to vector<100x384xbf16>
    %mul3A_1180 = vector.broadcast %squeeze3A_1174 : vector<1x384xbf16> to vector<100x384xbf16>
    %mul3A_1181 = arith.mulf %mul3A_1180, %get3A_1179 : vector<100x384xbf16>
    %add3A_1182 = arith.addf %add3A_1172, %mul3A_1181 : vector<100x384xbf16>
    %slice3A_1183 = vector.extract_strided_slice %convert_element_type3A_795 {offsets = [5, 3, 0], sizes = [1, 1, 384], strides = [1, 1, 1]} : vector<10x10x384xbf16> to vector<1x1x384xbf16>
    %squeeze3A_1184 = vector.shape_cast %slice3A_1183 : vector<1x1x384xbf16> to vector<1x384xbf16>
    %get3A_1185 = arith.constant 5 : index
    %get3A_1186 = arith.constant 0 : index
    %get3A_1187 = arith.constant 0 : index
    %get3A_1188 = vector.load %arg1[%get3A_1185, %get3A_1186, %get3A_1187] : memref<10x100x384xbf16, #tpu.memory_space<vmem>>, vector<1x100x384xbf16>
    %get3A_1189 = vector.shape_cast %get3A_1188 : vector<1x100x384xbf16> to vector<100x384xbf16>
    %mul3A_1190 = vector.broadcast %squeeze3A_1184 : vector<1x384xbf16> to vector<100x384xbf16>
    %mul3A_1191 = arith.mulf %mul3A_1190, %get3A_1189 : vector<100x384xbf16>
    %add3A_1192 = arith.addf %add3A_1182, %mul3A_1191 : vector<100x384xbf16>
    %slice3A_1193 = vector.extract_strided_slice %convert_element_type3A_795 {offsets = [6, 3, 0], sizes = [1, 1, 384], strides = [1, 1, 1]} : vector<10x10x384xbf16> to vector<1x1x384xbf16>
    %squeeze3A_1194 = vector.shape_cast %slice3A_1193 : vector<1x1x384xbf16> to vector<1x384xbf16>
    %get3A_1195 = arith.constant 6 : index
    %get3A_1196 = arith.constant 0 : index
    %get3A_1197 = arith.constant 0 : index
    %get3A_1198 = vector.load %arg1[%get3A_1195, %get3A_1196, %get3A_1197] : memref<10x100x384xbf16, #tpu.memory_space<vmem>>, vector<1x100x384xbf16>
    %get3A_1199 = vector.shape_cast %get3A_1198 : vector<1x100x384xbf16> to vector<100x384xbf16>
    %mul3A_1200 = vector.broadcast %squeeze3A_1194 : vector<1x384xbf16> to vector<100x384xbf16>
    %mul3A_1201 = arith.mulf %mul3A_1200, %get3A_1199 : vector<100x384xbf16>
    %add3A_1202 = arith.addf %add3A_1192, %mul3A_1201 : vector<100x384xbf16>
    %slice3A_1203 = vector.extract_strided_slice %convert_element_type3A_795 {offsets = [7, 3, 0], sizes = [1, 1, 384], strides = [1, 1, 1]} : vector<10x10x384xbf16> to vector<1x1x384xbf16>
    %squeeze3A_1204 = vector.shape_cast %slice3A_1203 : vector<1x1x384xbf16> to vector<1x384xbf16>
    %get3A_1205 = arith.constant 7 : index
    %get3A_1206 = arith.constant 0 : index
    %get3A_1207 = arith.constant 0 : index
    %get3A_1208 = vector.load %arg1[%get3A_1205, %get3A_1206, %get3A_1207] : memref<10x100x384xbf16, #tpu.memory_space<vmem>>, vector<1x100x384xbf16>
    %get3A_1209 = vector.shape_cast %get3A_1208 : vector<1x100x384xbf16> to vector<100x384xbf16>
    %mul3A_1210 = vector.broadcast %squeeze3A_1204 : vector<1x384xbf16> to vector<100x384xbf16>
    %mul3A_1211 = arith.mulf %mul3A_1210, %get3A_1209 : vector<100x384xbf16>
    %add3A_1212 = arith.addf %add3A_1202, %mul3A_1211 : vector<100x384xbf16>
    %slice3A_1213 = vector.extract_strided_slice %convert_element_type3A_795 {offsets = [8, 3, 0], sizes = [1, 1, 384], strides = [1, 1, 1]} : vector<10x10x384xbf16> to vector<1x1x384xbf16>
    %squeeze3A_1214 = vector.shape_cast %slice3A_1213 : vector<1x1x384xbf16> to vector<1x384xbf16>
    %get3A_1215 = arith.constant 8 : index
    %get3A_1216 = arith.constant 0 : index
    %get3A_1217 = arith.constant 0 : index
    %get3A_1218 = vector.load %arg1[%get3A_1215, %get3A_1216, %get3A_1217] : memref<10x100x384xbf16, #tpu.memory_space<vmem>>, vector<1x100x384xbf16>
    %get3A_1219 = vector.shape_cast %get3A_1218 : vector<1x100x384xbf16> to vector<100x384xbf16>
    %mul3A_1220 = vector.broadcast %squeeze3A_1214 : vector<1x384xbf16> to vector<100x384xbf16>
    %mul3A_1221 = arith.mulf %mul3A_1220, %get3A_1219 : vector<100x384xbf16>
    %add3A_1222 = arith.addf %add3A_1212, %mul3A_1221 : vector<100x384xbf16>
    %slice3A_1223 = vector.extract_strided_slice %convert_element_type3A_795 {offsets = [9, 3, 0], sizes = [1, 1, 384], strides = [1, 1, 1]} : vector<10x10x384xbf16> to vector<1x1x384xbf16>
    %squeeze3A_1224 = vector.shape_cast %slice3A_1223 : vector<1x1x384xbf16> to vector<1x384xbf16>
    %get3A_1225 = arith.constant 9 : index
    %get3A_1226 = arith.constant 0 : index
    %get3A_1227 = arith.constant 0 : index
    %get3A_1228 = vector.load %arg1[%get3A_1225, %get3A_1226, %get3A_1227] : memref<10x100x384xbf16, #tpu.memory_space<vmem>>, vector<1x100x384xbf16>
    %get3A_1229 = vector.shape_cast %get3A_1228 : vector<1x100x384xbf16> to vector<100x384xbf16>
    %mul3A_1230 = vector.broadcast %squeeze3A_1224 : vector<1x384xbf16> to vector<100x384xbf16>
    %mul3A_1231 = arith.mulf %mul3A_1230, %get3A_1229 : vector<100x384xbf16>
    %add3A_1232 = arith.addf %add3A_1222, %mul3A_1231 : vector<100x384xbf16>
    %get3A_1233 = arith.constant 3 : index
    %get3A_1234 = arith.constant 0 : index
    %get3A_1235 = arith.constant 0 : index
    %get3A_1236 = vector.load %arg1[%get3A_1233, %get3A_1234, %get3A_1235] : memref<10x100x384xbf16, #tpu.memory_space<vmem>>, vector<1x100x384xbf16>
    %get3A_1237 = vector.shape_cast %get3A_1236 : vector<1x100x384xbf16> to vector<100x384xbf16>
    %mul3A_1238 = vector.broadcast %convert_element_type3A_794 : bf16 to vector<100x384xbf16>
    %mul3A_1239 = arith.mulf %mul3A_1238, %add3A_1232 : vector<100x384xbf16>
    %add3A_1240 = arith.addf %get3A_1237, %mul3A_1239 : vector<100x384xbf16>
    %swap3A_1241 = arith.constant 3 : index
    %swap3A_1242 = arith.constant 0 : index
    %swap3A_1243 = arith.constant 0 : index
    %swap3A_1244 = vector.load %arg3[%swap3A_1241, %swap3A_1242, %swap3A_1243] : memref<10x100x384xbf16, #tpu.memory_space<vmem>>, vector<1x100x384xbf16>
    %swap3A_1245 = vector.shape_cast %swap3A_1244 : vector<1x100x384xbf16> to vector<100x384xbf16>
    %swap3A_1246 = vector.shape_cast %add3A_1240 : vector<100x384xbf16> to vector<1x100x384xbf16>
    tpu.vector_store %arg3[%swap3A_1241, %swap3A_1242, %swap3A_1243], %swap3A_1246 {strides = array<i32>} : memref<10x100x384xbf16, #tpu.memory_space<vmem>>, vector<1x100x384xbf16>,
    %slice3A_1247 = vector.extract_strided_slice %convert_element_type3A_795 {offsets = [0, 4, 0], sizes = [1, 1, 384], strides = [1, 1, 1]} : vector<10x10x384xbf16> to vector<1x1x384xbf16>
    %squeeze3A_1248 = vector.shape_cast %slice3A_1247 : vector<1x1x384xbf16> to vector<1x384xbf16>
    %get3A_1249 = arith.constant 0 : index
    %get3A_1250 = arith.constant 0 : index
    %get3A_1251 = arith.constant 0 : index
    %get3A_1252 = vector.load %arg1[%get3A_1249, %get3A_1250, %get3A_1251] : memref<10x100x384xbf16, #tpu.memory_space<vmem>>, vector<1x100x384xbf16>
    %get3A_1253 = vector.shape_cast %get3A_1252 : vector<1x100x384xbf16> to vector<100x384xbf16>
    %mul3A_1254 = vector.broadcast %squeeze3A_1248 : vector<1x384xbf16> to vector<100x384xbf16>
    %mul3A_1255 = arith.mulf %mul3A_1254, %get3A_1253 : vector<100x384xbf16>
    %slice3A_1256 = vector.extract_strided_slice %convert_element_type3A_795 {offsets = [1, 4, 0], sizes = [1, 1, 384], strides = [1, 1, 1]} : vector<10x10x384xbf16> to vector<1x1x384xbf16>
    %squeeze3A_1257 = vector.shape_cast %slice3A_1256 : vector<1x1x384xbf16> to vector<1x384xbf16>
    %get3A_1258 = arith.constant 1 : index
    %get3A_1259 = arith.constant 0 : index
    %get3A_1260 = arith.constant 0 : index
    %get3A_1261 = vector.load %arg1[%get3A_1258, %get3A_1259, %get3A_1260] : memref<10x100x384xbf16, #tpu.memory_space<vmem>>, vector<1x100x384xbf16>
    %get3A_1262 = vector.shape_cast %get3A_1261 : vector<1x100x384xbf16> to vector<100x384xbf16>
    %mul3A_1263 = vector.broadcast %squeeze3A_1257 : vector<1x384xbf16> to vector<100x384xbf16>
    %mul3A_1264 = arith.mulf %mul3A_1263, %get3A_1262 : vector<100x384xbf16>
    %add3A_1265 = arith.addf %mul3A_1255, %mul3A_1264 : vector<100x384xbf16>
    %slice3A_1266 = vector.extract_strided_slice %convert_element_type3A_795 {offsets = [2, 4, 0], sizes = [1, 1, 384], strides = [1, 1, 1]} : vector<10x10x384xbf16> to vector<1x1x384xbf16>
    %squeeze3A_1267 = vector.shape_cast %slice3A_1266 : vector<1x1x384xbf16> to vector<1x384xbf16>
    %get3A_1268 = arith.constant 2 : index
    %get3A_1269 = arith.constant 0 : index
    %get3A_1270 = arith.constant 0 : index
    %get3A_1271 = vector.load %arg1[%get3A_1268, %get3A_1269, %get3A_1270] : memref<10x100x384xbf16, #tpu.memory_space<vmem>>, vector<1x100x384xbf16>
    %get3A_1272 = vector.shape_cast %get3A_1271 : vector<1x100x384xbf16> to vector<100x384xbf16>
    %mul3A_1273 = vector.broadcast %squeeze3A_1267 : vector<1x384xbf16> to vector<100x384xbf16>
    %mul3A_1274 = arith.mulf %mul3A_1273, %get3A_1272 : vector<100x384xbf16>
    %add3A_1275 = arith.addf %add3A_1265, %mul3A_1274 : vector<100x384xbf16>
    %slice3A_1276 = vector.extract_strided_slice %convert_element_type3A_795 {offsets = [3, 4, 0], sizes = [1, 1, 384], strides = [1, 1, 1]} : vector<10x10x384xbf16> to vector<1x1x384xbf16>
    %squeeze3A_1277 = vector.shape_cast %slice3A_1276 : vector<1x1x384xbf16> to vector<1x384xbf16>
    %get3A_1278 = arith.constant 3 : index
    %get3A_1279 = arith.constant 0 : index
    %get3A_1280 = arith.constant 0 : index
    %get3A_1281 = vector.load %arg1[%get3A_1278, %get3A_1279, %get3A_1280] : memref<10x100x384xbf16, #tpu.memory_space<vmem>>, vector<1x100x384xbf16>
    %get3A_1282 = vector.shape_cast %get3A_1281 : vector<1x100x384xbf16> to vector<100x384xbf16>
    %mul3A_1283 = vector.broadcast %squeeze3A_1277 : vector<1x384xbf16> to vector<100x384xbf16>
    %mul3A_1284 = arith.mulf %mul3A_1283, %get3A_1282 : vector<100x384xbf16>
    %add3A_1285 = arith.addf %add3A_1275, %mul3A_1284 : vector<100x384xbf16>
    %slice3A_1286 = vector.extract_strided_slice %convert_element_type3A_795 {offsets = [4, 4, 0], sizes = [1, 1, 384], strides = [1, 1, 1]} : vector<10x10x384xbf16> to vector<1x1x384xbf16>
    %squeeze3A_1287 = vector.shape_cast %slice3A_1286 : vector<1x1x384xbf16> to vector<1x384xbf16>
    %get3A_1288 = arith.constant 4 : index
    %get3A_1289 = arith.constant 0 : index
    %get3A_1290 = arith.constant 0 : index
    %get3A_1291 = vector.load %arg1[%get3A_1288, %get3A_1289, %get3A_1290] : memref<10x100x384xbf16, #tpu.memory_space<vmem>>, vector<1x100x384xbf16>
    %get3A_1292 = vector.shape_cast %get3A_1291 : vector<1x100x384xbf16> to vector<100x384xbf16>
    %mul3A_1293 = vector.broadcast %squeeze3A_1287 : vector<1x384xbf16> to vector<100x384xbf16>
    %mul3A_1294 = arith.mulf %mul3A_1293, %get3A_1292 : vector<100x384xbf16>
    %add3A_1295 = arith.addf %add3A_1285, %mul3A_1294 : vector<100x384xbf16>
    %slice3A_1296 = vector.extract_strided_slice %convert_element_type3A_795 {offsets = [5, 4, 0], sizes = [1, 1, 384], strides = [1, 1, 1]} : vector<10x10x384xbf16> to vector<1x1x384xbf16>
    %squeeze3A_1297 = vector.shape_cast %slice3A_1296 : vector<1x1x384xbf16> to vector<1x384xbf16>
    %get3A_1298 = arith.constant 5 : index
    %get3A_1299 = arith.constant 0 : index
    %get3A_1300 = arith.constant 0 : index
    %get3A_1301 = vector.load %arg1[%get3A_1298, %get3A_1299, %get3A_1300] : memref<10x100x384xbf16, #tpu.memory_space<vmem>>, vector<1x100x384xbf16>
    %get3A_1302 = vector.shape_cast %get3A_1301 : vector<1x100x384xbf16> to vector<100x384xbf16>
    %mul3A_1303 = vector.broadcast %squeeze3A_1297 : vector<1x384xbf16> to vector<100x384xbf16>
    %mul3A_1304 = arith.mulf %mul3A_1303, %get3A_1302 : vector<100x384xbf16>
    %add3A_1305 = arith.addf %add3A_1295, %mul3A_1304 : vector<100x384xbf16>
    %slice3A_1306 = vector.extract_strided_slice %convert_element_type3A_795 {offsets = [6, 4, 0], sizes = [1, 1, 384], strides = [1, 1, 1]} : vector<10x10x384xbf16> to vector<1x1x384xbf16>
    %squeeze3A_1307 = vector.shape_cast %slice3A_1306 : vector<1x1x384xbf16> to vector<1x384xbf16>
    %get3A_1308 = arith.constant 6 : index
    %get3A_1309 = arith.constant 0 : index
    %get3A_1310 = arith.constant 0 : index
    %get3A_1311 = vector.load %arg1[%get3A_1308, %get3A_1309, %get3A_1310] : memref<10x100x384xbf16, #tpu.memory_space<vmem>>, vector<1x100x384xbf16>
    %get3A_1312 = vector.shape_cast %get3A_1311 : vector<1x100x384xbf16> to vector<100x384xbf16>
    %mul3A_1313 = vector.broadcast %squeeze3A_1307 : vector<1x384xbf16> to vector<100x384xbf16>
    %mul3A_1314 = arith.mulf %mul3A_1313, %get3A_1312 : vector<100x384xbf16>
    %add3A_1315 = arith.addf %add3A_1305, %mul3A_1314 : vector<100x384xbf16>
    %slice3A_1316 = vector.extract_strided_slice %convert_element_type3A_795 {offsets = [7, 4, 0], sizes = [1, 1, 384], strides = [1, 1, 1]} : vector<10x10x384xbf16> to vector<1x1x384xbf16>
    %squeeze3A_1317 = vector.shape_cast %slice3A_1316 : vector<1x1x384xbf16> to vector<1x384xbf16>
    %get3A_1318 = arith.constant 7 : index
    %get3A_1319 = arith.constant 0 : index
    %get3A_1320 = arith.constant 0 : index
    %get3A_1321 = vector.load %arg1[%get3A_1318, %get3A_1319, %get3A_1320] : memref<10x100x384xbf16, #tpu.memory_space<vmem>>, vector<1x100x384xbf16>
    %get3A_1322 = vector.shape_cast %get3A_1321 : vector<1x100x384xbf16> to vector<100x384xbf16>
    %mul3A_1323 = vector.broadcast %squeeze3A_1317 : vector<1x384xbf16> to vector<100x384xbf16>
    %mul3A_1324 = arith.mulf %mul3A_1323, %get3A_1322 : vector<100x384xbf16>
    %add3A_1325 = arith.addf %add3A_1315, %mul3A_1324 : vector<100x384xbf16>
    %slice3A_1326 = vector.extract_strided_slice %convert_element_type3A_795 {offsets = [8, 4, 0], sizes = [1, 1, 384], strides = [1, 1, 1]} : vector<10x10x384xbf16> to vector<1x1x384xbf16>
    %squeeze3A_1327 = vector.shape_cast %slice3A_1326 : vector<1x1x384xbf16> to vector<1x384xbf16>
    %get3A_1328 = arith.constant 8 : index
    %get3A_1329 = arith.constant 0 : index
    %get3A_1330 = arith.constant 0 : index
    %get3A_1331 = vector.load %arg1[%get3A_1328, %get3A_1329, %get3A_1330] : memref<10x100x384xbf16, #tpu.memory_space<vmem>>, vector<1x100x384xbf16>
    %get3A_1332 = vector.shape_cast %get3A_1331 : vector<1x100x384xbf16> to vector<100x384xbf16>
    %mul3A_1333 = vector.broadcast %squeeze3A_1327 : vector<1x384xbf16> to vector<100x384xbf16>
    %mul3A_1334 = arith.mulf %mul3A_1333, %get3A_1332 : vector<100x384xbf16>
    %add3A_1335 = arith.addf %add3A_1325, %mul3A_1334 : vector<100x384xbf16>
    %slice3A_1336 = vector.extract_strided_slice %convert_element_type3A_795 {offsets = [9, 4, 0], sizes = [1, 1, 384], strides = [1, 1, 1]} : vector<10x10x384xbf16> to vector<1x1x384xbf16>
    %squeeze3A_1337 = vector.shape_cast %slice3A_1336 : vector<1x1x384xbf16> to vector<1x384xbf16>
    %get3A_1338 = arith.constant 9 : index
    %get3A_1339 = arith.constant 0 : index
    %get3A_1340 = arith.constant 0 : index
    %get3A_1341 = vector.load %arg1[%get3A_1338, %get3A_1339, %get3A_1340] : memref<10x100x384xbf16, #tpu.memory_space<vmem>>, vector<1x100x384xbf16>
    %get3A_1342 = vector.shape_cast %get3A_1341 : vector<1x100x384xbf16> to vector<100x384xbf16>
    %mul3A_1343 = vector.broadcast %squeeze3A_1337 : vector<1x384xbf16> to vector<100x384xbf16>
    %mul3A_1344 = arith.mulf %mul3A_1343, %get3A_1342 : vector<100x384xbf16>
    %add3A_1345 = arith.addf %add3A_1335, %mul3A_1344 : vector<100x384xbf16>
    %get3A_1346 = arith.constant 4 : index
    %get3A_1347 = arith.constant 0 : index
    %get3A_1348 = arith.constant 0 : index
    %get3A_1349 = vector.load %arg1[%get3A_1346, %get3A_1347, %get3A_1348] : memref<10x100x384xbf16, #tpu.memory_space<vmem>>, vector<1x100x384xbf16>
    %get3A_1350 = vector.shape_cast %get3A_1349 : vector<1x100x384xbf16> to vector<100x384xbf16>
    %mul3A_1351 = vector.broadcast %convert_element_type3A_794 : bf16 to vector<100x384xbf16>
    %mul3A_1352 = arith.mulf %mul3A_1351, %add3A_1345 : vector<100x384xbf16>
    %add3A_1353 = arith.addf %get3A_1350, %mul3A_1352 : vector<100x384xbf16>
    %swap3A_1354 = arith.constant 4 : index
    %swap3A_1355 = arith.constant 0 : index
    %swap3A_1356 = arith.constant 0 : index
    %swap3A_1357 = vector.load %arg3[%swap3A_1354, %swap3A_1355, %swap3A_1356] : memref<10x100x384xbf16, #tpu.memory_space<vmem>>, vector<1x100x384xbf16>
    %swap3A_1358 = vector.shape_cast %swap3A_1357 : vector<1x100x384xbf16> to vector<100x384xbf16>
    %swap3A_1359 = vector.shape_cast %add3A_1353 : vector<100x384xbf16> to vector<1x100x384xbf16>
    tpu.vector_store %arg3[%swap3A_1354, %swap3A_1355, %swap3A_1356], %swap3A_1359 {strides = array<i32>} : memref<10x100x384xbf16, #tpu.memory_space<vmem>>, vector<1x100x384xbf16>,
    %slice3A_1360 = vector.extract_strided_slice %convert_element_type3A_795 {offsets = [0, 5, 0], sizes = [1, 1, 384], strides = [1, 1, 1]} : vector<10x10x384xbf16> to vector<1x1x384xbf16>
    %squeeze3A_1361 = vector.shape_cast %slice3A_1360 : vector<1x1x384xbf16> to vector<1x384xbf16>
    %get3A_1362 = arith.constant 0 : index
    %get3A_1363 = arith.constant 0 : index
    %get3A_1364 = arith.constant 0 : index
    %get3A_1365 = vector.load %arg1[%get3A_1362, %get3A_1363, %get3A_1364] : memref<10x100x384xbf16, #tpu.memory_space<vmem>>, vector<1x100x384xbf16>
    %get3A_1366 = vector.shape_cast %get3A_1365 : vector<1x100x384xbf16> to vector<100x384xbf16>
    %mul3A_1367 = vector.broadcast %squeeze3A_1361 : vector<1x384xbf16> to vector<100x384xbf16>
    %mul3A_1368 = arith.mulf %mul3A_1367, %get3A_1366 : vector<100x384xbf16>
    %slice3A_1369 = vector.extract_strided_slice %convert_element_type3A_795 {offsets = [1, 5, 0], sizes = [1, 1, 384], strides = [1, 1, 1]} : vector<10x10x384xbf16> to vector<1x1x384xbf16>
    %squeeze3A_1370 = vector.shape_cast %slice3A_1369 : vector<1x1x384xbf16> to vector<1x384xbf16>
    %get3A_1371 = arith.constant 1 : index
    %get3A_1372 = arith.constant 0 : index
    %get3A_1373 = arith.constant 0 : index
    %get3A_1374 = vector.load %arg1[%get3A_1371, %get3A_1372, %get3A_1373] : memref<10x100x384xbf16, #tpu.memory_space<vmem>>, vector<1x100x384xbf16>
    %get3A_1375 = vector.shape_cast %get3A_1374 : vector<1x100x384xbf16> to vector<100x384xbf16>
    %mul3A_1376 = vector.broadcast %squeeze3A_1370 : vector<1x384xbf16> to vector<100x384xbf16>
    %mul3A_1377 = arith.mulf %mul3A_1376, %get3A_1375 : vector<100x384xbf16>
    %add3A_1378 = arith.addf %mul3A_1368, %mul3A_1377 : vector<100x384xbf16>
    %slice3A_1379 = vector.extract_strided_slice %convert_element_type3A_795 {offsets = [2, 5, 0], sizes = [1, 1, 384], strides = [1, 1, 1]} : vector<10x10x384xbf16> to vector<1x1x384xbf16>
    %squeeze3A_1380 = vector.shape_cast %slice3A_1379 : vector<1x1x384xbf16> to vector<1x384xbf16>
    %get3A_1381 = arith.constant 2 : index
    %get3A_1382 = arith.constant 0 : index
    %get3A_1383 = arith.constant 0 : index
    %get3A_1384 = vector.load %arg1[%get3A_1381, %get3A_1382, %get3A_1383] : memref<10x100x384xbf16, #tpu.memory_space<vmem>>, vector<1x100x384xbf16>
    %get3A_1385 = vector.shape_cast %get3A_1384 : vector<1x100x384xbf16> to vector<100x384xbf16>
    %mul3A_1386 = vector.broadcast %squeeze3A_1380 : vector<1x384xbf16> to vector<100x384xbf16>
    %mul3A_1387 = arith.mulf %mul3A_1386, %get3A_1385 : vector<100x384xbf16>
    %add3A_1388 = arith.addf %add3A_1378, %mul3A_1387 : vector<100x384xbf16>
    %slice3A_1389 = vector.extract_strided_slice %convert_element_type3A_795 {offsets = [3, 5, 0], sizes = [1, 1, 384], strides = [1, 1, 1]} : vector<10x10x384xbf16> to vector<1x1x384xbf16>
    %squeeze3A_1390 = vector.shape_cast %slice3A_1389 : vector<1x1x384xbf16> to vector<1x384xbf16>
    %get3A_1391 = arith.constant 3 : index
    %get3A_1392 = arith.constant 0 : index
    %get3A_1393 = arith.constant 0 : index
    %get3A_1394 = vector.load %arg1[%get3A_1391, %get3A_1392, %get3A_1393] : memref<10x100x384xbf16, #tpu.memory_space<vmem>>, vector<1x100x384xbf16>
    %get3A_1395 = vector.shape_cast %get3A_1394 : vector<1x100x384xbf16> to vector<100x384xbf16>
    %mul3A_1396 = vector.broadcast %squeeze3A_1390 : vector<1x384xbf16> to vector<100x384xbf16>
    %mul3A_1397 = arith.mulf %mul3A_1396, %get3A_1395 : vector<100x384xbf16>
    %add3A_1398 = arith.addf %add3A_1388, %mul3A_1397 : vector<100x384xbf16>
    %slice3A_1399 = vector.extract_strided_slice %convert_element_type3A_795 {offsets = [4, 5, 0], sizes = [1, 1, 384], strides = [1, 1, 1]} : vector<10x10x384xbf16> to vector<1x1x384xbf16>
    %squeeze3A_1400 = vector.shape_cast %slice3A_1399 : vector<1x1x384xbf16> to vector<1x384xbf16>
    %get3A_1401 = arith.constant 4 : index
    %get3A_1402 = arith.constant 0 : index
    %get3A_1403 = arith.constant 0 : index
    %get3A_1404 = vector.load %arg1[%get3A_1401, %get3A_1402, %get3A_1403] : memref<10x100x384xbf16, #tpu.memory_space<vmem>>, vector<1x100x384xbf16>
    %get3A_1405 = vector.shape_cast %get3A_1404 : vector<1x100x384xbf16> to vector<100x384xbf16>
    %mul3A_1406 = vector.broadcast %squeeze3A_1400 : vector<1x384xbf16> to vector<100x384xbf16>
    %mul3A_1407 = arith.mulf %mul3A_1406, %get3A_1405 : vector<100x384xbf16>
    %add3A_1408 = arith.addf %add3A_1398, %mul3A_1407 : vector<100x384xbf16>
    %slice3A_1409 = vector.extract_strided_slice %convert_element_type3A_795 {offsets = [5, 5, 0], sizes = [1, 1, 384], strides = [1, 1, 1]} : vector<10x10x384xbf16> to vector<1x1x384xbf16>
    %squeeze3A_1410 = vector.shape_cast %slice3A_1409 : vector<1x1x384xbf16> to vector<1x384xbf16>
    %get3A_1411 = arith.constant 5 : index
    %get3A_1412 = arith.constant 0 : index
    %get3A_1413 = arith.constant 0 : index
    %get3A_1414 = vector.load %arg1[%get3A_1411, %get3A_1412, %get3A_1413] : memref<10x100x384xbf16, #tpu.memory_space<vmem>>, vector<1x100x384xbf16>
    %get3A_1415 = vector.shape_cast %get3A_1414 : vector<1x100x384xbf16> to vector<100x384xbf16>
    %mul3A_1416 = vector.broadcast %squeeze3A_1410 : vector<1x384xbf16> to vector<100x384xbf16>
    %mul3A_1417 = arith.mulf %mul3A_1416, %get3A_1415 : vector<100x384xbf16>
    %add3A_1418 = arith.addf %add3A_1408, %mul3A_1417 : vector<100x384xbf16>
    %slice3A_1419 = vector.extract_strided_slice %convert_element_type3A_795 {offsets = [6, 5, 0], sizes = [1, 1, 384], strides = [1, 1, 1]} : vector<10x10x384xbf16> to vector<1x1x384xbf16>
    %squeeze3A_1420 = vector.shape_cast %slice3A_1419 : vector<1x1x384xbf16> to vector<1x384xbf16>
    %get3A_1421 = arith.constant 6 : index
    %get3A_1422 = arith.constant 0 : index
    %get3A_1423 = arith.constant 0 : index
    %get3A_1424 = vector.load %arg1[%get3A_1421, %get3A_1422, %get3A_1423] : memref<10x100x384xbf16, #tpu.memory_space<vmem>>, vector<1x100x384xbf16>
    %get3A_1425 = vector.shape_cast %get3A_1424 : vector<1x100x384xbf16> to vector<100x384xbf16>
    %mul3A_1426 = vector.broadcast %squeeze3A_1420 : vector<1x384xbf16> to vector<100x384xbf16>
    %mul3A_1427 = arith.mulf %mul3A_1426, %get3A_1425 : vector<100x384xbf16>
    %add3A_1428 = arith.addf %add3A_1418, %mul3A_1427 : vector<100x384xbf16>
    %slice3A_1429 = vector.extract_strided_slice %convert_element_type3A_795 {offsets = [7, 5, 0], sizes = [1, 1, 384], strides = [1, 1, 1]} : vector<10x10x384xbf16> to vector<1x1x384xbf16>
    %squeeze3A_1430 = vector.shape_cast %slice3A_1429 : vector<1x1x384xbf16> to vector<1x384xbf16>
    %get3A_1431 = arith.constant 7 : index
    %get3A_1432 = arith.constant 0 : index
    %get3A_1433 = arith.constant 0 : index
    %get3A_1434 = vector.load %arg1[%get3A_1431, %get3A_1432, %get3A_1433] : memref<10x100x384xbf16, #tpu.memory_space<vmem>>, vector<1x100x384xbf16>
    %get3A_1435 = vector.shape_cast %get3A_1434 : vector<1x100x384xbf16> to vector<100x384xbf16>
    %mul3A_1436 = vector.broadcast %squeeze3A_1430 : vector<1x384xbf16> to vector<100x384xbf16>
    %mul3A_1437 = arith.mulf %mul3A_1436, %get3A_1435 : vector<100x384xbf16>
    %add3A_1438 = arith.addf %add3A_1428, %mul3A_1437 : vector<100x384xbf16>
    %slice3A_1439 = vector.extract_strided_slice %convert_element_type3A_795 {offsets = [8, 5, 0], sizes = [1, 1, 384], strides = [1, 1, 1]} : vector<10x10x384xbf16> to vector<1x1x384xbf16>
    %squeeze3A_1440 = vector.shape_cast %slice3A_1439 : vector<1x1x384xbf16> to vector<1x384xbf16>
    %get3A_1441 = arith.constant 8 : index
    %get3A_1442 = arith.constant 0 : index
    %get3A_1443 = arith.constant 0 : index
    %get3A_1444 = vector.load %arg1[%get3A_1441, %get3A_1442, %get3A_1443] : memref<10x100x384xbf16, #tpu.memory_space<vmem>>, vector<1x100x384xbf16>
    %get3A_1445 = vector.shape_cast %get3A_1444 : vector<1x100x384xbf16> to vector<100x384xbf16>
    %mul3A_1446 = vector.broadcast %squeeze3A_1440 : vector<1x384xbf16> to vector<100x384xbf16>
    %mul3A_1447 = arith.mulf %mul3A_1446, %get3A_1445 : vector<100x384xbf16>
    %add3A_1448 = arith.addf %add3A_1438, %mul3A_1447 : vector<100x384xbf16>
    %slice3A_1449 = vector.extract_strided_slice %convert_element_type3A_795 {offsets = [9, 5, 0], sizes = [1, 1, 384], strides = [1, 1, 1]} : vector<10x10x384xbf16> to vector<1x1x384xbf16>
    %squeeze3A_1450 = vector.shape_cast %slice3A_1449 : vector<1x1x384xbf16> to vector<1x384xbf16>
    %get3A_1451 = arith.constant 9 : index
    %get3A_1452 = arith.constant 0 : index
    %get3A_1453 = arith.constant 0 : index
    %get3A_1454 = vector.load %arg1[%get3A_1451, %get3A_1452, %get3A_1453] : memref<10x100x384xbf16, #tpu.memory_space<vmem>>, vector<1x100x384xbf16>
    %get3A_1455 = vector.shape_cast %get3A_1454 : vector<1x100x384xbf16> to vector<100x384xbf16>
    %mul3A_1456 = vector.broadcast %squeeze3A_1450 : vector<1x384xbf16> to vector<100x384xbf16>
    %mul3A_1457 = arith.mulf %mul3A_1456, %get3A_1455 : vector<100x384xbf16>
    %add3A_1458 = arith.addf %add3A_1448, %mul3A_1457 : vector<100x384xbf16>
    %get3A_1459 = arith.constant 5 : index
    %get3A_1460 = arith.constant 0 : index
    %get3A_1461 = arith.constant 0 : index
    %get3A_1462 = vector.load %arg1[%get3A_1459, %get3A_1460, %get3A_1461] : memref<10x100x384xbf16, #tpu.memory_space<vmem>>, vector<1x100x384xbf16>
    %get3A_1463 = vector.shape_cast %get3A_1462 : vector<1x100x384xbf16> to vector<100x384xbf16>
    %mul3A_1464 = vector.broadcast %convert_element_type3A_794 : bf16 to vector<100x384xbf16>
    %mul3A_1465 = arith.mulf %mul3A_1464, %add3A_1458 : vector<100x384xbf16>
    %add3A_1466 = arith.addf %get3A_1463, %mul3A_1465 : vector<100x384xbf16>
    %swap3A_1467 = arith.constant 5 : index
    %swap3A_1468 = arith.constant 0 : index
    %swap3A_1469 = arith.constant 0 : index
    %swap3A_1470 = vector.load %arg3[%swap3A_1467, %swap3A_1468, %swap3A_1469] : memref<10x100x384xbf16, #tpu.memory_space<vmem>>, vector<1x100x384xbf16>
    %swap3A_1471 = vector.shape_cast %swap3A_1470 : vector<1x100x384xbf16> to vector<100x384xbf16>
    %swap3A_1472 = vector.shape_cast %add3A_1466 : vector<100x384xbf16> to vector<1x100x384xbf16>
    tpu.vector_store %arg3[%swap3A_1467, %swap3A_1468, %swap3A_1469], %swap3A_1472 {strides = array<i32>} : memref<10x100x384xbf16, #tpu.memory_space<vmem>>, vector<1x100x384xbf16>,
    %slice3A_1473 = vector.extract_strided_slice %convert_element_type3A_795 {offsets = [0, 6, 0], sizes = [1, 1, 384], strides = [1, 1, 1]} : vector<10x10x384xbf16> to vector<1x1x384xbf16>
    %squeeze3A_1474 = vector.shape_cast %slice3A_1473 : vector<1x1x384xbf16> to vector<1x384xbf16>
    %get3A_1475 = arith.constant 0 : index
    %get3A_1476 = arith.constant 0 : index
    %get3A_1477 = arith.constant 0 : index
    %get3A_1478 = vector.load %arg1[%get3A_1475, %get3A_1476, %get3A_1477] : memref<10x100x384xbf16, #tpu.memory_space<vmem>>, vector<1x100x384xbf16>
    %get3A_1479 = vector.shape_cast %get3A_1478 : vector<1x100x384xbf16> to vector<100x384xbf16>
    %mul3A_1480 = vector.broadcast %squeeze3A_1474 : vector<1x384xbf16> to vector<100x384xbf16>
    %mul3A_1481 = arith.mulf %mul3A_1480, %get3A_1479 : vector<100x384xbf16>
    %slice3A_1482 = vector.extract_strided_slice %convert_element_type3A_795 {offsets = [1, 6, 0], sizes = [1, 1, 384], strides = [1, 1, 1]} : vector<10x10x384xbf16> to vector<1x1x384xbf16>
    %squeeze3A_1483 = vector.shape_cast %slice3A_1482 : vector<1x1x384xbf16> to vector<1x384xbf16>
    %get3A_1484 = arith.constant 1 : index
    %get3A_1485 = arith.constant 0 : index
    %get3A_1486 = arith.constant 0 : index
    %get3A_1487 = vector.load %arg1[%get3A_1484, %get3A_1485, %get3A_1486] : memref<10x100x384xbf16, #tpu.memory_space<vmem>>, vector<1x100x384xbf16>
    %get3A_1488 = vector.shape_cast %get3A_1487 : vector<1x100x384xbf16> to vector<100x384xbf16>
    %mul3A_1489 = vector.broadcast %squeeze3A_1483 : vector<1x384xbf16> to vector<100x384xbf16>
    %mul3A_1490 = arith.mulf %mul3A_1489, %get3A_1488 : vector<100x384xbf16>
    %add3A_1491 = arith.addf %mul3A_1481, %mul3A_1490 : vector<100x384xbf16>
    %slice3A_1492 = vector.extract_strided_slice %convert_element_type3A_795 {offsets = [2, 6, 0], sizes = [1, 1, 384], strides = [1, 1, 1]} : vector<10x10x384xbf16> to vector<1x1x384xbf16>
    %squeeze3A_1493 = vector.shape_cast %slice3A_1492 : vector<1x1x384xbf16> to vector<1x384xbf16>
    %get3A_1494 = arith.constant 2 : index
    %get3A_1495 = arith.constant 0 : index
    %get3A_1496 = arith.constant 0 : index
    %get3A_1497 = vector.load %arg1[%get3A_1494, %get3A_1495, %get3A_1496] : memref<10x100x384xbf16, #tpu.memory_space<vmem>>, vector<1x100x384xbf16>
    %get3A_1498 = vector.shape_cast %get3A_1497 : vector<1x100x384xbf16> to vector<100x384xbf16>
    %mul3A_1499 = vector.broadcast %squeeze3A_1493 : vector<1x384xbf16> to vector<100x384xbf16>
    %mul3A_1500 = arith.mulf %mul3A_1499, %get3A_1498 : vector<100x384xbf16>
    %add3A_1501 = arith.addf %add3A_1491, %mul3A_1500 : vector<100x384xbf16>
    %slice3A_1502 = vector.extract_strided_slice %convert_element_type3A_795 {offsets = [3, 6, 0], sizes = [1, 1, 384], strides = [1, 1, 1]} : vector<10x10x384xbf16> to vector<1x1x384xbf16>
    %squeeze3A_1503 = vector.shape_cast %slice3A_1502 : vector<1x1x384xbf16> to vector<1x384xbf16>
    %get3A_1504 = arith.constant 3 : index
    %get3A_1505 = arith.constant 0 : index
    %get3A_1506 = arith.constant 0 : index
    %get3A_1507 = vector.load %arg1[%get3A_1504, %get3A_1505, %get3A_1506] : memref<10x100x384xbf16, #tpu.memory_space<vmem>>, vector<1x100x384xbf16>
    %get3A_1508 = vector.shape_cast %get3A_1507 : vector<1x100x384xbf16> to vector<100x384xbf16>
    %mul3A_1509 = vector.broadcast %squeeze3A_1503 : vector<1x384xbf16> to vector<100x384xbf16>
    %mul3A_1510 = arith.mulf %mul3A_1509, %get3A_1508 : vector<100x384xbf16>
    %add3A_1511 = arith.addf %add3A_1501, %mul3A_1510 : vector<100x384xbf16>
    %slice3A_1512 = vector.extract_strided_slice %convert_element_type3A_795 {offsets = [4, 6, 0], sizes = [1, 1, 384], strides = [1, 1, 1]} : vector<10x10x384xbf16> to vector<1x1x384xbf16>
    %squeeze3A_1513 = vector.shape_cast %slice3A_1512 : vector<1x1x384xbf16> to vector<1x384xbf16>
    %get3A_1514 = arith.constant 4 : index
    %get3A_1515 = arith.constant 0 : index
    %get3A_1516 = arith.constant 0 : index
    %get3A_1517 = vector.load %arg1[%get3A_1514, %get3A_1515, %get3A_1516] : memref<10x100x384xbf16, #tpu.memory_space<vmem>>, vector<1x100x384xbf16>
    %get3A_1518 = vector.shape_cast %get3A_1517 : vector<1x100x384xbf16> to vector<100x384xbf16>
    %mul3A_1519 = vector.broadcast %squeeze3A_1513 : vector<1x384xbf16> to vector<100x384xbf16>
    %mul3A_1520 = arith.mulf %mul3A_1519, %get3A_1518 : vector<100x384xbf16>
    %add3A_1521 = arith.addf %add3A_1511, %mul3A_1520 : vector<100x384xbf16>
    %slice3A_1522 = vector.extract_strided_slice %convert_element_type3A_795 {offsets = [5, 6, 0], sizes = [1, 1, 384], strides = [1, 1, 1]} : vector<10x10x384xbf16> to vector<1x1x384xbf16>
    %squeeze3A_1523 = vector.shape_cast %slice3A_1522 : vector<1x1x384xbf16> to vector<1x384xbf16>
    %get3A_1524 = arith.constant 5 : index
    %get3A_1525 = arith.constant 0 : index
    %get3A_1526 = arith.constant 0 : index
    %get3A_1527 = vector.load %arg1[%get3A_1524, %get3A_1525, %get3A_1526] : memref<10x100x384xbf16, #tpu.memory_space<vmem>>, vector<1x100x384xbf16>
    %get3A_1528 = vector.shape_cast %get3A_1527 : vector<1x100x384xbf16> to vector<100x384xbf16>
    %mul3A_1529 = vector.broadcast %squeeze3A_1523 : vector<1x384xbf16> to vector<100x384xbf16>
    %mul3A_1530 = arith.mulf %mul3A_1529, %get3A_1528 : vector<100x384xbf16>
    %add3A_1531 = arith.addf %add3A_1521, %mul3A_1530 : vector<100x384xbf16>
    %slice3A_1532 = vector.extract_strided_slice %convert_element_type3A_795 {offsets = [6, 6, 0], sizes = [1, 1, 384], strides = [1, 1, 1]} : vector<10x10x384xbf16> to vector<1x1x384xbf16>
    %squeeze3A_1533 = vector.shape_cast %slice3A_1532 : vector<1x1x384xbf16> to vector<1x384xbf16>
    %get3A_1534 = arith.constant 6 : index
    %get3A_1535 = arith.constant 0 : index
    %get3A_1536 = arith.constant 0 : index
    %get3A_1537 = vector.load %arg1[%get3A_1534, %get3A_1535, %get3A_1536] : memref<10x100x384xbf16, #tpu.memory_space<vmem>>, vector<1x100x384xbf16>
    %get3A_1538 = vector.shape_cast %get3A_1537 : vector<1x100x384xbf16> to vector<100x384xbf16>
    %mul3A_1539 = vector.broadcast %squeeze3A_1533 : vector<1x384xbf16> to vector<100x384xbf16>
    %mul3A_1540 = arith.mulf %mul3A_1539, %get3A_1538 : vector<100x384xbf16>
    %add3A_1541 = arith.addf %add3A_1531, %mul3A_1540 : vector<100x384xbf16>
    %slice3A_1542 = vector.extract_strided_slice %convert_element_type3A_795 {offsets = [7, 6, 0], sizes = [1, 1, 384], strides = [1, 1, 1]} : vector<10x10x384xbf16> to vector<1x1x384xbf16>
    %squeeze3A_1543 = vector.shape_cast %slice3A_1542 : vector<1x1x384xbf16> to vector<1x384xbf16>
    %get3A_1544 = arith.constant 7 : index
    %get3A_1545 = arith.constant 0 : index
    %get3A_1546 = arith.constant 0 : index
    %get3A_1547 = vector.load %arg1[%get3A_1544, %get3A_1545, %get3A_1546] : memref<10x100x384xbf16, #tpu.memory_space<vmem>>, vector<1x100x384xbf16>
    %get3A_1548 = vector.shape_cast %get3A_1547 : vector<1x100x384xbf16> to vector<100x384xbf16>
    %mul3A_1549 = vector.broadcast %squeeze3A_1543 : vector<1x384xbf16> to vector<100x384xbf16>
    %mul3A_1550 = arith.mulf %mul3A_1549, %get3A_1548 : vector<100x384xbf16>
    %add3A_1551 = arith.addf %add3A_1541, %mul3A_1550 : vector<100x384xbf16>
    %slice3A_1552 = vector.extract_strided_slice %convert_element_type3A_795 {offsets = [8, 6, 0], sizes = [1, 1, 384], strides = [1, 1, 1]} : vector<10x10x384xbf16> to vector<1x1x384xbf16>
    %squeeze3A_1553 = vector.shape_cast %slice3A_1552 : vector<1x1x384xbf16> to vector<1x384xbf16>
    %get3A_1554 = arith.constant 8 : index
    %get3A_1555 = arith.constant 0 : index
    %get3A_1556 = arith.constant 0 : index
    %get3A_1557 = vector.load %arg1[%get3A_1554, %get3A_1555, %get3A_1556] : memref<10x100x384xbf16, #tpu.memory_space<vmem>>, vector<1x100x384xbf16>
    %get3A_1558 = vector.shape_cast %get3A_1557 : vector<1x100x384xbf16> to vector<100x384xbf16>
    %mul3A_1559 = vector.broadcast %squeeze3A_1553 : vector<1x384xbf16> to vector<100x384xbf16>
    %mul3A_1560 = arith.mulf %mul3A_1559, %get3A_1558 : vector<100x384xbf16>
    %add3A_1561 = arith.addf %add3A_1551, %mul3A_1560 : vector<100x384xbf16>
    %slice3A_1562 = vector.extract_strided_slice %convert_element_type3A_795 {offsets = [9, 6, 0], sizes = [1, 1, 384], strides = [1, 1, 1]} : vector<10x10x384xbf16> to vector<1x1x384xbf16>
    %squeeze3A_1563 = vector.shape_cast %slice3A_1562 : vector<1x1x384xbf16> to vector<1x384xbf16>
    %get3A_1564 = arith.constant 9 : index
    %get3A_1565 = arith.constant 0 : index
    %get3A_1566 = arith.constant 0 : index
    %get3A_1567 = vector.load %arg1[%get3A_1564, %get3A_1565, %get3A_1566] : memref<10x100x384xbf16, #tpu.memory_space<vmem>>, vector<1x100x384xbf16>
    %get3A_1568 = vector.shape_cast %get3A_1567 : vector<1x100x384xbf16> to vector<100x384xbf16>
    %mul3A_1569 = vector.broadcast %squeeze3A_1563 : vector<1x384xbf16> to vector<100x384xbf16>
    %mul3A_1570 = arith.mulf %mul3A_1569, %get3A_1568 : vector<100x384xbf16>
    %add3A_1571 = arith.addf %add3A_1561, %mul3A_1570 : vector<100x384xbf16>
    %get3A_1572 = arith.constant 6 : index
    %get3A_1573 = arith.constant 0 : index
    %get3A_1574 = arith.constant 0 : index
    %get3A_1575 = vector.load %arg1[%get3A_1572, %get3A_1573, %get3A_1574] : memref<10x100x384xbf16, #tpu.memory_space<vmem>>, vector<1x100x384xbf16>
    %get3A_1576 = vector.shape_cast %get3A_1575 : vector<1x100x384xbf16> to vector<100x384xbf16>
    %mul3A_1577 = vector.broadcast %convert_element_type3A_794 : bf16 to vector<100x384xbf16>
    %mul3A_1578 = arith.mulf %mul3A_1577, %add3A_1571 : vector<100x384xbf16>
    %add3A_1579 = arith.addf %get3A_1576, %mul3A_1578 : vector<100x384xbf16>
    %swap3A_1580 = arith.constant 6 : index
    %swap3A_1581 = arith.constant 0 : index
    %swap3A_1582 = arith.constant 0 : index
    %swap3A_1583 = vector.load %arg3[%swap3A_1580, %swap3A_1581, %swap3A_1582] : memref<10x100x384xbf16, #tpu.memory_space<vmem>>, vector<1x100x384xbf16>
    %swap3A_1584 = vector.shape_cast %swap3A_1583 : vector<1x100x384xbf16> to vector<100x384xbf16>
    %swap3A_1585 = vector.shape_cast %add3A_1579 : vector<100x384xbf16> to vector<1x100x384xbf16>
    tpu.vector_store %arg3[%swap3A_1580, %swap3A_1581, %swap3A_1582], %swap3A_1585 {strides = array<i32>} : memref<10x100x384xbf16, #tpu.memory_space<vmem>>, vector<1x100x384xbf16>,
    %slice3A_1586 = vector.extract_strided_slice %convert_element_type3A_795 {offsets = [0, 7, 0], sizes = [1, 1, 384], strides = [1, 1, 1]} : vector<10x10x384xbf16> to vector<1x1x384xbf16>
    %squeeze3A_1587 = vector.shape_cast %slice3A_1586 : vector<1x1x384xbf16> to vector<1x384xbf16>
    %get3A_1588 = arith.constant 0 : index
    %get3A_1589 = arith.constant 0 : index
    %get3A_1590 = arith.constant 0 : index
    %get3A_1591 = vector.load %arg1[%get3A_1588, %get3A_1589, %get3A_1590] : memref<10x100x384xbf16, #tpu.memory_space<vmem>>, vector<1x100x384xbf16>
    %get3A_1592 = vector.shape_cast %get3A_1591 : vector<1x100x384xbf16> to vector<100x384xbf16>
    %mul3A_1593 = vector.broadcast %squeeze3A_1587 : vector<1x384xbf16> to vector<100x384xbf16>
    %mul3A_1594 = arith.mulf %mul3A_1593, %get3A_1592 : vector<100x384xbf16>
    %slice3A_1595 = vector.extract_strided_slice %convert_element_type3A_795 {offsets = [1, 7, 0], sizes = [1, 1, 384], strides = [1, 1, 1]} : vector<10x10x384xbf16> to vector<1x1x384xbf16>
    %squeeze3A_1596 = vector.shape_cast %slice3A_1595 : vector<1x1x384xbf16> to vector<1x384xbf16>
    %get3A_1597 = arith.constant 1 : index
    %get3A_1598 = arith.constant 0 : index
    %get3A_1599 = arith.constant 0 : index
    %get3A_1600 = vector.load %arg1[%get3A_1597, %get3A_1598, %get3A_1599] : memref<10x100x384xbf16, #tpu.memory_space<vmem>>, vector<1x100x384xbf16>
    %get3A_1601 = vector.shape_cast %get3A_1600 : vector<1x100x384xbf16> to vector<100x384xbf16>
    %mul3A_1602 = vector.broadcast %squeeze3A_1596 : vector<1x384xbf16> to vector<100x384xbf16>
    %mul3A_1603 = arith.mulf %mul3A_1602, %get3A_1601 : vector<100x384xbf16>
    %add3A_1604 = arith.addf %mul3A_1594, %mul3A_1603 : vector<100x384xbf16>
    %slice3A_1605 = vector.extract_strided_slice %convert_element_type3A_795 {offsets = [2, 7, 0], sizes = [1, 1, 384], strides = [1, 1, 1]} : vector<10x10x384xbf16> to vector<1x1x384xbf16>
    %squeeze3A_1606 = vector.shape_cast %slice3A_1605 : vector<1x1x384xbf16> to vector<1x384xbf16>
    %get3A_1607 = arith.constant 2 : index
    %get3A_1608 = arith.constant 0 : index
    %get3A_1609 = arith.constant 0 : index
    %get3A_1610 = vector.load %arg1[%get3A_1607, %get3A_1608, %get3A_1609] : memref<10x100x384xbf16, #tpu.memory_space<vmem>>, vector<1x100x384xbf16>
    %get3A_1611 = vector.shape_cast %get3A_1610 : vector<1x100x384xbf16> to vector<100x384xbf16>
    %mul3A_1612 = vector.broadcast %squeeze3A_1606 : vector<1x384xbf16> to vector<100x384xbf16>
    %mul3A_1613 = arith.mulf %mul3A_1612, %get3A_1611 : vector<100x384xbf16>
    %add3A_1614 = arith.addf %add3A_1604, %mul3A_1613 : vector<100x384xbf16>
    %slice3A_1615 = vector.extract_strided_slice %convert_element_type3A_795 {offsets = [3, 7, 0], sizes = [1, 1, 384], strides = [1, 1, 1]} : vector<10x10x384xbf16> to vector<1x1x384xbf16>
    %squeeze3A_1616 = vector.shape_cast %slice3A_1615 : vector<1x1x384xbf16> to vector<1x384xbf16>
    %get3A_1617 = arith.constant 3 : index
    %get3A_1618 = arith.constant 0 : index
    %get3A_1619 = arith.constant 0 : index
    %get3A_1620 = vector.load %arg1[%get3A_1617, %get3A_1618, %get3A_1619] : memref<10x100x384xbf16, #tpu.memory_space<vmem>>, vector<1x100x384xbf16>
    %get3A_1621 = vector.shape_cast %get3A_1620 : vector<1x100x384xbf16> to vector<100x384xbf16>
    %mul3A_1622 = vector.broadcast %squeeze3A_1616 : vector<1x384xbf16> to vector<100x384xbf16>
    %mul3A_1623 = arith.mulf %mul3A_1622, %get3A_1621 : vector<100x384xbf16>
    %add3A_1624 = arith.addf %add3A_1614, %mul3A_1623 : vector<100x384xbf16>
    %slice3A_1625 = vector.extract_strided_slice %convert_element_type3A_795 {offsets = [4, 7, 0], sizes = [1, 1, 384], strides = [1, 1, 1]} : vector<10x10x384xbf16> to vector<1x1x384xbf16>
    %squeeze3A_1626 = vector.shape_cast %slice3A_1625 : vector<1x1x384xbf16> to vector<1x384xbf16>
    %get3A_1627 = arith.constant 4 : index
    %get3A_1628 = arith.constant 0 : index
    %get3A_1629 = arith.constant 0 : index
    %get3A_1630 = vector.load %arg1[%get3A_1627, %get3A_1628, %get3A_1629] : memref<10x100x384xbf16, #tpu.memory_space<vmem>>, vector<1x100x384xbf16>
    %get3A_1631 = vector.shape_cast %get3A_1630 : vector<1x100x384xbf16> to vector<100x384xbf16>
    %mul3A_1632 = vector.broadcast %squeeze3A_1626 : vector<1x384xbf16> to vector<100x384xbf16>
    %mul3A_1633 = arith.mulf %mul3A_1632, %get3A_1631 : vector<100x384xbf16>
    %add3A_1634 = arith.addf %add3A_1624, %mul3A_1633 : vector<100x384xbf16>
    %slice3A_1635 = vector.extract_strided_slice %convert_element_type3A_795 {offsets = [5, 7, 0], sizes = [1, 1, 384], strides = [1, 1, 1]} : vector<10x10x384xbf16> to vector<1x1x384xbf16>
    %squeeze3A_1636 = vector.shape_cast %slice3A_1635 : vector<1x1x384xbf16> to vector<1x384xbf16>
    %get3A_1637 = arith.constant 5 : index
    %get3A_1638 = arith.constant 0 : index
    %get3A_1639 = arith.constant 0 : index
    %get3A_1640 = vector.load %arg1[%get3A_1637, %get3A_1638, %get3A_1639] : memref<10x100x384xbf16, #tpu.memory_space<vmem>>, vector<1x100x384xbf16>
    %get3A_1641 = vector.shape_cast %get3A_1640 : vector<1x100x384xbf16> to vector<100x384xbf16>
    %mul3A_1642 = vector.broadcast %squeeze3A_1636 : vector<1x384xbf16> to vector<100x384xbf16>
    %mul3A_1643 = arith.mulf %mul3A_1642, %get3A_1641 : vector<100x384xbf16>
    %add3A_1644 = arith.addf %add3A_1634, %mul3A_1643 : vector<100x384xbf16>
    %slice3A_1645 = vector.extract_strided_slice %convert_element_type3A_795 {offsets = [6, 7, 0], sizes = [1, 1, 384], strides = [1, 1, 1]} : vector<10x10x384xbf16> to vector<1x1x384xbf16>
    %squeeze3A_1646 = vector.shape_cast %slice3A_1645 : vector<1x1x384xbf16> to vector<1x384xbf16>
    %get3A_1647 = arith.constant 6 : index
    %get3A_1648 = arith.constant 0 : index
    %get3A_1649 = arith.constant 0 : index
    %get3A_1650 = vector.load %arg1[%get3A_1647, %get3A_1648, %get3A_1649] : memref<10x100x384xbf16, #tpu.memory_space<vmem>>, vector<1x100x384xbf16>
    %get3A_1651 = vector.shape_cast %get3A_1650 : vector<1x100x384xbf16> to vector<100x384xbf16>
    %mul3A_1652 = vector.broadcast %squeeze3A_1646 : vector<1x384xbf16> to vector<100x384xbf16>
    %mul3A_1653 = arith.mulf %mul3A_1652, %get3A_1651 : vector<100x384xbf16>
    %add3A_1654 = arith.addf %add3A_1644, %mul3A_1653 : vector<100x384xbf16>
    %slice3A_1655 = vector.extract_strided_slice %convert_element_type3A_795 {offsets = [7, 7, 0], sizes = [1, 1, 384], strides = [1, 1, 1]} : vector<10x10x384xbf16> to vector<1x1x384xbf16>
    %squeeze3A_1656 = vector.shape_cast %slice3A_1655 : vector<1x1x384xbf16> to vector<1x384xbf16>
    %get3A_1657 = arith.constant 7 : index
    %get3A_1658 = arith.constant 0 : index
    %get3A_1659 = arith.constant 0 : index
    %get3A_1660 = vector.load %arg1[%get3A_1657, %get3A_1658, %get3A_1659] : memref<10x100x384xbf16, #tpu.memory_space<vmem>>, vector<1x100x384xbf16>
    %get3A_1661 = vector.shape_cast %get3A_1660 : vector<1x100x384xbf16> to vector<100x384xbf16>
    %mul3A_1662 = vector.broadcast %squeeze3A_1656 : vector<1x384xbf16> to vector<100x384xbf16>
    %mul3A_1663 = arith.mulf %mul3A_1662, %get3A_1661 : vector<100x384xbf16>
    %add3A_1664 = arith.addf %add3A_1654, %mul3A_1663 : vector<100x384xbf16>
    %slice3A_1665 = vector.extract_strided_slice %convert_element_type3A_795 {offsets = [8, 7, 0], sizes = [1, 1, 384], strides = [1, 1, 1]} : vector<10x10x384xbf16> to vector<1x1x384xbf16>
    %squeeze3A_1666 = vector.shape_cast %slice3A_1665 : vector<1x1x384xbf16> to vector<1x384xbf16>
    %get3A_1667 = arith.constant 8 : index
    %get3A_1668 = arith.constant 0 : index
    %get3A_1669 = arith.constant 0 : index
    %get3A_1670 = vector.load %arg1[%get3A_1667, %get3A_1668, %get3A_1669] : memref<10x100x384xbf16, #tpu.memory_space<vmem>>, vector<1x100x384xbf16>
    %get3A_1671 = vector.shape_cast %get3A_1670 : vector<1x100x384xbf16> to vector<100x384xbf16>
    %mul3A_1672 = vector.broadcast %squeeze3A_1666 : vector<1x384xbf16> to vector<100x384xbf16>
    %mul3A_1673 = arith.mulf %mul3A_1672, %get3A_1671 : vector<100x384xbf16>
    %add3A_1674 = arith.addf %add3A_1664, %mul3A_1673 : vector<100x384xbf16>
    %slice3A_1675 = vector.extract_strided_slice %convert_element_type3A_795 {offsets = [9, 7, 0], sizes = [1, 1, 384], strides = [1, 1, 1]} : vector<10x10x384xbf16> to vector<1x1x384xbf16>
    %squeeze3A_1676 = vector.shape_cast %slice3A_1675 : vector<1x1x384xbf16> to vector<1x384xbf16>
    %get3A_1677 = arith.constant 9 : index
    %get3A_1678 = arith.constant 0 : index
    %get3A_1679 = arith.constant 0 : index
    %get3A_1680 = vector.load %arg1[%get3A_1677, %get3A_1678, %get3A_1679] : memref<10x100x384xbf16, #tpu.memory_space<vmem>>, vector<1x100x384xbf16>
    %get3A_1681 = vector.shape_cast %get3A_1680 : vector<1x100x384xbf16> to vector<100x384xbf16>
    %mul3A_1682 = vector.broadcast %squeeze3A_1676 : vector<1x384xbf16> to vector<100x384xbf16>
    %mul3A_1683 = arith.mulf %mul3A_1682, %get3A_1681 : vector<100x384xbf16>
    %add3A_1684 = arith.addf %add3A_1674, %mul3A_1683 : vector<100x384xbf16>
    %get3A_1685 = arith.constant 7 : index
    %get3A_1686 = arith.constant 0 : index
    %get3A_1687 = arith.constant 0 : index
    %get3A_1688 = vector.load %arg1[%get3A_1685, %get3A_1686, %get3A_1687] : memref<10x100x384xbf16, #tpu.memory_space<vmem>>, vector<1x100x384xbf16>
    %get3A_1689 = vector.shape_cast %get3A_1688 : vector<1x100x384xbf16> to vector<100x384xbf16>
    %mul3A_1690 = vector.broadcast %convert_element_type3A_794 : bf16 to vector<100x384xbf16>
    %mul3A_1691 = arith.mulf %mul3A_1690, %add3A_1684 : vector<100x384xbf16>
    %add3A_1692 = arith.addf %get3A_1689, %mul3A_1691 : vector<100x384xbf16>
    %swap3A_1693 = arith.constant 7 : index
    %swap3A_1694 = arith.constant 0 : index
    %swap3A_1695 = arith.constant 0 : index
    %swap3A_1696 = vector.load %arg3[%swap3A_1693, %swap3A_1694, %swap3A_1695] : memref<10x100x384xbf16, #tpu.memory_space<vmem>>, vector<1x100x384xbf16>
    %swap3A_1697 = vector.shape_cast %swap3A_1696 : vector<1x100x384xbf16> to vector<100x384xbf16>
    %swap3A_1698 = vector.shape_cast %add3A_1692 : vector<100x384xbf16> to vector<1x100x384xbf16>
    tpu.vector_store %arg3[%swap3A_1693, %swap3A_1694, %swap3A_1695], %swap3A_1698 {strides = array<i32>} : memref<10x100x384xbf16, #tpu.memory_space<vmem>>, vector<1x100x384xbf16>,
    %slice3A_1699 = vector.extract_strided_slice %convert_element_type3A_795 {offsets = [0, 8, 0], sizes = [1, 1, 384], strides = [1, 1, 1]} : vector<10x10x384xbf16> to vector<1x1x384xbf16>
    %squeeze3A_1700 = vector.shape_cast %slice3A_1699 : vector<1x1x384xbf16> to vector<1x384xbf16>
    %get3A_1701 = arith.constant 0 : index
    %get3A_1702 = arith.constant 0 : index
    %get3A_1703 = arith.constant 0 : index
    %get3A_1704 = vector.load %arg1[%get3A_1701, %get3A_1702, %get3A_1703] : memref<10x100x384xbf16, #tpu.memory_space<vmem>>, vector<1x100x384xbf16>
    %get3A_1705 = vector.shape_cast %get3A_1704 : vector<1x100x384xbf16> to vector<100x384xbf16>
    %mul3A_1706 = vector.broadcast %squeeze3A_1700 : vector<1x384xbf16> to vector<100x384xbf16>
    %mul3A_1707 = arith.mulf %mul3A_1706, %get3A_1705 : vector<100x384xbf16>
    %slice3A_1708 = vector.extract_strided_slice %convert_element_type3A_795 {offsets = [1, 8, 0], sizes = [1, 1, 384], strides = [1, 1, 1]} : vector<10x10x384xbf16> to vector<1x1x384xbf16>
    %squeeze3A_1709 = vector.shape_cast %slice3A_1708 : vector<1x1x384xbf16> to vector<1x384xbf16>
    %get3A_1710 = arith.constant 1 : index
    %get3A_1711 = arith.constant 0 : index
    %get3A_1712 = arith.constant 0 : index
    %get3A_1713 = vector.load %arg1[%get3A_1710, %get3A_1711, %get3A_1712] : memref<10x100x384xbf16, #tpu.memory_space<vmem>>, vector<1x100x384xbf16>
    %get3A_1714 = vector.shape_cast %get3A_1713 : vector<1x100x384xbf16> to vector<100x384xbf16>
    %mul3A_1715 = vector.broadcast %squeeze3A_1709 : vector<1x384xbf16> to vector<100x384xbf16>
    %mul3A_1716 = arith.mulf %mul3A_1715, %get3A_1714 : vector<100x384xbf16>
    %add3A_1717 = arith.addf %mul3A_1707, %mul3A_1716 : vector<100x384xbf16>
    %slice3A_1718 = vector.extract_strided_slice %convert_element_type3A_795 {offsets = [2, 8, 0], sizes = [1, 1, 384], strides = [1, 1, 1]} : vector<10x10x384xbf16> to vector<1x1x384xbf16>
    %squeeze3A_1719 = vector.shape_cast %slice3A_1718 : vector<1x1x384xbf16> to vector<1x384xbf16>
    %get3A_1720 = arith.constant 2 : index
    %get3A_1721 = arith.constant 0 : index
    %get3A_1722 = arith.constant 0 : index
    %get3A_1723 = vector.load %arg1[%get3A_1720, %get3A_1721, %get3A_1722] : memref<10x100x384xbf16, #tpu.memory_space<vmem>>, vector<1x100x384xbf16>
    %get3A_1724 = vector.shape_cast %get3A_1723 : vector<1x100x384xbf16> to vector<100x384xbf16>
    %mul3A_1725 = vector.broadcast %squeeze3A_1719 : vector<1x384xbf16> to vector<100x384xbf16>
    %mul3A_1726 = arith.mulf %mul3A_1725, %get3A_1724 : vector<100x384xbf16>
    %add3A_1727 = arith.addf %add3A_1717, %mul3A_1726 : vector<100x384xbf16>
    %slice3A_1728 = vector.extract_strided_slice %convert_element_type3A_795 {offsets = [3, 8, 0], sizes = [1, 1, 384], strides = [1, 1, 1]} : vector<10x10x384xbf16> to vector<1x1x384xbf16>
    %squeeze3A_1729 = vector.shape_cast %slice3A_1728 : vector<1x1x384xbf16> to vector<1x384xbf16>
    %get3A_1730 = arith.constant 3 : index
    %get3A_1731 = arith.constant 0 : index
    %get3A_1732 = arith.constant 0 : index
    %get3A_1733 = vector.load %arg1[%get3A_1730, %get3A_1731, %get3A_1732] : memref<10x100x384xbf16, #tpu.memory_space<vmem>>, vector<1x100x384xbf16>
    %get3A_1734 = vector.shape_cast %get3A_1733 : vector<1x100x384xbf16> to vector<100x384xbf16>
    %mul3A_1735 = vector.broadcast %squeeze3A_1729 : vector<1x384xbf16> to vector<100x384xbf16>
    %mul3A_1736 = arith.mulf %mul3A_1735, %get3A_1734 : vector<100x384xbf16>
    %add3A_1737 = arith.addf %add3A_1727, %mul3A_1736 : vector<100x384xbf16>
    %slice3A_1738 = vector.extract_strided_slice %convert_element_type3A_795 {offsets = [4, 8, 0], sizes = [1, 1, 384], strides = [1, 1, 1]} : vector<10x10x384xbf16> to vector<1x1x384xbf16>
    %squeeze3A_1739 = vector.shape_cast %slice3A_1738 : vector<1x1x384xbf16> to vector<1x384xbf16>
    %get3A_1740 = arith.constant 4 : index
    %get3A_1741 = arith.constant 0 : index
    %get3A_1742 = arith.constant 0 : index
    %get3A_1743 = vector.load %arg1[%get3A_1740, %get3A_1741, %get3A_1742] : memref<10x100x384xbf16, #tpu.memory_space<vmem>>, vector<1x100x384xbf16>
    %get3A_1744 = vector.shape_cast %get3A_1743 : vector<1x100x384xbf16> to vector<100x384xbf16>
    %mul3A_1745 = vector.broadcast %squeeze3A_1739 : vector<1x384xbf16> to vector<100x384xbf16>
    %mul3A_1746 = arith.mulf %mul3A_1745, %get3A_1744 : vector<100x384xbf16>
    %add3A_1747 = arith.addf %add3A_1737, %mul3A_1746 : vector<100x384xbf16>
    %slice3A_1748 = vector.extract_strided_slice %convert_element_type3A_795 {offsets = [5, 8, 0], sizes = [1, 1, 384], strides = [1, 1, 1]} : vector<10x10x384xbf16> to vector<1x1x384xbf16>
    %squeeze3A_1749 = vector.shape_cast %slice3A_1748 : vector<1x1x384xbf16> to vector<1x384xbf16>
    %get3A_1750 = arith.constant 5 : index
    %get3A_1751 = arith.constant 0 : index
    %get3A_1752 = arith.constant 0 : index
    %get3A_1753 = vector.load %arg1[%get3A_1750, %get3A_1751, %get3A_1752] : memref<10x100x384xbf16, #tpu.memory_space<vmem>>, vector<1x100x384xbf16>
    %get3A_1754 = vector.shape_cast %get3A_1753 : vector<1x100x384xbf16> to vector<100x384xbf16>
    %mul3A_1755 = vector.broadcast %squeeze3A_1749 : vector<1x384xbf16> to vector<100x384xbf16>
    %mul3A_1756 = arith.mulf %mul3A_1755, %get3A_1754 : vector<100x384xbf16>
    %add3A_1757 = arith.addf %add3A_1747, %mul3A_1756 : vector<100x384xbf16>
    %slice3A_1758 = vector.extract_strided_slice %convert_element_type3A_795 {offsets = [6, 8, 0], sizes = [1, 1, 384], strides = [1, 1, 1]} : vector<10x10x384xbf16> to vector<1x1x384xbf16>
    %squeeze3A_1759 = vector.shape_cast %slice3A_1758 : vector<1x1x384xbf16> to vector<1x384xbf16>
    %get3A_1760 = arith.constant 6 : index
    %get3A_1761 = arith.constant 0 : index
    %get3A_1762 = arith.constant 0 : index
    %get3A_1763 = vector.load %arg1[%get3A_1760, %get3A_1761, %get3A_1762] : memref<10x100x384xbf16, #tpu.memory_space<vmem>>, vector<1x100x384xbf16>
    %get3A_1764 = vector.shape_cast %get3A_1763 : vector<1x100x384xbf16> to vector<100x384xbf16>
    %mul3A_1765 = vector.broadcast %squeeze3A_1759 : vector<1x384xbf16> to vector<100x384xbf16>
    %mul3A_1766 = arith.mulf %mul3A_1765, %get3A_1764 : vector<100x384xbf16>
    %add3A_1767 = arith.addf %add3A_1757, %mul3A_1766 : vector<100x384xbf16>
    %slice3A_1768 = vector.extract_strided_slice %convert_element_type3A_795 {offsets = [7, 8, 0], sizes = [1, 1, 384], strides = [1, 1, 1]} : vector<10x10x384xbf16> to vector<1x1x384xbf16>
    %squeeze3A_1769 = vector.shape_cast %slice3A_1768 : vector<1x1x384xbf16> to vector<1x384xbf16>
    %get3A_1770 = arith.constant 7 : index
    %get3A_1771 = arith.constant 0 : index
    %get3A_1772 = arith.constant 0 : index
    %get3A_1773 = vector.load %arg1[%get3A_1770, %get3A_1771, %get3A_1772] : memref<10x100x384xbf16, #tpu.memory_space<vmem>>, vector<1x100x384xbf16>
    %get3A_1774 = vector.shape_cast %get3A_1773 : vector<1x100x384xbf16> to vector<100x384xbf16>
    %mul3A_1775 = vector.broadcast %squeeze3A_1769 : vector<1x384xbf16> to vector<100x384xbf16>
    %mul3A_1776 = arith.mulf %mul3A_1775, %get3A_1774 : vector<100x384xbf16>
    %add3A_1777 = arith.addf %add3A_1767, %mul3A_1776 : vector<100x384xbf16>
    %slice3A_1778 = vector.extract_strided_slice %convert_element_type3A_795 {offsets = [8, 8, 0], sizes = [1, 1, 384], strides = [1, 1, 1]} : vector<10x10x384xbf16> to vector<1x1x384xbf16>
    %squeeze3A_1779 = vector.shape_cast %slice3A_1778 : vector<1x1x384xbf16> to vector<1x384xbf16>
    %get3A_1780 = arith.constant 8 : index
    %get3A_1781 = arith.constant 0 : index
    %get3A_1782 = arith.constant 0 : index
    %get3A_1783 = vector.load %arg1[%get3A_1780, %get3A_1781, %get3A_1782] : memref<10x100x384xbf16, #tpu.memory_space<vmem>>, vector<1x100x384xbf16>
    %get3A_1784 = vector.shape_cast %get3A_1783 : vector<1x100x384xbf16> to vector<100x384xbf16>
    %mul3A_1785 = vector.broadcast %squeeze3A_1779 : vector<1x384xbf16> to vector<100x384xbf16>
    %mul3A_1786 = arith.mulf %mul3A_1785, %get3A_1784 : vector<100x384xbf16>
    %add3A_1787 = arith.addf %add3A_1777, %mul3A_1786 : vector<100x384xbf16>
    %slice3A_1788 = vector.extract_strided_slice %convert_element_type3A_795 {offsets = [9, 8, 0], sizes = [1, 1, 384], strides = [1, 1, 1]} : vector<10x10x384xbf16> to vector<1x1x384xbf16>
    %squeeze3A_1789 = vector.shape_cast %slice3A_1788 : vector<1x1x384xbf16> to vector<1x384xbf16>
    %get3A_1790 = arith.constant 9 : index
    %get3A_1791 = arith.constant 0 : index
    %get3A_1792 = arith.constant 0 : index
    %get3A_1793 = vector.load %arg1[%get3A_1790, %get3A_1791, %get3A_1792] : memref<10x100x384xbf16, #tpu.memory_space<vmem>>, vector<1x100x384xbf16>
    %get3A_1794 = vector.shape_cast %get3A_1793 : vector<1x100x384xbf16> to vector<100x384xbf16>
    %mul3A_1795 = vector.broadcast %squeeze3A_1789 : vector<1x384xbf16> to vector<100x384xbf16>
    %mul3A_1796 = arith.mulf %mul3A_1795, %get3A_1794 : vector<100x384xbf16>
    %add3A_1797 = arith.addf %add3A_1787, %mul3A_1796 : vector<100x384xbf16>
    %get3A_1798 = arith.constant 8 : index
    %get3A_1799 = arith.constant 0 : index
    %get3A_1800 = arith.constant 0 : index
    %get3A_1801 = vector.load %arg1[%get3A_1798, %get3A_1799, %get3A_1800] : memref<10x100x384xbf16, #tpu.memory_space<vmem>>, vector<1x100x384xbf16>
    %get3A_1802 = vector.shape_cast %get3A_1801 : vector<1x100x384xbf16> to vector<100x384xbf16>
    %mul3A_1803 = vector.broadcast %convert_element_type3A_794 : bf16 to vector<100x384xbf16>
    %mul3A_1804 = arith.mulf %mul3A_1803, %add3A_1797 : vector<100x384xbf16>
    %add3A_1805 = arith.addf %get3A_1802, %mul3A_1804 : vector<100x384xbf16>
    %swap3A_1806 = arith.constant 8 : index
    %swap3A_1807 = arith.constant 0 : index
    %swap3A_1808 = arith.constant 0 : index
    %swap3A_1809 = vector.load %arg3[%swap3A_1806, %swap3A_1807, %swap3A_1808] : memref<10x100x384xbf16, #tpu.memory_space<vmem>>, vector<1x100x384xbf16>
    %swap3A_1810 = vector.shape_cast %swap3A_1809 : vector<1x100x384xbf16> to vector<100x384xbf16>
    %swap3A_1811 = vector.shape_cast %add3A_1805 : vector<100x384xbf16> to vector<1x100x384xbf16>
    tpu.vector_store %arg3[%swap3A_1806, %swap3A_1807, %swap3A_1808], %swap3A_1811 {strides = array<i32>} : memref<10x100x384xbf16, #tpu.memory_space<vmem>>, vector<1x100x384xbf16>,
    %slice3A_1812 = vector.extract_strided_slice %convert_element_type3A_795 {offsets = [0, 9, 0], sizes = [1, 1, 384], strides = [1, 1, 1]} : vector<10x10x384xbf16> to vector<1x1x384xbf16>
    %squeeze3A_1813 = vector.shape_cast %slice3A_1812 : vector<1x1x384xbf16> to vector<1x384xbf16>
    %get3A_1814 = arith.constant 0 : index
    %get3A_1815 = arith.constant 0 : index
    %get3A_1816 = arith.constant 0 : index
    %get3A_1817 = vector.load %arg1[%get3A_1814, %get3A_1815, %get3A_1816] : memref<10x100x384xbf16, #tpu.memory_space<vmem>>, vector<1x100x384xbf16>
    %get3A_1818 = vector.shape_cast %get3A_1817 : vector<1x100x384xbf16> to vector<100x384xbf16>
    %mul3A_1819 = vector.broadcast %squeeze3A_1813 : vector<1x384xbf16> to vector<100x384xbf16>
    %mul3A_1820 = arith.mulf %mul3A_1819, %get3A_1818 : vector<100x384xbf16>
    %slice3A_1821 = vector.extract_strided_slice %convert_element_type3A_795 {offsets = [1, 9, 0], sizes = [1, 1, 384], strides = [1, 1, 1]} : vector<10x10x384xbf16> to vector<1x1x384xbf16>
    %squeeze3A_1822 = vector.shape_cast %slice3A_1821 : vector<1x1x384xbf16> to vector<1x384xbf16>
    %get3A_1823 = arith.constant 1 : index
    %get3A_1824 = arith.constant 0 : index
    %get3A_1825 = arith.constant 0 : index
    %get3A_1826 = vector.load %arg1[%get3A_1823, %get3A_1824, %get3A_1825] : memref<10x100x384xbf16, #tpu.memory_space<vmem>>, vector<1x100x384xbf16>
    %get3A_1827 = vector.shape_cast %get3A_1826 : vector<1x100x384xbf16> to vector<100x384xbf16>
    %mul3A_1828 = vector.broadcast %squeeze3A_1822 : vector<1x384xbf16> to vector<100x384xbf16>
    %mul3A_1829 = arith.mulf %mul3A_1828, %get3A_1827 : vector<100x384xbf16>
    %add3A_1830 = arith.addf %mul3A_1820, %mul3A_1829 : vector<100x384xbf16>
    %slice3A_1831 = vector.extract_strided_slice %convert_element_type3A_795 {offsets = [2, 9, 0], sizes = [1, 1, 384], strides = [1, 1, 1]} : vector<10x10x384xbf16> to vector<1x1x384xbf16>
    %squeeze3A_1832 = vector.shape_cast %slice3A_1831 : vector<1x1x384xbf16> to vector<1x384xbf16>
    %get3A_1833 = arith.constant 2 : index
    %get3A_1834 = arith.constant 0 : index
    %get3A_1835 = arith.constant 0 : index
    %get3A_1836 = vector.load %arg1[%get3A_1833, %get3A_1834, %get3A_1835] : memref<10x100x384xbf16, #tpu.memory_space<vmem>>, vector<1x100x384xbf16>
    %get3A_1837 = vector.shape_cast %get3A_1836 : vector<1x100x384xbf16> to vector<100x384xbf16>
    %mul3A_1838 = vector.broadcast %squeeze3A_1832 : vector<1x384xbf16> to vector<100x384xbf16>
    %mul3A_1839 = arith.mulf %mul3A_1838, %get3A_1837 : vector<100x384xbf16>
    %add3A_1840 = arith.addf %add3A_1830, %mul3A_1839 : vector<100x384xbf16>
    %slice3A_1841 = vector.extract_strided_slice %convert_element_type3A_795 {offsets = [3, 9, 0], sizes = [1, 1, 384], strides = [1, 1, 1]} : vector<10x10x384xbf16> to vector<1x1x384xbf16>
    %squeeze3A_1842 = vector.shape_cast %slice3A_1841 : vector<1x1x384xbf16> to vector<1x384xbf16>
    %get3A_1843 = arith.constant 3 : index
    %get3A_1844 = arith.constant 0 : index
    %get3A_1845 = arith.constant 0 : index
    %get3A_1846 = vector.load %arg1[%get3A_1843, %get3A_1844, %get3A_1845] : memref<10x100x384xbf16, #tpu.memory_space<vmem>>, vector<1x100x384xbf16>
    %get3A_1847 = vector.shape_cast %get3A_1846 : vector<1x100x384xbf16> to vector<100x384xbf16>
    %mul3A_1848 = vector.broadcast %squeeze3A_1842 : vector<1x384xbf16> to vector<100x384xbf16>
    %mul3A_1849 = arith.mulf %mul3A_1848, %get3A_1847 : vector<100x384xbf16>
    %add3A_1850 = arith.addf %add3A_1840, %mul3A_1849 : vector<100x384xbf16>
    %slice3A_1851 = vector.extract_strided_slice %convert_element_type3A_795 {offsets = [4, 9, 0], sizes = [1, 1, 384], strides = [1, 1, 1]} : vector<10x10x384xbf16> to vector<1x1x384xbf16>
    %squeeze3A_1852 = vector.shape_cast %slice3A_1851 : vector<1x1x384xbf16> to vector<1x384xbf16>
    %get3A_1853 = arith.constant 4 : index
    %get3A_1854 = arith.constant 0 : index
    %get3A_1855 = arith.constant 0 : index
    %get3A_1856 = vector.load %arg1[%get3A_1853, %get3A_1854, %get3A_1855] : memref<10x100x384xbf16, #tpu.memory_space<vmem>>, vector<1x100x384xbf16>
    %get3A_1857 = vector.shape_cast %get3A_1856 : vector<1x100x384xbf16> to vector<100x384xbf16>
    %mul3A_1858 = vector.broadcast %squeeze3A_1852 : vector<1x384xbf16> to vector<100x384xbf16>
    %mul3A_1859 = arith.mulf %mul3A_1858, %get3A_1857 : vector<100x384xbf16>
    %add3A_1860 = arith.addf %add3A_1850, %mul3A_1859 : vector<100x384xbf16>
    %slice3A_1861 = vector.extract_strided_slice %convert_element_type3A_795 {offsets = [5, 9, 0], sizes = [1, 1, 384], strides = [1, 1, 1]} : vector<10x10x384xbf16> to vector<1x1x384xbf16>
    %squeeze3A_1862 = vector.shape_cast %slice3A_1861 : vector<1x1x384xbf16> to vector<1x384xbf16>
    %get3A_1863 = arith.constant 5 : index
    %get3A_1864 = arith.constant 0 : index
    %get3A_1865 = arith.constant 0 : index
    %get3A_1866 = vector.load %arg1[%get3A_1863, %get3A_1864, %get3A_1865] : memref<10x100x384xbf16, #tpu.memory_space<vmem>>, vector<1x100x384xbf16>
    %get3A_1867 = vector.shape_cast %get3A_1866 : vector<1x100x384xbf16> to vector<100x384xbf16>
    %mul3A_1868 = vector.broadcast %squeeze3A_1862 : vector<1x384xbf16> to vector<100x384xbf16>
    %mul3A_1869 = arith.mulf %mul3A_1868, %get3A_1867 : vector<100x384xbf16>
    %add3A_1870 = arith.addf %add3A_1860, %mul3A_1869 : vector<100x384xbf16>
    %slice3A_1871 = vector.extract_strided_slice %convert_element_type3A_795 {offsets = [6, 9, 0], sizes = [1, 1, 384], strides = [1, 1, 1]} : vector<10x10x384xbf16> to vector<1x1x384xbf16>
    %squeeze3A_1872 = vector.shape_cast %slice3A_1871 : vector<1x1x384xbf16> to vector<1x384xbf16>
    %get3A_1873 = arith.constant 6 : index
    %get3A_1874 = arith.constant 0 : index
    %get3A_1875 = arith.constant 0 : index
    %get3A_1876 = vector.load %arg1[%get3A_1873, %get3A_1874, %get3A_1875] : memref<10x100x384xbf16, #tpu.memory_space<vmem>>, vector<1x100x384xbf16>
    %get3A_1877 = vector.shape_cast %get3A_1876 : vector<1x100x384xbf16> to vector<100x384xbf16>
    %mul3A_1878 = vector.broadcast %squeeze3A_1872 : vector<1x384xbf16> to vector<100x384xbf16>
    %mul3A_1879 = arith.mulf %mul3A_1878, %get3A_1877 : vector<100x384xbf16>
    %add3A_1880 = arith.addf %add3A_1870, %mul3A_1879 : vector<100x384xbf16>
    %slice3A_1881 = vector.extract_strided_slice %convert_element_type3A_795 {offsets = [7, 9, 0], sizes = [1, 1, 384], strides = [1, 1, 1]} : vector<10x10x384xbf16> to vector<1x1x384xbf16>
    %squeeze3A_1882 = vector.shape_cast %slice3A_1881 : vector<1x1x384xbf16> to vector<1x384xbf16>
    %get3A_1883 = arith.constant 7 : index
    %get3A_1884 = arith.constant 0 : index
    %get3A_1885 = arith.constant 0 : index
    %get3A_1886 = vector.load %arg1[%get3A_1883, %get3A_1884, %get3A_1885] : memref<10x100x384xbf16, #tpu.memory_space<vmem>>, vector<1x100x384xbf16>
    %get3A_1887 = vector.shape_cast %get3A_1886 : vector<1x100x384xbf16> to vector<100x384xbf16>
    %mul3A_1888 = vector.broadcast %squeeze3A_1882 : vector<1x384xbf16> to vector<100x384xbf16>
    %mul3A_1889 = arith.mulf %mul3A_1888, %get3A_1887 : vector<100x384xbf16>
    %add3A_1890 = arith.addf %add3A_1880, %mul3A_1889 : vector<100x384xbf16>
    %slice3A_1891 = vector.extract_strided_slice %convert_element_type3A_795 {offsets = [8, 9, 0], sizes = [1, 1, 384], strides = [1, 1, 1]} : vector<10x10x384xbf16> to vector<1x1x384xbf16>
    %squeeze3A_1892 = vector.shape_cast %slice3A_1891 : vector<1x1x384xbf16> to vector<1x384xbf16>
    %get3A_1893 = arith.constant 8 : index
    %get3A_1894 = arith.constant 0 : index
    %get3A_1895 = arith.constant 0 : index
    %get3A_1896 = vector.load %arg1[%get3A_1893, %get3A_1894, %get3A_1895] : memref<10x100x384xbf16, #tpu.memory_space<vmem>>, vector<1x100x384xbf16>
    %get3A_1897 = vector.shape_cast %get3A_1896 : vector<1x100x384xbf16> to vector<100x384xbf16>
    %mul3A_1898 = vector.broadcast %squeeze3A_1892 : vector<1x384xbf16> to vector<100x384xbf16>
    %mul3A_1899 = arith.mulf %mul3A_1898, %get3A_1897 : vector<100x384xbf16>
    %add3A_1900 = arith.addf %add3A_1890, %mul3A_1899 : vector<100x384xbf16>
    %slice3A_1901 = vector.extract_strided_slice %convert_element_type3A_795 {offsets = [9, 9, 0], sizes = [1, 1, 384], strides = [1, 1, 1]} : vector<10x10x384xbf16> to vector<1x1x384xbf16>
    %squeeze3A_1902 = vector.shape_cast %slice3A_1901 : vector<1x1x384xbf16> to vector<1x384xbf16>
    %get3A_1903 = arith.constant 9 : index
    %get3A_1904 = arith.constant 0 : index
    %get3A_1905 = arith.constant 0 : index
    %get3A_1906 = vector.load %arg1[%get3A_1903, %get3A_1904, %get3A_1905] : memref<10x100x384xbf16, #tpu.memory_space<vmem>>, vector<1x100x384xbf16>
    %get3A_1907 = vector.shape_cast %get3A_1906 : vector<1x100x384xbf16> to vector<100x384xbf16>
    %mul3A_1908 = vector.broadcast %squeeze3A_1902 : vector<1x384xbf16> to vector<100x384xbf16>
    %mul3A_1909 = arith.mulf %mul3A_1908, %get3A_1907 : vector<100x384xbf16>
    %add3A_1910 = arith.addf %add3A_1900, %mul3A_1909 : vector<100x384xbf16>
    %get3A_1911 = arith.constant 9 : index
    %get3A_1912 = arith.constant 0 : index
    %get3A_1913 = arith.constant 0 : index
    %get3A_1914 = vector.load %arg1[%get3A_1911, %get3A_1912, %get3A_1913] : memref<10x100x384xbf16, #tpu.memory_space<vmem>>, vector<1x100x384xbf16>
    %get3A_1915 = vector.shape_cast %get3A_1914 : vector<1x100x384xbf16> to vector<100x384xbf16>
    %mul3A_1916 = vector.broadcast %convert_element_type3A_794 : bf16 to vector<100x384xbf16>
    %mul3A_1917 = arith.mulf %mul3A_1916, %add3A_1910 : vector<100x384xbf16>
    %add3A_1918 = arith.addf %get3A_1915, %mul3A_1917 : vector<100x384xbf16>
    %swap3A_1919 = arith.constant 9 : index
    %swap3A_1920 = arith.constant 0 : index
    %swap3A_1921 = arith.constant 0 : index
    %swap3A_1922 = vector.load %arg3[%swap3A_1919, %swap3A_1920, %swap3A_1921] : memref<10x100x384xbf16, #tpu.memory_space<vmem>>, vector<1x100x384xbf16>
    %swap3A_1923 = vector.shape_cast %swap3A_1922 : vector<1x100x384xbf16> to vector<100x384xbf16>
    %swap3A_1924 = vector.shape_cast %add3A_1918 : vector<100x384xbf16> to vector<1x100x384xbf16>
    tpu.vector_store %arg3[%swap3A_1919, %swap3A_1920, %swap3A_1921], %swap3A_1924 {strides = array<i32>} : memref<10x100x384xbf16, #tpu.memory_space<vmem>>, vector<1x100x384xbf16>,
    return
  }
  func.func @transform_0(%arg0: i32) -> (i32, i32, i32) {
    %c0_i32 = arith.constant 0 : i32
    %c0_i32_0 = arith.constant 0 : i32
    %c0_i32_1 = arith.constant 0 : i32
    return %c0_i32, %c0_i32_0, %arg0 : i32, i32, i32
  }
  func.func @transform_1(%arg0: i32) -> (i32, i32) {
    %c0_i32 = arith.constant 0 : i32
    %c0_i32_0 = arith.constant 0 : i32
    %c0_i32_1 = arith.constant 0 : i32
    return %c0_i32, %c0_i32_0 : i32, i32
  }
  func.func @transform_2(%arg0: i32) -> (i32, i32, i32) {
    %c0_i32 = arith.constant 0 : i32
    %c0_i32_0 = arith.constant 0 : i32
    %c0_i32_1 = arith.constant 0 : i32
    return %c0_i32, %c0_i32_0, %arg0 : i32, i32, i32
  }
}

</mosaic_0001>

<sc_bundles>
// kernel: sparse-core-data-format-call.1.cloned.1.call-start
scs
called_computation.1_lowered:
.L_overlay_start_0:
0x0: {  	s2 =	sld [smem:$0x3FD9]  }
0x1: {  	s3 =	sld [smem:$0x3FFE];
	_ =	sdelay $0x1  }
0x2: {  	s1 =	srdreg.scid  }
0x3: {  	s0 =	sand.u32 $0x1, s1  }
0x4: {  	s18 =	sshll.u32 s0, $0xA;
	s2 =	sadd.s32 s3, s2  }
0x5: {  	s2 =	sadd.s32 s2, s18  }
0x6: {  	[smem:$0x3FC6] =	sst s2  }
0x7: {  	_ = 	snop  }
0x8: {  	s2 =	sld [smem:$0x3FD0];
	(tm) =	ssettm $0x1  }
0x9: {  	s19 =	sld [smem:$0x3FFB];
	_ =	sdelay $0x3  }
0xa: {  	_ =	strace s19  }
0xb: {  	s3 =	sld [smem:$0x3FFC];
	_ =	sdelay $0x3  }
0xc: {  	_ =	strace s3  }
0xd: {  	s3 =	sld [smem:$0x3FFD];
	_ =	sdelay $0x3  }
0xe: {  	_ =	strace s3  }
0xf: {  	_ =	strace $0x8FFFFFFF  }
0x10: {  	s20 =	sld [smem:$0x3FDB];
	_ =	sdelay $0x1  }
0x11: {  	s4 =	simm.s32 $_scs_section_size  }
0x12: {  	s5 =	simm.s32 $_size__tile_overlayer_lowered;
	s6 =	simm.s32 $_tile_overlayer_lowered  }
0x13: {  	s23 =	simm.s32 $0x1BFF;
	s22 =	sshll.u32 s6, $0x1;
	s3 =	sadd.s32 s4, s20  }
0x14: {  	s7 =	simm.s32 $0x0;
	s21 =	sshll.u32 s5, $0x1;
	s5 =	sadd.s32 s22, s3  }
0x15: {  	[timem:s7], [sflag:s23] =	dma.local [hbm:s5], s21  }
0x16: {  	_ =	swait.ge [sflag:s23], s21  }
0x17: {  	s4 =	ssub.s32 $0x0, s21;
	[sflag:s23] =	ssyncset.done $0x0  }
0x18: {  	[sflag:s23] =	ssyncadd.s32 s4;
	_ =	sdelay $0x1  }
0x19: {  	s24 =	simm.s32 $0x1B8B  }
0x1a: {  	_ =	swait.ge [sflag:s24], $0x1  }
0x1b: {  	[sflag:s24] =	ssyncset.done $0x0  }
0x1c: {  	s26 =	simm.s32 $0x1B8E;
	s25 =	sld [smem:$0x3FFE];
	[sflag:s24] =	ssyncadd.s32 $0xFFFFFFFF  }
0x1d: {  	s27 =	simm.s32 $execute0_lowered;
	[smem:$0x3FD2] =	sst s26  }
0x1e: {  	s5 =	sshll.u32 s27, $0x1;
	_ =	strace $0x80000046;
	[dreg:$0x1] =	wrdreg $0xFFFFFFFF  }
0x1f: {  	s28 =	simm.s32 $_size_execute0_lowered;
	s3 =	sadd.s32 s3, s5;
	[dreg:$0x0] =	wrdreg $0x0  }
0x20: {  	s5 =	sshll.u32 s28, $0x1;
	[dreg:$0x2] =	wrdreg s3  }
0x21: {  	[dreg:$0x3] =	wrdreg s5  }
0x22: {  	[dreg:$0x4] =	wrdreg $0xC0  }
0x23: {  	_ =	task [dreg:s7], $0x5FFFF  }
0x24: {  	[dreg:$0x1] =	wrdreg $0xFFFFFFFF  }
0x25: {  	[dreg:$0x0] =	wrdreg $0x60  }
0x26: {  	[dreg:$0x2] =	wrdreg s2  }
0x27: {  	[dreg:$0x3] =	wrdreg s25  }
0x28: {  	[dreg:$0x4] =	wrdreg $0x9  }
0x29: {  	_ =	task.clear_ibuf [dreg:s7], $0x5FFFF;
	_ =	strace $0x90000046  }
0x2a: {  	s29 =	simm.s32 $0x9;
	_ =	strace $0x80000048  }
0x2b: {  	_ =	swait.ge [sflag:s29], $0x1  }
0x2c: {  	[sflag:s29] =	ssyncadd.s32 $0xFFFFFFFF  }
0x2d: {  	_ =	strace $0x90000048  }
0x2e: {  	_ =	sfence  }
0x2f: {  	s30 =	sld [smem:$0x0];
	_ =	sdelay $0x2  }
0x30: {  	s31 =	sshll.u32 s1, $0xD;
	s1 =	sshrl.u32 s1, $0x2  }
0x31: {  	s3 =	sand.u32 $0x4000, s31;
	s1 =	sadd.s32 s1, s30  }
0x32: {  	s0 =	sor.u32 s3, s0;
	s1 =	sshll.u32 s1, $0x11  }
0x33: {  	s0 =	sor.u32 s1, s0  }
0x34: {  	s0 =	sadd.s32 $0x8F2B, s0  }
0x35: {  	[sflag:s0] =	ssyncadd.remote.s32 $0x1  }
0x36: {  	_ =	sfence.sel $0xFFFF  }
0x37: {  	[dreg:$0x0] =	wrdreg $0xFFFFFFFF;
	(pc) =	sbr.abs _section_cstart, $3  }
0x38: {  	[dreg:$0x1] =	wrdreg $0xFFFFFFFF  }
0x39: {  	_ =	task.clear_ibuf [dreg:s7], $0x2FFFF;
	_ =	strace $0x9FFFFFFF  }
0x3a: {  	(tm) =	ssettm $0x7FFFFFFF  }
0x3b: {  	_ =	shalt  }
tec
execute0_lowered:
.L_overlay_start_1:
0x0: {  	(tag) =	ssettag $0x1  }
0x1: {  	s3 =	rddreg [dreg:$0x0]  }
0x2: {  	s0 =	srdreg.scid;
	s9 =	rddreg [dreg:$0x1];
	s4 =	simm.s32 $0x1  }
0x3: {  	s6 =	simm.s32 $0x2;
	s21 =	simm.s32 $0x0;
	s1 =	sshll.u32 s0, $0x4  }
0x4: {  	s11 =	simm.s32 $0x600;
	s0 =	stileid.u32;
	s1 =	sand.u32 $0x10, s1  }
0x5: {  	s18 =	simm.s32 $0x0;
	s19 =	simm.s32 $0x0;
	s2 =	sor.u32 s0, s1  }
0x6: {  	s20 =	simm.s32 $0x0;
	s22 =	simm.s32 $0x0;
	s5 =	ssub.s32 $0x19, s2  }
0x7: {  	s12 =	simm.s32 $0x0;
	s13 =	simm.s32 $0x0;
	p0 =	sgt.s32 s5, $0x0  }
0x8: {  	s14 =	simm.s32 $0x0;
	s1 =	rddreg [dreg:$0x2];
	s5 =	simm.s32 @!p0 $0x0  }
.Ltmp0:
0x9: {  	_ =	strace $0x80000047;
	s5 =	sadd.s32 $0x1F, s5;
	(pc) =	sbr.rel .LBB1_1-.Ltmp0, $4  }
0xa: {  	s16 =	simm.s32 $0x0;
	[sflag:s4] =	ssyncpa.u1 $0x0;
	s7 =	sshrl.u32 s5, $0x5  }
0xb: {  	s17 =	simm.s32 $0x0;
	[sflag:s6] =	ssyncpa.u1 $0x0;
	s6 =	smul.u32 $0x1E, s7  }
0xc: {  	s8 =	sadd.s32 $0x13400, s9;
	s15 =	smov.u32 s2;
	s5 =	sadd.s32 $0x800, s9  }
0xd: {  	s7 =	sadd.s32 $0x9E00, s9;
	s9 =	sadd.s32 $0x1CA00, s9;
	s10 =	sor.u32 $0x1, s6  }
.LBB1_7:
0xe: {  	s23 =	sadd.s32 $0x80, s12  }
0xf: {  	s18 =	sadd.s32 $0x4, s13;
	s24 =	smov.u32 s13;
	p1 =	sgt.s32 s23, $0x12B  }
0x10: {  	s24 =	smov.u32 @p1 s18  }
0x11: {  	s18 =	simm.s32 $0x1;
	p2 =	sgt.s32 s24, $0x3  }
0x12: {  	s18 =	simm.s32 @!p2 $0x0  }
0x13: {  	s25 =	sadd.s32 s18, s14  }
0x14: {  	s26 =	smov.u32 s15;
	s18 =	sadd.s32 $0x20, s15;
	p3 =	sgt.s32 s25, $0x9  }
0x15: {  	p0 =	slt.u32 s17, $0x2;
	s26 =	smov.u32 @p3 s18  }
0x16: {  	s27 =	smov.u32 s16;
	s18 =	sadd.s32 $0x40, s16;
	p4 =	sgt.s32 s26, $0x18  }
0x17: {  	s21 =	smov.u32 s12;
	s19 =	smov.u32 s14;
	s27 =	smov.u32 @p4 s18  }
0x18: {  	s20 =	smov.u32 s15;
	s23 =	simm.s32 @p1 $0x0;
	p1 =	sgt.s32 s27, $0x3F  }
0x19: {  	s28 =	simm.s32 @!p0 $0x2;
	s27 =	simm.s32 @p1 $0x0;
	p1 =	sne.s32 s17, s10  }
.Ltmp1:
0x1a: {  	s22 =	smov.u32 s16;
	_ =	swait.ge @!p0 [sflag:s28], $0x4000;
	(pc) =	sbr.rel @!p1 .LBB1_8-.Ltmp1, $4  }
0x1b: {  	[sflag:s28] =	ssyncset.done @!p0 $0x0;
	s12 =	smov.u32 s23;
	s25 =	simm.s32 @p3 $0x0  }
0x1c: {  	s24 =	simm.s32 @p2 $0x0;
	[sflag:s28] =	ssyncadd.s32 @!p0 $0xFFFFC000;
	s14 =	smov.u32 s25  }
0x1d: {  	s26 =	smov.u32 @p4 s2;
	s18 =	smov.u32 s13;
	s13 =	smov.u32 s24  }
0x1e: {  	s15 =	smov.u32 s26;
	s17 =	sadd.s32 $0x1, s17;
	s16 =	smov.u32 s27  }
.LBB1_1:
0x1f: {  	p0 =	sge.u32 s17, s6  }
0x20: {  	s23 =	sshrl.u32 @!p0 s13, $0x2  }
0x21: {  	s24 =	sshll.u32 @!p0 s12, $0x2;
	s23 =	smul.u32 @!p0 $0x600, s23  }
0x22: {  	s25 =	sshll.u32 @!p0 s13, $0x7;
	s24 =	sand.u32 @!p0 $0xFFFFFE00, s24  }
0x23: {  	s23 =	sadd.s32 @!p0 s23, s24;
	s24 =	sand.u32 @!p0 $0x100, s25;
	s25 =	sshll.u32 @!p0 s12, $0x1  }
0x24: {  	s23 =	sor.u32 @!p0 s24, s23;
	s24 =	sand.u32 @!p0 $0xFE, s25  }
0x25: {  	s26 =	smul.u32 @!p0 $0x5DC0, s16;
	s25 =	sand.u32 @!p0 $0x1, s13;
	s23 =	sor.u32 @!p0 s24, s23  }
0x26: {  	s24 =	sor.u32 @!p0 s25, s23;
	s23 =	smulhi.u32 @!p0 $0xAAAAAAAB, s23  }
0x27: {  	s25 =	smulhi.u32 @!p0 $0xAAAAAAAB, s24  }
0x28: {  	s27 =	smul.u32 @!p0 $0x3C0, s15  }
0x29: {  	s28 =	smul.u32 @!p0 $0x60, s14;
	s23 =	sshrl.u32 @!p0 s23, $0x8;
	s25 =	sshrl.u32 @!p0 s25, $0x8  }
0x2a: {  	s26 =	sadd.s32 @!p0 s3, s26;
	s23 =	sand.u32 @!p0 $0x3, s23;
	s25 =	smul.u32 @!p0 $0x180, s25  }
0x2b: {  	s31 =	sadd.s32 $0xFFFFFFFF, s17;
	s26 =	sadd.s32 @!p0 s27, s26;
	s23 =	smul.u32 @!p0 $0x18, s23  }
0x2c: {  	s27 =	sxor.u32 @!p0 $0xFFFFFFFF, s17;
	s24 =	ssub.s32 @!p0 s24, s25;
	s25 =	sadd.s32 @!p0 s28, s26  }
0x2d: {  	s26 =	sshrl.u32 @!p0 s24, $0x4;
	s23 =	sadd.s32 @!p0 s23, s25;
	s24 =	sshll.u32 @!p0 s24, $0x11  }
0x2e: {  	s25 =	sshll.u32 @!p0 s27, $0xE;
	s23 =	sadd.s32 @!p0 s26, s23;
	s24 =	sand.u32 @!p0 $0x1C0000, s24  }
0x2f: {  	s25 =	sand.u32 @!p0 $0x4000, s25;
	s26 =	simm.s32 @!p0 $0x2EE00;
	s24 =	sor.u32 @!p0 $0x100, s24  }
0x30: {  	[tilespmem:s25], [sflag:$0x1] =	stream.strided.gather @!p0 [hbm4b:s23+s24], $0x4000, s26, s24, $0x38;
	[tilespmem:$0x10000] =	vst v63  }
0x31: {  	p0 =	sge.u32 s31, s6  }
.Ltmp2:
0x32: {  	_ = 	snop;
	(pc) =	sbr.rel @p0 .LBB1_7-.Ltmp2, $1  }
0x33: {  	_ =	sdelay $0x3  }
0x34: {  	_ =	swait.ge [sflag:s4], $0x4000;
	s23 =	sshll.u32 s17, $0xE  }
0x35: {  	[sflag:s4] =	ssyncset.done $0x0;
	s23 =	sand.u32 $0x4000, s23  }
0x36: {  	s25 =	simm.s32 $0x0;
	[sflag:s4] =	ssyncadd.s32 $0xFFFFC000;
	s24 =	sor.u32 $0x8000, s23  }
.LBB1_3:
0x37: {  	s26 =	sshll.u32 s25, $0x8  }
0x38: {  	s27 =	sand.u32 $0x3FFFFF00, s26  }
0x39: {  	s27 =	sadd.s32 s27, s23  }
0x3a: {  	s26 =	sshll.u32 s25, $0x7;
	s29 =	sadd.s32 $0x100, s27;
	v0 =	vmov s27  }
0x3b: {  	s28 =	sor.u32 $0x80, s26;
	v1 =	vmov s29  }
0x3c: {  	s28 =	sshrl.u32 s28, $0x1  }
0x3d: {  	p0 =	por $0x1, $0x1;
	s27 =	simm.s32 $0x0;
	v2 =	vmov s28  }
.LBB1_4:
0x3e: {  	s29 =	sshll.u32 s27, $0x6  }
0x3f: {  	v3 =	vld.idx.msk [tilespmem:v0+s29+$0x0 ss:$0x1], $0xffff  }
0x40: {  	v4 =	vld.idx.msk [tilespmem:v1+s29+$0x0 ss:$0x1], $0xffff  }
0x41: {  	v5 =	vld.idx.msk [tilespmem:v0+s29+$0x10 ss:$0x1], $0xffff  }
0x42: {  	v6 =	vld.idx.msk [tilespmem:v1+s29+$0x10 ss:$0x1], $0xffff  }
0x43: {  	s27 =	sshll.u32 s27, $0xC;
	v7 =	vld.idx.msk [tilespmem:v0+s29+$0x20 ss:$0x1], $0xffff  }
0x44: {  	s27 =	sand.u32 $0x3FFFF000, s27;
	v8 =	vld.idx.msk [tilespmem:v1+s29+$0x20 ss:$0x1], $0xffff  }
0x45: {  	s30 =	sshrl.u32 s26, $0x1;
	v11 =	vld.idx.msk [tilespmem:v0+s29+$0x30 ss:$0x1], $0xffff;
	s27 =	sadd.s32 s27, s24;
	v9 =	vunpack.i.l.s16.s32 v3;
	v10 =	vunpack.i.l.s16.s32 v4  }
0x46: {  	v36 =	vld.idx.msk [tilespmem:v1+s29+$0x30 ss:$0x1], $0xffff;
	s29 =	sor.u32 $0x40, s29;
	s31 =	sadd.s32 s30, s27;
	s28 =	sadd.s32 $0x1000, s27;
	v3 =	vunpack.i.u.s16.s32 v3;
	v4 =	vunpack.i.u.s16.s32 v4;
	v9 =	vpack.i.b32.b16 v10, v9  }
0x47: {  	v12 =	vld.idx.msk [tilespmem:v0+s29+$0x0 ss:$0x1], $0xffff;
	s30 =	sadd.s32 s30, s28;
	v37 =	vunpack.i.l.s16.s32 v5;
	v38 =	vunpack.i.l.s16.s32 v6;
	v3 =	vpack.i.b32.b16 v4, v3;
	[tilespmem:s31+$0x0] =	vst v9  }
0x48: {  	v40 =	vld.idx.msk [tilespmem:v1+s29+$0x0 ss:$0x1], $0xffff;
	v39 =	vunpack.i.u.s16.s32 v6;
	v4 =	vpack.i.b32.b16 v38, v37;
	[tilespmem:s30+$0x0] =	vst v3;
	v3 =	vunpack.i.u.s16.s32 v5  }
0x49: {  	v43 =	vld.idx.msk [tilespmem:v0+s29+$0x10 ss:$0x1], $0xffff;
	v41 =	vunpack.i.l.s16.s32 v7;
	v42 =	vunpack.i.l.s16.s32 v8;
	[tilespmem:s31+$0x10] =	vst v4;
	v3 =	vpack.i.b32.b16 v39, v3  }
0x4a: {  	v45 =	vld.idx.msk [tilespmem:v1+s29+$0x10 ss:$0x1], $0xffff;
	v44 =	vunpack.i.u.s16.s32 v8;
	v4 =	vpack.i.b32.b16 v42, v41;
	[tilespmem:s30+$0x10] =	vst v3;
	v3 =	vunpack.i.u.s16.s32 v7  }
0x4b: {  	v48 =	vld.idx.msk [tilespmem:v0+s29+$0x20 ss:$0x1], $0xffff;
	v46 =	vunpack.i.l.s16.s32 v11;
	v47 =	vunpack.i.l.s16.s32 v36;
	[tilespmem:s31+$0x20] =	vst v4;
	v3 =	vpack.i.b32.b16 v44, v3  }
0x4c: {  	v49 =	vld.idx.msk [tilespmem:v1+s29+$0x20 ss:$0x1], $0xffff;
	v10 =	vunpack.i.u.s16.s32 v36;
	v4 =	vpack.i.b32.b16 v47, v46;
	[tilespmem:s30+$0x20] =	vst v3;
	v3 =	vunpack.i.u.s16.s32 v11  }
0x4d: {  	v52 =	vld.idx.msk [tilespmem:v0+s29+$0x30 ss:$0x1], $0xffff;
	v50 =	vunpack.i.l.s16.s32 v12;
	v51 =	vunpack.i.l.s16.s32 v40;
	[tilespmem:s31+$0x30] =	vst v4;
	v3 =	vpack.i.b32.b16 v10, v3  }
0x4e: {  	v53 =	vld.idx.msk [tilespmem:v1+s29+$0x30 ss:$0x1], $0xffff;
	v6 =	vunpack.i.u.s16.s32 v40;
	v4 =	vpack.i.b32.b16 v51, v50;
	[tilespmem:s30+$0x30] =	vst v3;
	v3 =	vunpack.i.u.s16.s32 v12  }
0x4f: {  	v54 =	vunpack.i.l.s16.s32 v43;
	v55 =	vunpack.i.l.s16.s32 v45;
	[tilespmem:v2+s27+$0x0 ss:$0x1] =	vst.idx.msk $0xffff, v4;
	v3 =	vpack.i.b32.b16 v6, v3  }
0x50: {  	v56 =	vunpack.i.u.s16.s32 v43;
	v5 =	vunpack.i.u.s16.s32 v45;
	[tilespmem:v2+s28+$0x0 ss:$0x1] =	vst.idx.msk $0xffff, v3;
	v3 =	vpack.i.b32.b16 v55, v54  }
0x51: {  	p1 =	por p0, p0;
	v57 =	vunpack.i.l.s16.s32 v48;
	v58 =	vunpack.i.l.s16.s32 v49;
	[tilespmem:v2+s27+$0x10 ss:$0x1] =	vst.idx.msk $0xffff, v3;
	v3 =	vpack.i.b32.b16 v5, v56  }
.Ltmp3:
0x52: {  	v59 =	vunpack.i.u.s16.s32 v48;
	v60 =	vunpack.i.u.s16.s32 v49;
	[tilespmem:v2+s28+$0x10 ss:$0x1] =	vst.idx.msk $0xffff, v3;
	v3 =	vpack.i.b32.b16 v58, v57;
	(pc) =	sbr.rel @p1 .LBB1_4-.Ltmp3, $4  }
0x53: {  	v61 =	vunpack.i.l.s16.s32 v52;
	v62 =	vunpack.i.l.s16.s32 v53;
	[tilespmem:v2+s27+$0x20 ss:$0x1] =	vst.idx.msk $0xffff, v3;
	v3 =	vpack.i.b32.b16 v60, v59  }
0x54: {  	v63 =	vunpack.i.u.s16.s32 v53;
	v4 =	vpack.i.b32.b16 v62, v61;
	[tilespmem:v2+s28+$0x20 ss:$0x1] =	vst.idx.msk $0xffff, v3;
	v3 =	vunpack.i.u.s16.s32 v52  }
0x55: {  	[tilespmem:v2+s27+$0x30 ss:$0x1] =	vst.idx.msk $0xffff, v4;
	v3 =	vpack.i.b32.b16 v63, v3  }
0x56: {  	p0 =	por $0x0, $0x0;
	s27 =	simm.s32 $0x2;
	[tilespmem:v2+s28+$0x30 ss:$0x1] =	vst.idx.msk $0xffff, v3  }
0x57: {  	p0 =	slt.u32 s25, $0x3E  }
.Ltmp4:
0x58: {  	_ = 	snop;
	(pc) =	sbr.rel @p0 .LBB1_3-.Ltmp4, $3  }
0x59: {  	_ =	sdelay $0x1  }
0x5a: {  	s26 =	sadd.s32 $0x2, s25  }
0x5b: {  	s25 =	smov.u32 s26  }
0x5c: {  	s25 =	sshrl.u32 s22, $0x3  }
0x5d: {  	s26 =	sshll.u32 s21, $0x3;
	s25 =	smul.u32 $0xC00, s25  }
0x5e: {  	s27 =	sshll.u32 s22, $0x7;
	s26 =	sand.u32 $0xFFFFFC00, s26  }
0x5f: {  	s31 =	sshll.u32 s21, $0x1;
	s30 =	sand.u32 $0x300, s27;
	s25 =	sadd.s32 s25, s26  }
0x60: {  	s21 =	sand.u32 $0xFE, s31;
	s25 =	sor.u32 s30, s25  }
0x61: {  	s27 =	sand.u32 $0x1, s22;
	s21 =	sor.u32 s21, s25  }
0x62: {  	s20 =	smul.u32 $0x600, s20;
	s22 =	sor.u32 s27, s21  }
0x63: {  	s28 =	smulhi.u32 $0xAAAAAAAB, s22  }
0x64: {  	s21 =	smulhi.u32 $0xAAAAAAAB, s21  }
0x65: {  	s19 =	smul.u32 $0x25800, s19;
	s25 =	sshrl.u32 s28, $0x8  }
0x66: {  	s21 =	sshrl.u32 s21, $0x8;
	s25 =	smul.u32 $0x180, s25  }
0x67: {  	s18 =	smul.u32 $0x9600, s18;
	s29 =	sadd.s32 s5, s20;
	s21 =	sand.u32 $0x3F, s21  }
0x68: {  	s30 =	sadd.s32 s19, s29;
	s21 =	smul.u32 $0x18, s21;
	s22 =	ssub.s32 s22, s25  }
0x69: {  	s25 =	sadd.s32 s18, s30;
	s31 =	sshll.u32 s22, $0x11  }
0x6a: {  	s22 =	sshrl.u32 s22, $0x4;
	s25 =	sadd.s32 s21, s25;
	s26 =	sand.u32 $0x1C0000, s31  }
0x6b: {  	s27 =	sadd.s32 s20, s7;
	s25 =	sadd.s32 s22, s25;
	s26 =	sor.u32 $0x200, s26  }
0x6c: {  	[hbm4b:s25+s26] =	stream.strided.scatter [tilespmem:s24], [sflag:$0x2], $0x1000, s11, s26, $0x38;
	[tilespmem:$0x10000] =	vst v63  }
0x6d: {  	s24 =	sadd.s32 s19, s27  }
0x6e: {  	s24 =	sadd.s32 s18, s24  }
0x6f: {  	s24 =	sadd.s32 s21, s24  }
0x70: {  	s29 =	sadd.s32 s20, s8;
	s28 =	sadd.s32 $0x9000, s23;
	s24 =	sadd.s32 s22, s24  }
0x71: {  	[hbm4b:s24+s26] =	stream.strided.scatter [tilespmem:s28], [sflag:$0x2], $0x1000, s11, s26, $0x38;
	[tilespmem:$0x10000] =	vst v63  }
0x72: {  	s20 =	sadd.s32 s20, s9;
	s24 =	sadd.s32 s19, s29  }
0x73: {  	s19 =	sadd.s32 s19, s20;
	s24 =	sadd.s32 s18, s24  }
.Ltmp5:
0x74: {  	s18 =	sadd.s32 s18, s19;
	s24 =	sadd.s32 s21, s24;
	(pc) =	sbr.rel .LBB1_7-.Ltmp5, $4  }
0x75: {  	s30 =	sadd.s32 $0xA000, s23;
	s18 =	sadd.s32 s21, s18;
	s24 =	sadd.s32 s22, s24  }
0x76: {  	[hbm4b:s24+s26] =	stream.strided.scatter [tilespmem:s30], [sflag:$0x2], $0x1000, s11, s26, $0x38;
	[tilespmem:$0x10000] =	vst v63  }
0x77: {  	s31 =	sadd.s32 $0xB000, s23;
	s18 =	sadd.s32 s22, s18  }
0x78: {  	[hbm4b:s18+s26] =	stream.strided.scatter [tilespmem:s31], [sflag:$0x2], $0x1000, s11, s26, $0x38;
	[tilespmem:$0x10000] =	vst v63  }
.LBB1_8:
0x79: {  	_ =	sfence.sel $0x180000  }
0x7a: {  	s2 =	simm.s32 $0x1;
	[bflag:$0x0] =	sbarrier.arrive $0xFFFF  }
0x7b: {  	s31 =	simm.s32 $0x2;
	[sflag:s2] =	ssyncpa.u1 $0x1  }
0x7c: {  	[sflag:s31] =	ssyncpa.u1 $0x1  }
0x7d: {  	p0 =	sne.s32 s0, $0x0;
	_ =	strace $0x90000047  }
0x7e: {  	s0 =	sadd.s32 @!p0 $0x100000, s1;
	[bflag:$0x2] =	sbarrier.arrive $0xFFFF  }
0x7f: {  	[sflag:s0] =	ssyncadd.tile.s32 @!p0 $0x1;
	_ =	shalt  }
.Lfunc_end1:
_tile_overlayer_lowered:
.L_overlay_start_2:
0x80: {  	(tag) =	ssettag $0x2  }
0x81: {  	s0 =	rddreg [dreg:$0x0];
	s2 =	stileid.u32  }
0x82: {  	s1 =	rddreg [dreg:$0x1];
	p0 =	sne.s32 s2, $0x0  }
0x83: {  	s3 =	rddreg [dreg:$0x2];
	[bflag:$0x3] =	sbarrier.arrive $0xFFFF;
	s2 =	simm.s32 @!p0 $0x1C01  }
0x84: {  	[timem:s3], [sflag:s2] =	dma.local @!p0 [hbm:s0], s1  }
0x85: {  	s0 =	simm.s32 @!p0 $0x1  }
0x86: {  	_ =	swait.ge @!p0 [sflag:s0], s1  }
0x87: {  	s1 =	ssub.s32 @!p0 $0x0, s1;
	[sflag:s0] =	ssyncset.done @!p0 $0x0  }
0x88: {  	[sflag:s0] =	ssyncadd.s32 @!p0 s1  }
0x89: {  	[bflag:$0x3] =	sbarrier.arrive $0xFFFF  }
0x8a: {  	_ =	shalt  }

// kernel: sparse-core-data-format-call.cloned.1.call-start
scs
called_computation_lowered:
.L_overlay_start_0:
0x0: {  	s2 =	sld [smem:$0x3FD9]  }
0x1: {  	s3 =	sld [smem:$0x3FFE];
	_ =	sdelay $0x1  }
0x2: {  	s1 =	srdreg.scid  }
0x3: {  	s0 =	sand.u32 $0x1, s1  }
0x4: {  	s18 =	sshll.u32 s0, $0xA;
	s2 =	sadd.s32 s3, s2  }
0x5: {  	s2 =	sadd.s32 s2, s18  }
0x6: {  	[smem:$0x3FC6] =	sst s2  }
0x7: {  	_ = 	snop  }
0x8: {  	s2 =	sld [smem:$0x3FD0];
	(tm) =	ssettm $0x1  }
0x9: {  	s19 =	sld [smem:$0x3FFB];
	_ =	sdelay $0x3  }
0xa: {  	_ =	strace s19  }
0xb: {  	s3 =	sld [smem:$0x3FFC];
	_ =	sdelay $0x3  }
0xc: {  	_ =	strace s3  }
0xd: {  	s3 =	sld [smem:$0x3FFD];
	_ =	sdelay $0x3  }
0xe: {  	_ =	strace s3  }
0xf: {  	_ =	strace $0x8FFFFFFF  }
0x10: {  	s20 =	sld [smem:$0x3FDB];
	_ =	sdelay $0x1  }
0x11: {  	s4 =	simm.s32 $_scs_section_size  }
0x12: {  	s5 =	simm.s32 $_size__tile_overlayer_lowered;
	s6 =	simm.s32 $_tile_overlayer_lowered  }
0x13: {  	s23 =	simm.s32 $0x1BFF;
	s22 =	sshll.u32 s6, $0x1;
	s3 =	sadd.s32 s4, s20  }
0x14: {  	s7 =	simm.s32 $0x0;
	s21 =	sshll.u32 s5, $0x1;
	s5 =	sadd.s32 s22, s3  }
0x15: {  	[timem:s7], [sflag:s23] =	dma.local [hbm:s5], s21  }
0x16: {  	_ =	swait.ge [sflag:s23], s21  }
0x17: {  	s4 =	ssub.s32 $0x0, s21;
	[sflag:s23] =	ssyncset.done $0x0  }
0x18: {  	[sflag:s23] =	ssyncadd.s32 s4;
	_ =	sdelay $0x1  }
0x19: {  	s24 =	simm.s32 $0x1B8B  }
0x1a: {  	_ =	swait.ge [sflag:s24], $0x1  }
0x1b: {  	[sflag:s24] =	ssyncset.done $0x0  }
0x1c: {  	s26 =	simm.s32 $0x1B8E;
	s25 =	sld [smem:$0x3FFE];
	[sflag:s24] =	ssyncadd.s32 $0xFFFFFFFF  }
0x1d: {  	s27 =	simm.s32 $execute0_lowered;
	[smem:$0x3FD2] =	sst s26  }
0x1e: {  	s5 =	sshll.u32 s27, $0x1;
	_ =	strace $0x80000049;
	[dreg:$0x1] =	wrdreg $0xFFFFFFFF  }
0x1f: {  	s28 =	simm.s32 $_size_execute0_lowered;
	s3 =	sadd.s32 s3, s5;
	[dreg:$0x0] =	wrdreg $0x0  }
0x20: {  	s5 =	sshll.u32 s28, $0x1;
	[dreg:$0x2] =	wrdreg s3  }
0x21: {  	[dreg:$0x3] =	wrdreg s5  }
0x22: {  	[dreg:$0x4] =	wrdreg $0xC0  }
0x23: {  	_ =	task [dreg:s7], $0x5FFFF  }
0x24: {  	[dreg:$0x1] =	wrdreg $0xFFFFFFFF  }
0x25: {  	[dreg:$0x0] =	wrdreg $0x60  }
0x26: {  	[dreg:$0x2] =	wrdreg s25  }
0x27: {  	[dreg:$0x3] =	wrdreg s2  }
0x28: {  	[dreg:$0x4] =	wrdreg $0x9  }
0x29: {  	_ =	task.clear_ibuf [dreg:s7], $0x5FFFF;
	_ =	strace $0x90000049  }
0x2a: {  	s29 =	simm.s32 $0x9;
	_ =	strace $0x8000004B  }
0x2b: {  	_ =	swait.ge [sflag:s29], $0x1  }
0x2c: {  	[sflag:s29] =	ssyncadd.s32 $0xFFFFFFFF  }
0x2d: {  	_ =	strace $0x9000004B  }
0x2e: {  	_ =	sfence  }
0x2f: {  	s30 =	sld [smem:$0x0];
	_ =	sdelay $0x2  }
0x30: {  	s31 =	sshll.u32 s1, $0xD;
	s1 =	sshrl.u32 s1, $0x2  }
0x31: {  	s3 =	sand.u32 $0x4000, s31;
	s1 =	sadd.s32 s1, s30  }
0x32: {  	s0 =	sor.u32 s3, s0;
	s1 =	sshll.u32 s1, $0x11  }
0x33: {  	s0 =	sor.u32 s1, s0  }
0x34: {  	s0 =	sadd.s32 $0x8F2B, s0  }
0x35: {  	[sflag:s0] =	ssyncadd.remote.s32 $0x1  }
0x36: {  	_ =	sfence.sel $0xFFFF  }
0x37: {  	[dreg:$0x0] =	wrdreg $0xFFFFFFFF;
	(pc) =	sbr.abs _section_cstart, $3  }
0x38: {  	[dreg:$0x1] =	wrdreg $0xFFFFFFFF  }
0x39: {  	_ =	task.clear_ibuf [dreg:s7], $0x2FFFF;
	_ =	strace $0x9FFFFFFF  }
0x3a: {  	(tm) =	ssettm $0x7FFFFFFF  }
0x3b: {  	_ =	shalt  }
tec
execute0_lowered:
.L_overlay_start_1:
0x0: {  	(tag) =	ssettag $0x1  }
0x1: {  	s0 =	stileid.u32  }
0x2: {  	s1 =	srdreg.scid;
	s8 =	rddreg [dreg:$0x0]  }
0x3: {  	s9 =	simm.s32 $0x2;
	s20 =	simm.s32 $0x0;
	s10 =	simm.s32 $0x5DC00  }
0x4: {  	s11 =	simm.s32 $0x0;
	s1 =	sshll.u32 s1, $0x4;
	s2 =	sshll.u32 s0, $0x1  }
0x5: {  	s18 =	simm.s32 $0x0;
	s3 =	sand.u32 $0x10, s1;
	s1 =	sand.u32 $0x2, s2  }
0x6: {  	s19 =	simm.s32 $0x0;
	s30 =	sor.u32 s0, s3;
	s4 =	ssub.s32 $0x4, s1  }
0x7: {  	s22 =	simm.s32 $0x0;
	s3 =	sshrl.u32 s30, $0x1;
	s31 =	sshrl.u32 s4, $0x1  }
0x8: {  	s5 =	sshrl.u32 s4, $0x2;
	s2 =	sand.u32 $0x1, s31;
	s6 =	ssub.s32 $0x28, s3  }
0x9: {  	s21 =	simm.s32 $0x0;
	s5 =	sadd.s32 s5, s2;
	s6 =	sshrl.u32 s6, $0x4  }
0xa: {  	s12 =	simm.s32 $0x0;
	s13 =	simm.s32 $0x0;
	s6 =	smul.u32 s6, s5  }
.Ltmp0:
0xb: {  	s16 =	simm.s32 $0x0;
	s4 =	rddreg [dreg:$0x1];
	(pc) =	sbr.rel .LBB1_1-.Ltmp0, $4  }
0xc: {  	s17 =	simm.s32 $0x0;
	s7 =	sadd.s32 $0x131400, s8;
	s2 =	rddreg [dreg:$0x2]  }
0xd: {  	_ =	strace $0x8000004A;
	s5 =	simm.s32 $0x1;
	s6 =	smul.u32 $0x1E, s6  }
0xe: {  	s8 =	sadd.s32 $0x144000, s8;
	s15 =	smov.u32 s1;
	[sflag:s5] =	ssyncpa.u1 $0x0  }
0xf: {  	s14 =	smov.u32 s3;
	[sflag:s9] =	ssyncpa.u1 $0x0;
	s9 =	sor.u32 $0x1, s6  }
.LBB1_7:
0x10: {  	s23 =	sadd.s32 $0x80, s12  }
0x11: {  	s18 =	sadd.s32 $0x40, s13;
	s24 =	smov.u32 s13;
	p1 =	sgt.s32 s23, $0x12B  }
0x12: {  	s24 =	smov.u32 @p1 s18  }
0x13: {  	s25 =	smov.u32 s14;
	s18 =	sadd.s32 $0x10, s14;
	p2 =	sgt.s32 s24, $0x3F  }
0x14: {  	s25 =	smov.u32 @p2 s18  }
0x15: {  	s26 =	smov.u32 s15;
	s18 =	sadd.s32 $0x4, s15;
	p3 =	sgt.s32 s25, $0x18  }
0x16: {  	s26 =	smov.u32 @p3 s18  }
0x17: {  	s23 =	simm.s32 @p1 $0x0;
	s18 =	simm.s32 $0x1;
	p1 =	sgt.s32 s26, $0x3  }
0x18: {  	p0 =	slt.u32 s17, $0x2;
	s18 =	simm.s32 @!p1 $0x0  }
0x19: {  	s20 =	smov.u32 s12;
	s19 =	smov.u32 s14;
	s28 =	sadd.s32 s18, s16  }
0x1a: {  	s22 =	smov.u32 s15;
	s26 =	smov.u32 @p1 s1;
	p1 =	sgt.s32 s28, $0x9  }
0x1b: {  	s27 =	simm.s32 @!p0 $0x2;
	s28 =	simm.s32 @p1 $0x0;
	p1 =	sne.s32 s17, s9  }
.Ltmp1:
0x1c: {  	s21 =	smov.u32 s16;
	_ =	swait.ge @!p0 [sflag:s27], $0x4000;
	(pc) =	sbr.rel @!p1 .LBB1_8-.Ltmp1, $4  }
0x1d: {  	s11 =	sadd.s32 $0x4000, s11;
	[sflag:s27] =	ssyncset.done @!p0 $0x0;
	s12 =	smov.u32 s23  }
0x1e: {  	s24 =	simm.s32 @p2 $0x0;
	[sflag:s27] =	ssyncadd.s32 @!p0 $0xFFFFC000;
	s25 =	smov.u32 @p3 s3  }
0x1f: {  	s14 =	smov.u32 s25;
	s18 =	smov.u32 s13;
	s13 =	smov.u32 s24  }
0x20: {  	s15 =	smov.u32 s26;
	s17 =	sadd.s32 $0x1, s17;
	s16 =	smov.u32 s28  }
.LBB1_1:
0x21: {  	p0 =	sge.u32 s17, s6  }
0x22: {  	s23 =	sshrl.u32 @!p0 s13, $0x3  }
0x23: {  	s24 =	sshll.u32 @!p0 s12, $0x3;
	s23 =	smul.u32 @!p0 $0xC00, s23  }
0x24: {  	s25 =	sshll.u32 @!p0 s13, $0x7;
	s24 =	sand.u32 @!p0 $0xFFFFFC00, s24  }
0x25: {  	s23 =	sadd.s32 @!p0 s23, s24;
	s24 =	sand.u32 @!p0 $0x380, s25  }
0x26: {  	s27 =	smul.u32 @!p0 $0x4B000, s16;
	s25 =	sand.u32 @!p0 $0x7F, s12;
	s23 =	sor.u32 @!p0 s24, s23  }
0x27: {  	s28 =	smul.u32 @!p0 $0x12C00, s15;
	s24 =	sor.u32 @!p0 s25, s23  }
0x28: {  	s25 =	smulhi.u32 @!p0 $0xAAAAAAAB, s24  }
0x29: {  	s23 =	smulhi.u32 @!p0 $0xAAAAAAAB, s23  }
0x2a: {  	s29 =	smul.u32 @!p0 $0xC00, s14;
	s25 =	sshrl.u32 @!p0 s25, $0x8  }
0x2b: {  	s26 =	sxor.u32 @!p0 $0xFFFFFFFF, s17;
	s23 =	sshrl.u32 @!p0 s23, $0x8;
	s25 =	smul.u32 @!p0 $0x180, s25  }
0x2c: {  	s31 =	simm.s32 @!p0 $0xC00;
	s30 =	sadd.s32 @!p0 s7, s27;
	s23 =	sand.u32 @!p0 $0x3F, s23  }
0x2d: {  	s23 =	smul.u32 @!p0 $0x30, s23;
	s24 =	ssub.s32 @!p0 s24, s25;
	s25 =	sadd.s32 @!p0 s28, s30  }
0x2e: {  	s26 =	sshll.u32 @!p0 s26, $0xE;
	s25 =	sadd.s32 @!p0 s29, s25;
	s30 =	sand.u32 @!p0 $0x7, s24  }
0x2f: {  	s24 =	sshrl.u32 @!p0 s24, $0x3;
	s25 =	sadd.s32 @!p0 s23, s25;
	s30 =	sshll.u32 @!p0 s30, $0x12  }
0x30: {  	s26 =	sand.u32 @!p0 $0x4000, s26;
	s25 =	sadd.s32 @!p0 s24, s25;
	s30 =	sor.u32 @!p0 $0x400, s30  }
0x31: {  	[tilespmem:s26], [sflag:$0x1] =	stream.strided.gather @!p0 [hbm4b:s25+s30], $0x2000, s31, s30, $0x38;
	[tilespmem:$0x10000] =	vst v63  }
0x32: {  	s25 =	sadd.s32 @!p0 s27, s8  }
0x33: {  	s25 =	sadd.s32 @!p0 s28, s25  }
0x34: {  	s25 =	sadd.s32 @!p0 s29, s25  }
0x35: {  	s23 =	sadd.s32 @!p0 s23, s25  }
0x36: {  	s23 =	sadd.s32 @!p0 s24, s23;
	s24 =	sor.u32 @!p0 $0x2000, s26  }
0x37: {  	[tilespmem:s24], [sflag:$0x1] =	stream.strided.gather @!p0 [hbm4b:s23+s30], $0x2000, s31, s30, $0x38;
	[tilespmem:$0x10000] =	vst v63  }
0x38: {  	s31 =	sadd.s32 $0xFFFFFFFF, s17  }
0x39: {  	p0 =	sge.u32 s31, s6  }
.Ltmp2:
0x3a: {  	_ = 	snop;
	(pc) =	sbr.rel @p0 .LBB1_7-.Ltmp2, $1  }
0x3b: {  	_ =	sdelay $0x3  }
0x3c: {  	s23 =	sshll.u32 s11, $0x2  }
0x3d: {  	_ =	swait.ge [sflag:s5], $0x4000;
	s24 =	sshll.u32 s17, $0xE;
	s26 =	simm.s32 $0x0  }
0x3e: {  	p1 =	por $0x1, $0x1;
	s23 =	sand.u32 $0x10000, s23;
	[sflag:s5] =	ssyncset.done $0x0  }
0x3f: {  	s24 =	sand.u32 $0x4000, s24;
	s25 =	sshrl.u32 s23, $0x2;
	[sflag:s5] =	ssyncadd.s32 $0xFFFFC000  }
0x40: {  	s23 =	sor.u32 $0x8000, s24;
	s24 =	sadd.s32 $0x8040, s25;
	s25 =	sadd.s32 $0x40, s25  }
.LBB1_3:
0x41: {  	s27 =	sshll.u32 s26, $0xD  }
0x42: {  	s27 =	sand.u32 $0x3FFFE000, s27  }
0x43: {  	s27 =	sadd.s32 s27, s25  }
0x44: {  	v0 =	vmov s27;
	_ =	sdelay $0x3  }
0x45: {  	s29 =	simm.s32 $0x0  }
0x46: {  	v6 =	vld.idx.msk [tilespmem:v0+s29+$0x30 ss:$0x1], $0xffff  }
0x47: {  	v7 =	vld.idx.msk [tilespmem:v0+s29+$0xFFFFFFC0 ss:$0x1], $0xffff  }
0x48: {  	v1 =	vld.idx.msk [tilespmem:v0+s29+$0xFFFFFFD0 ss:$0x1], $0xffff  }
0x49: {  	s31 =	sshll.u32 s26, $0x7;
	v2 =	vld.idx.msk [tilespmem:v0+s29+$0xFFFFFFE0 ss:$0x1], $0xffff  }
0x4a: {  	s26 =	sand.u32 $0x3FFFFF80, s31;
	v3 =	vld.idx.msk [tilespmem:v0+s29+$0xFFFFFFF0 ss:$0x1], $0xffff  }
0x4b: {  	s26 =	sadd.s32 s26, s24;
	v4 =	vld.idx.msk [tilespmem:v0+s29+$0x0 ss:$0x1], $0xffff  }
0x4c: {  	v5 =	vld.idx.msk [tilespmem:v0+s29+$0x10 ss:$0x1], $0xffff;
	[tilespmem:s26+$0x30] =	vst v6  }
0x4d: {  	p0 =	por p1, p1;
	s28 =	simm.s32 $0x400;
	s27 =	simm.s32 $0x80;
	[tilespmem:s26+$0xFFFFFFC0] =	vst v7;
	v6 =	vld.idx.msk [tilespmem:v0+s29+$0x20 ss:$0x1], $0xffff  }
.LBB1_4:
0x4e: {  	p1 =	sne.s32 s28, $0x7E00;
	v7 =	vld.idx.msk [tilespmem:v0+s27+$0x30 ss:$0x1], $0xffff;
	[tilespmem:s26+$0xFFFFFFD0] =	vst v1  }
0x4f: {  	v8 =	vld.idx.msk [tilespmem:v0+s27+$0xFFFFFFC0 ss:$0x1], $0xffff;
	[tilespmem:s26+$0xFFFFFFE0] =	vst v2  }
0x50: {  	v1 =	vld.idx.msk [tilespmem:v0+s27+$0xFFFFFFD0 ss:$0x1], $0xffff;
	[tilespmem:s26+$0xFFFFFFF0] =	vst v3  }
.Ltmp3:
0x51: {  	v2 =	vld.idx.msk [tilespmem:v0+s27+$0xFFFFFFE0 ss:$0x1], $0xffff;
	[tilespmem:s26+$0x0] =	vst v4;
	(pc) =	sbr.rel @p1 .LBB1_4-.Ltmp3, $4  }
0x52: {  	v3 =	vld.idx.msk [tilespmem:v0+s27+$0xFFFFFFF0 ss:$0x1], $0xffff;
	[tilespmem:s26+$0x10] =	vst v5  }
0x53: {  	v4 =	vld.idx.msk [tilespmem:v0+s27+$0x0 ss:$0x1], $0xffff;
	[tilespmem:s26+$0x20] =	vst v6;
	s26 =	sadd.s32 $0x100, s26  }
0x54: {  	v5 =	vld.idx.msk [tilespmem:v0+s27+$0x10 ss:$0x1], $0xffff;
	[tilespmem:s26+$0x30] =	vst v7  }
0x55: {  	[tilespmem:s26+$0xFFFFFFC0] =	vst v8;
	v6 =	vld.idx.msk [tilespmem:v0+s27+$0x20 ss:$0x1], $0xffff;
	s27 =	sshra.s32 s28, $0x2;
	s28 =	sadd.s32 $0x200, s28  }
0x56: {  	_ =	sdelay $0x2  }
0x57: {  	[tilespmem:s26+$0xFFFFFFD0] =	vst v1  }
0x58: {  	v56 =	vld.idx.msk [tilespmem:v0+s27+$0x30 ss:$0x1], $0xffff;
	[tilespmem:s26+$0xFFFFFFE0] =	vst v2  }
0x59: {  	v57 =	vld.idx.msk [tilespmem:v0+s27+$0xFFFFFFC0 ss:$0x1], $0xffff;
	[tilespmem:s26+$0xFFFFFFF0] =	vst v3  }
0x5a: {  	v58 =	vld.idx.msk [tilespmem:v0+s27+$0xFFFFFFD0 ss:$0x1], $0xffff;
	[tilespmem:s26+$0x0] =	vst v4  }
0x5b: {  	v59 =	vld.idx.msk [tilespmem:v0+s27+$0xFFFFFFE0 ss:$0x1], $0xffff;
	[tilespmem:s26+$0x10] =	vst v5  }
0x5c: {  	v60 =	vld.idx.msk [tilespmem:v0+s27+$0xFFFFFFF0 ss:$0x1], $0xffff;
	s31 =	sadd.s32 $0x100, s26;
	[tilespmem:s26+$0x20] =	vst v6  }
0x5d: {  	v61 =	vld.idx.msk [tilespmem:v0+s27+$0x0 ss:$0x1], $0xffff;
	[tilespmem:s31+$0x30] =	vst v56  }
0x5e: {  	v62 =	vld.idx.msk [tilespmem:v0+s27+$0x10 ss:$0x1], $0xffff;
	[tilespmem:s31+$0xFFFFFFC0] =	vst v57  }
0x5f: {  	v63 =	vld.idx.msk [tilespmem:v0+s27+$0x20 ss:$0x1], $0xffff;
	[tilespmem:s31+$0xFFFFFFD0] =	vst v58  }
.Ltmp4:
0x60: {  	[tilespmem:s31+$0xFFFFFFE0] =	vst v59;
	(pc) =	sbr.rel @p0 .LBB1_3-.Ltmp4, $4  }
0x61: {  	[tilespmem:s31+$0xFFFFFFF0] =	vst v60  }
0x62: {  	[tilespmem:s31+$0x0] =	vst v61  }
0x63: {  	[tilespmem:s31+$0x10] =	vst v62  }
0x64: {  	p1 =	por $0x0, $0x0;
	s26 =	simm.s32 $0x1;
	[tilespmem:s31+$0x20] =	vst v63  }
0x65: {  	s24 =	sshrl.u32 s22, $0x2  }
0x66: {  	s25 =	sshll.u32 s20, $0x2;
	s24 =	smul.u32 $0x600, s24  }
0x67: {  	s28 =	sshll.u32 s22, $0x7;
	s25 =	sand.u32 $0xFFFFFE00, s25  }
0x68: {  	s22 =	sand.u32 $0x180, s28;
	s24 =	sadd.s32 s24, s25  }
0x69: {  	s29 =	sand.u32 $0x7F, s20;
	s21 =	smul.u32 $0xC0, s21;
	s22 =	sor.u32 s22, s24  }
0x6a: {  	s20 =	sor.u32 s29, s22;
	s22 =	smulhi.u32 $0xAAAAAAAB, s22  }
0x6b: {  	s30 =	smulhi.u32 $0xAAAAAAAB, s20  }
0x6c: {  	s19 =	smul.u32 $0x780, s19  }
0x6d: {  	s18 =	smul.u32 $0xBB80, s18;
	s22 =	sshrl.u32 s22, $0x8;
	s24 =	sshrl.u32 s30, $0x8  }
0x6e: {  	s22 =	sand.u32 $0x3, s22;
	s24 =	smul.u32 $0x180, s24  }
0x6f: {  	s21 =	sadd.s32 s4, s21;
	s22 =	smul.u32 $0x30, s22  }
.Ltmp5:
0x70: {  	s19 =	sadd.s32 s19, s21;
	s20 =	ssub.s32 s20, s24;
	(pc) =	sbr.rel .LBB1_7-.Ltmp5, $4  }
0x71: {  	s18 =	sadd.s32 s18, s19;
	s31 =	sand.u32 $0x7, s20  }
0x72: {  	s18 =	sadd.s32 s22, s18;
	s20 =	sshrl.u32 s20, $0x3;
	s19 =	sshll.u32 s31, $0x12  }
0x73: {  	s18 =	sadd.s32 s20, s18;
	s19 =	sor.u32 $0x100, s19  }
0x74: {  	[hbm4b:s18+s19] =	stream.strided.scatter [tilespmem:s23], [sflag:$0x2], $0x4000, s10, s19, $0x38;
	[tilespmem:$0x10000] =	vst v63  }
.LBB1_8:
0x75: {  	_ =	sfence.sel $0x180000  }
0x76: {  	s1 =	simm.s32 $0x1;
	[bflag:$0x0] =	sbarrier.arrive $0xFFFF  }
0x77: {  	s31 =	simm.s32 $0x2;
	[sflag:s1] =	ssyncpa.u1 $0x1  }
0x78: {  	[sflag:s31] =	ssyncpa.u1 $0x1  }
0x79: {  	p0 =	sne.s32 s0, $0x0;
	_ =	strace $0x9000004A  }
0x7a: {  	s0 =	sadd.s32 @!p0 $0x100000, s2;
	[bflag:$0x2] =	sbarrier.arrive $0xFFFF  }
0x7b: {  	[sflag:s0] =	ssyncadd.tile.s32 @!p0 $0x1;
	_ =	shalt  }
.Lfunc_end1:
_tile_overlayer_lowered:
.L_overlay_start_2:
0x7c: {  	(tag) =	ssettag $0x2  }
0x7d: {  	s0 =	rddreg [dreg:$0x0];
	s2 =	stileid.u32  }
0x7e: {  	s1 =	rddreg [dreg:$0x1];
	p0 =	sne.s32 s2, $0x0  }
0x7f: {  	s3 =	rddreg [dreg:$0x2];
	[bflag:$0x3] =	sbarrier.arrive $0xFFFF;
	s2 =	simm.s32 @!p0 $0x1C01  }
0x80: {  	[timem:s3], [sflag:s2] =	dma.local @!p0 [hbm:s0], s1  }
0x81: {  	s0 =	simm.s32 @!p0 $0x1  }
0x82: {  	_ =	swait.ge @!p0 [sflag:s0], s1  }
0x83: {  	s1 =	ssub.s32 @!p0 $0x0, s1;
	[sflag:s0] =	ssyncset.done @!p0 $0x0  }
0x84: {  	[sflag:s0] =	ssyncadd.s32 @!p0 s1  }
0x85: {  	[bflag:$0x3] =	sbarrier.arrive $0xFFFF  }
0x86: {  	_ =	shalt  }

</sc_bundles>
